<compile_context>
chip_gen: v7x
topology: tpu7x:2x2x1
jax: 0.10.2.dev20260603
libtpu: 0.0.44.dev20260713+nightly
codegen_flags: <defaults>
</compile_context>

<pallas_src>
import functools

import jax
import jax.numpy as jnp
from jax import lax
from jax.experimental import pallas as pl
from jax.experimental.pallas import tpu as pltpu
from jax.experimental.pallas import tpu_sc as plsc

NC = 2
NS = 16
LANES = 16


@functools.lru_cache(maxsize=None)
def _make_pool_kernel(B, L, E):
    NW = NC * NS
    RPW = B // NW
    C1 = min(L, 128)
    C2 = L - C1
    NCH = E // LANES
    UNR = 8

    mesh = plsc.VectorSubcoreMesh(core_axis_name="c", subcore_axis_name="s")

    @functools.partial(
        pl.kernel,
        mesh=mesh,
        out_type=jax.ShapeDtypeStruct((B, E), jnp.float32),
        scratch_types=[
            pltpu.VMEM((RPW, L), jnp.int32),
            pltpu.VMEM((L, E), jnp.float32),
            pltpu.VMEM((L, E), jnp.float32),
            pltpu.VMEM((L, E), jnp.float32),
            pltpu.VMEM((RPW, E), jnp.float32),
            pltpu.SemaphoreType.DMA,
            pltpu.SemaphoreType.DMA,
            pltpu.SemaphoreType.DMA,
        ],
    )
    def pool(emb_hbm, ng_hbm, out_hbm, idx_v, buf0, buf1, buf2, out_v,
             sem0, sem1, sem2):
        cid = lax.axis_index("c")
        sid = lax.axis_index("s")
        wid = sid * NC + cid
        base = wid * RPW
        pltpu.sync_copy(ng_hbm.at[pl.ds(base, RPW)], idx_v)

        def fire(b, buf, sem):
            pltpu.async_copy(emb_hbm.at[idx_v.at[b, pl.ds(0, C1)]],
                             buf.at[pl.ds(0, C1)], sem)
            if C2:
                pltpu.async_copy(emb_hbm.at[idx_v.at[b, pl.ds(C1, C2)]],
                                 buf.at[pl.ds(C1, C2)], sem)

        def wait_gather(buf, sem):
            pltpu.make_async_copy(emb_hbm.at[pl.ds(0, L)], buf, sem).wait()

        def reduce_into(buf, row):
            def body(r, accs):
                rr = UNR * r
                for k in range(UNR):
                    accs = tuple(
                        accs[c] + buf[rr + k, pl.ds(c * LANES, LANES)]
                        for c in range(NCH))
                return accs

            init = tuple(jnp.zeros((LANES,), jnp.float32) for _ in range(NCH))
            accs = lax.fori_loop(0, L // UNR, body, init)
            for k in range(L % UNR):
                accs = tuple(
                    accs[c] + buf[L - (L % UNR) + k,
                                  pl.ds(c * LANES, LANES)]
                    for c in range(NCH))
            for c in range(NCH):
                out_v[row, pl.ds(c * LANES, LANES)] = accs[c]

        NTRI = (RPW - 2) // 3
        assert RPW == 3 * NTRI + 2
        fire(0, buf0, sem0)
        fire(1, buf1, sem1)

        def tri(p, carry):
            r = 3 * p
            fire(r + 2, buf2, sem2)
            wait_gather(buf0, sem0)
            reduce_into(buf0, r)
            fire(r + 3, buf0, sem0)
            wait_gather(buf1, sem1)
            reduce_into(buf1, r + 1)
            fire(r + 4, buf1, sem1)
            wait_gather(buf2, sem2)
            reduce_into(buf2, r + 2)
            return carry

        lax.fori_loop(0, NTRI, tri, 0)
        wait_gather(buf0, sem0)
        reduce_into(buf0, RPW - 2)
        wait_gather(buf1, sem1)
        reduce_into(buf1, RPW - 1)
        pltpu.sync_copy(out_v, out_hbm.at[pl.ds(base, RPW)])

    return pool


def _mlp_body(nvalid, x_ref, w1_ref, b1_ref, w2_ref, b2_ref, w3_ref,
              b3_ref, tgt_ref, out_ref, loss_ref):
    i = pl.program_id(0)
    x = x_ref[...]
    h1 = jnp.maximum(
        jnp.dot(x, w1_ref[...], preferred_element_type=jnp.float32)
        + b1_ref[...], 0.0)
    h2 = jnp.maximum(
        jnp.dot(h1, w2_ref[...], preferred_element_type=jnp.float32)
        + b2_ref[...], 0.0)
    logits = (jnp.dot(h2, w3_ref[...], preferred_element_type=jnp.float32)
              + b3_ref[...])
    m1 = jnp.max(logits, axis=1, keepdims=True)
    lse1 = jnp.log(jnp.sum(jnp.exp(logits - m1), axis=1, keepdims=True)) + m1
    outs = logits - lse1
    out_ref[...] = outs
    logp = outs
    cols = lax.broadcasted_iota(jnp.int32, logp.shape, 1)
    sel = jnp.where(cols == tgt_ref[...], logp, 0.0)
    nll_sum = -jnp.sum(sel)

    @pl.when(i == 0)
    def _():
        loss_ref[...] = jnp.zeros((1, 1), jnp.float32)

    loss_ref[...] += (nll_sum * (1.0 / nvalid)).reshape(1, 1)


def _mlp_tc(pooled, W1, b1, W2, b2, W3, b3, target, nvalid):
    B, E = pooled.shape
    H1 = W1.shape[1]
    H2 = W2.shape[1]
    NCLS_ = W3.shape[1]
    PAD = 128
    BLK = min(B, 4096)

    W2p = jnp.pad(W2, ((0, 0), (0, PAD - H2)))
    b2p = jnp.pad(b2, (0, PAD - H2)).reshape(1, PAD)
    W3p = jnp.pad(W3, ((0, PAD - H2), (0, PAD - NCLS_)))
    b3p = jnp.pad(b3, (0, PAD - NCLS_),
                  constant_values=-1e30).reshape(1, PAD)
    b1r = b1.reshape(1, H1)
    tgt2 = target.astype(jnp.int32).reshape(B, 1)

    grid = (B // BLK,)
    out_p, loss = pl.pallas_call(
        functools.partial(_mlp_body, float(nvalid)),
        grid=grid,
        in_specs=[
            pl.BlockSpec((BLK, E), lambda i: (i, 0)),
            pl.BlockSpec((E, H1), lambda i: (0, 0)),
            pl.BlockSpec((1, H1), lambda i: (0, 0)),
            pl.BlockSpec((H1, PAD), lambda i: (0, 0)),
            pl.BlockSpec((1, PAD), lambda i: (0, 0)),
            pl.BlockSpec((PAD, PAD), lambda i: (0, 0)),
            pl.BlockSpec((1, PAD), lambda i: (0, 0)),
            pl.BlockSpec((BLK, 1), lambda i: (i, 0)),
        ],
        out_specs=[
            pl.BlockSpec((BLK, PAD), lambda i: (i, 0)),
            pl.BlockSpec((1, 1), lambda i: (0, 0)),
        ],
        out_shape=[
            jax.ShapeDtypeStruct((B, PAD), jnp.float32),
            jax.ShapeDtypeStruct((1, 1), jnp.float32),
        ],
    )(pooled, W1, b1r, W2p, b2p, W3p, b3p, tgt2)
    return out_p[:, :NCLS_], loss[0, 0]


def kernel(ngrams, num_ngram, target, emb, W1, b1, W2, b2, W3, b3):
    del num_ngram
    ngrams = ngrams.astype(jnp.int32)
    B, L = ngrams.shape
    V, E = emb.shape
    pooled = _make_pool_kernel(B, L, E)(emb, ngrams)
    outputs, loss = _mlp_tc(pooled, W1, b1, W2, b2, W3, b3, target, B)
    return (outputs, loss, target)

# --- scband reference (transcript-rebuilt; emitter-appended) ---
"""Pipeline reference for scband-ngram-model-51797305589870 (READ-ONLY COPY).

The authoritative reference and input builder live on the scoring server;
editing this copy changes nothing except your own understanding.
"""

import jax, jax.numpy as jnp
import numpy as np

VOCAB = 1000000
EMBED = 128
H1 = 128
H2 = 32
NCLS = 11
B = 4096
L = 200


def setup_inputs(seed: int = 0) -> dict:
    key = jax.random.key(seed)
    ks = jax.random.split(key, 12)
    ngrams = jax.random.randint(ks[0], (B, L), 0, VOCAB, dtype=jnp.int64) if jax.config.jax_enable_x64 else jax.random.randint(ks[0], (B, L), 0, VOCAB, dtype=jnp.int32)
    num_ngram = jax.random.randint(ks[1], (B,), 0, L, dtype=jnp.int32)
    target = jax.random.randint(ks[2], (B,), 0, NCLS, dtype=jnp.int32)
    emb = jax.random.normal(ks[3], (VOCAB, EMBED), dtype=jnp.float32)
    W1 = jax.random.normal(ks[4], (EMBED, H1), dtype=jnp.float32) * (1.0 / np.sqrt(EMBED))
    b1 = jnp.zeros((H1,), dtype=jnp.float32)
    W2 = jax.random.normal(ks[5], (H1, H2), dtype=jnp.float32) * (1.0 / np.sqrt(H1))
    b2 = jnp.zeros((H2,), dtype=jnp.float32)
    W3 = jax.random.normal(ks[6], (H2, NCLS), dtype=jnp.float32) * (1.0 / np.sqrt(H2))
    b3 = jnp.zeros((NCLS,), dtype=jnp.float32)
    return {"ngrams": ngrams, "num_ngram": num_ngram, "target": target,
            "emb": emb, "W1": W1, "b1": b1, "W2": W2, "b2": b2, "W3": W3, "b3": b3}


def reference(ngrams, num_ngram, target, emb, W1, b1, W2, b2, W3, b3):
    # embedding lookup + sum over ngram axis (dropout is identity in eval mode)
    hidden = jnp.take(emb, ngrams, axis=0)        # [B, L, EMBED]
    hidden = jnp.sum(hidden, axis=1)              # [B, EMBED]
    hidden = jax.nn.relu(hidden @ W1 + b1)
    hidden = jax.nn.relu(hidden @ W2 + b2)
    hidden = hidden @ W3 + b3                     # [B, 11]
    outputs = jax.nn.log_softmax(hidden, axis=-1)
    # CrossEntropyLoss applied on top of log-softmax outputs (faithful to original)
    logp = jax.nn.log_softmax(outputs, axis=-1)
    nll = -jnp.take_along_axis(logp, target[:, None].astype(jnp.int32), axis=1)[:, 0]
    loss = jnp.mean(nll)
    return (outputs, loss, target)

if __name__ == "__main__":
    import jax
    _d = setup_inputs()
    print(jax.jit(kernel)(*tuple(_d.values())))

</pallas_src>

<mosaic_0001>
#map = affine_map<(d0, d1) -> (0, 0)>
module attributes {stable_mosaic.version = 14 : i64} {
  func.func @pool(%arg0: i32, %arg1: i32, %arg2: memref<1000000x128xf32, #tpu.memory_space<hbm>>, %arg3: memref<4096x200xi32, #tpu.memory_space<hbm>>, %arg4: memref<4096x128xf32, #tpu.memory_space<hbm>>, %arg5: memref<128x200xi32, #tpu.memory_space<vmem>>, %arg6: memref<200x128xf32, #tpu.memory_space<vmem>>, %arg7: memref<200x128xf32, #tpu.memory_space<vmem>>, %arg8: memref<200x128xf32, #tpu.memory_space<vmem>>, %arg9: memref<128x128xf32, #tpu.memory_space<vmem>>, %arg10: memref<!tpu.dma_semaphore, #tpu.memory_space<semaphore_mem>>, %arg11: memref<!tpu.dma_semaphore, #tpu.memory_space<semaphore_mem>>, %arg12: memref<!tpu.dma_semaphore, #tpu.memory_space<semaphore_mem>>) attributes {dimension_semantics = [#tpu.dimension_semantics<core_parallel>, #tpu.dimension_semantics<subcore_parallel>], iteration_bounds = array<i64: 2, 16>, scalar_prefetch = 0 : i64, scratch_operands = 8 : i64, tpu.core_type = #tpu.core_type<sc_vector_subcore>, window_params = [{transform_indices = #map}, {transform_indices = #map}, {transform_indices = #map}]} {
    %mul3A = arith.constant 2 : i32
    %mul3A_0 = arith.muli %arg1, %mul3A : i32
    %add3A = arith.addi %mul3A_0, %arg0 : i32
    %mul3A_1 = arith.constant 128 : i32
    %mul3A_2 = arith.muli %add3A, %mul3A_1 : i32
    "tpu.region"() ({
      %run_scoped3A = tpu.sem_alloc : memref<!tpu.dma_semaphore, #tpu.memory_space<semaphore_mem>>
      %dma_start3A_196 = arith.constant 0 : i32
      %dma_start3A_197 = tpu.memref_slice %arg3[%mul3A_2, %dma_start3A_196] : memref<4096x200xi32, #tpu.memory_space<hbm>> -> memref<128x200xi32, #tpu.memory_space<hbm>>
      %dma_start3A_198 = arith.constant 0 : i32
      %dma_start3A_199 = tpu.memref_slice %arg3[%mul3A_2, %dma_start3A_198] : memref<4096x200xi32, #tpu.memory_space<hbm>> -> memref<128x200xi32, #tpu.memory_space<hbm>>
      tpu.enqueue_dma source(%dma_start3A_199 : memref<128x200xi32, #tpu.memory_space<hbm>>) target(%arg5 : memref<128x200xi32, #tpu.memory_space<vmem>>) target_semaphore(%run_scoped3A : memref<!tpu.dma_semaphore, #tpu.memory_space<semaphore_mem>>)
      %dma_wait3A_200 = arith.constant 0 : i32
      %dma_wait3A_201 = tpu.memref_slice %arg3[%mul3A_2, %dma_wait3A_200] : memref<4096x200xi32, #tpu.memory_space<hbm>> -> memref<128x200xi32, #tpu.memory_space<hbm>>
      %dma_wait3A_202 = arith.constant 0 : i32
      %dma_wait3A_203 = tpu.memref_slice %arg3[%mul3A_2, %dma_wait3A_202] : memref<4096x200xi32, #tpu.memory_space<hbm>> -> memref<128x200xi32, #tpu.memory_space<hbm>>
      tpu.wait_dma2 semaphore(%run_scoped3A : memref<!tpu.dma_semaphore, #tpu.memory_space<semaphore_mem>>) src(%dma_wait3A_203 : memref<128x200xi32, #tpu.memory_space<hbm>>) dst(%arg5 : memref<128x200xi32, #tpu.memory_space<vmem>>)
      tpu.yield
    }) : () -> ()
    %dma_start3A = arith.constant 0 : i32
    %dma_start3A_3 = arith.constant 0 : i32
    %dma_start3A_4 = arith.constant 0 : i32
    %dma_start3A_5 = tpu.memref_slice %arg6[%dma_start3A_3, %dma_start3A_4] : memref<200x128xf32, #tpu.memory_space<vmem>> -> memref<128x128xf32, #tpu.memory_space<vmem>>
    %dma_start3A_6 = arith.constant 0 : i32
    %dma_start3A_7 = tpu.memref_slice %arg5[%dma_start3A, %dma_start3A_6] : memref<128x200xi32, #tpu.memory_space<vmem>> -> memref<1x128xi32, #tpu.memory_space<vmem>>
    %dma_start3A_8 = tpu.memref_squeeze %dma_start3A_7 : memref<1x128xi32, #tpu.memory_space<vmem>> -> memref<128xi32, #tpu.memory_space<vmem>>
    %dma_start3A_9 = arith.constant 0 : i32
    %dma_start3A_10 = arith.constant 0 : i32
    %dma_start3A_11 = tpu.memref_slice %arg2[%dma_start3A_9, %dma_start3A_10] : memref<1000000x128xf32, #tpu.memory_space<hbm>> -> memref<1000000x128xf32, #tpu.memory_space<hbm>>
    tpu.enqueue_indirect_dma source(%dma_start3A_11 : memref<1000000x128xf32, #tpu.memory_space<hbm>>) target(%dma_start3A_5 : memref<128x128xf32, #tpu.memory_space<vmem>>) offsets(%dma_start3A_8 : memref<128xi32, #tpu.memory_space<vmem>>) semaphore(%arg10 : memref<!tpu.dma_semaphore, #tpu.memory_space<semaphore_mem>>)
    %dma_start3A_12 = arith.constant 0 : i32
    %dma_start3A_13 = arith.constant 128 : i32
    %dma_start3A_14 = arith.constant 0 : i32
    %dma_start3A_15 = tpu.memref_slice %arg6[%dma_start3A_13, %dma_start3A_14] : memref<200x128xf32, #tpu.memory_space<vmem>> -> memref<72x128xf32, #tpu.memory_space<vmem>>
    %dma_start3A_16 = arith.constant 128 : i32
    %dma_start3A_17 = tpu.memref_slice %arg5[%dma_start3A_12, %dma_start3A_16] : memref<128x200xi32, #tpu.memory_space<vmem>> -> memref<1x72xi32, #tpu.memory_space<vmem>>
    %dma_start3A_18 = tpu.memref_squeeze %dma_start3A_17 : memref<1x72xi32, #tpu.memory_space<vmem>> -> memref<72xi32, #tpu.memory_space<vmem>>
    %dma_start3A_19 = arith.constant 0 : i32
    %dma_start3A_20 = arith.constant 0 : i32
    %dma_start3A_21 = tpu.memref_slice %arg2[%dma_start3A_19, %dma_start3A_20] : memref<1000000x128xf32, #tpu.memory_space<hbm>> -> memref<1000000x128xf32, #tpu.memory_space<hbm>>
    tpu.enqueue_indirect_dma source(%dma_start3A_21 : memref<1000000x128xf32, #tpu.memory_space<hbm>>) target(%dma_start3A_15 : memref<72x128xf32, #tpu.memory_space<vmem>>) offsets(%dma_start3A_18 : memref<72xi32, #tpu.memory_space<vmem>>) semaphore(%arg10 : memref<!tpu.dma_semaphore, #tpu.memory_space<semaphore_mem>>)
    %dma_start3A_22 = arith.constant 1 : i32
    %dma_start3A_23 = arith.constant 0 : i32
    %dma_start3A_24 = arith.constant 0 : i32
    %dma_start3A_25 = tpu.memref_slice %arg7[%dma_start3A_23, %dma_start3A_24] : memref<200x128xf32, #tpu.memory_space<vmem>> -> memref<128x128xf32, #tpu.memory_space<vmem>>
    %dma_start3A_26 = arith.constant 0 : i32
    %dma_start3A_27 = tpu.memref_slice %arg5[%dma_start3A_22, %dma_start3A_26] : memref<128x200xi32, #tpu.memory_space<vmem>> -> memref<1x128xi32, #tpu.memory_space<vmem>>
    %dma_start3A_28 = tpu.memref_squeeze %dma_start3A_27 : memref<1x128xi32, #tpu.memory_space<vmem>> -> memref<128xi32, #tpu.memory_space<vmem>>
    %dma_start3A_29 = arith.constant 0 : i32
    %dma_start3A_30 = arith.constant 0 : i32
    %dma_start3A_31 = tpu.memref_slice %arg2[%dma_start3A_29, %dma_start3A_30] : memref<1000000x128xf32, #tpu.memory_space<hbm>> -> memref<1000000x128xf32, #tpu.memory_space<hbm>>
    tpu.enqueue_indirect_dma source(%dma_start3A_31 : memref<1000000x128xf32, #tpu.memory_space<hbm>>) target(%dma_start3A_25 : memref<128x128xf32, #tpu.memory_space<vmem>>) offsets(%dma_start3A_28 : memref<128xi32, #tpu.memory_space<vmem>>) semaphore(%arg11 : memref<!tpu.dma_semaphore, #tpu.memory_space<semaphore_mem>>)
    %dma_start3A_32 = arith.constant 1 : i32
    %dma_start3A_33 = arith.constant 128 : i32
    %dma_start3A_34 = arith.constant 0 : i32
    %dma_start3A_35 = tpu.memref_slice %arg7[%dma_start3A_33, %dma_start3A_34] : memref<200x128xf32, #tpu.memory_space<vmem>> -> memref<72x128xf32, #tpu.memory_space<vmem>>
    %dma_start3A_36 = arith.constant 128 : i32
    %dma_start3A_37 = tpu.memref_slice %arg5[%dma_start3A_32, %dma_start3A_36] : memref<128x200xi32, #tpu.memory_space<vmem>> -> memref<1x72xi32, #tpu.memory_space<vmem>>
    %dma_start3A_38 = tpu.memref_squeeze %dma_start3A_37 : memref<1x72xi32, #tpu.memory_space<vmem>> -> memref<72xi32, #tpu.memory_space<vmem>>
    %dma_start3A_39 = arith.constant 0 : i32
    %dma_start3A_40 = arith.constant 0 : i32
    %dma_start3A_41 = tpu.memref_slice %arg2[%dma_start3A_39, %dma_start3A_40] : memref<1000000x128xf32, #tpu.memory_space<hbm>> -> memref<1000000x128xf32, #tpu.memory_space<hbm>>
    tpu.enqueue_indirect_dma source(%dma_start3A_41 : memref<1000000x128xf32, #tpu.memory_space<hbm>>) target(%dma_start3A_35 : memref<72x128xf32, #tpu.memory_space<vmem>>) offsets(%dma_start3A_38 : memref<72xi32, #tpu.memory_space<vmem>>) semaphore(%arg11 : memref<!tpu.dma_semaphore, #tpu.memory_space<semaphore_mem>>)
    %scan3A = arith.constant 0 : i32
    %scan3A_42 = arith.constant 0 : i32
    %scan3A_43 = arith.constant 42 : i32
    %scan3A_44 = arith.addi %scan3A_42, %scan3A_43 : i32
    %scan3A_45 = arith.constant 1 : i32
    scf.for %scan3A_196 = %scan3A_42 to %scan3A_44 step %scan3A_45  : i32 {
      %mul3A_197 = arith.constant 3 : i32
      %mul3A_198 = arith.muli %mul3A_197, %scan3A_196 : i32
      %add3A_199 = arith.constant 2 : i32
      %add3A_200 = arith.addi %mul3A_198, %add3A_199 : i32
      %dma_start3A_201 = arith.constant 0 : i32
      %dma_start3A_202 = arith.constant 0 : i32
      %dma_start3A_203 = tpu.memref_slice %arg8[%dma_start3A_201, %dma_start3A_202] : memref<200x128xf32, #tpu.memory_space<vmem>> -> memref<128x128xf32, #tpu.memory_space<vmem>>
      %dma_start3A_204 = arith.constant 0 : i32
      %dma_start3A_205 = tpu.memref_slice %arg5[%add3A_200, %dma_start3A_204] : memref<128x200xi32, #tpu.memory_space<vmem>> -> memref<1x128xi32, #tpu.memory_space<vmem>>
      %dma_start3A_206 = tpu.memref_squeeze %dma_start3A_205 : memref<1x128xi32, #tpu.memory_space<vmem>> -> memref<128xi32, #tpu.memory_space<vmem>>
      %dma_start3A_207 = arith.constant 0 : i32
      %dma_start3A_208 = arith.constant 0 : i32
      %dma_start3A_209 = tpu.memref_slice %arg2[%dma_start3A_207, %dma_start3A_208] : memref<1000000x128xf32, #tpu.memory_space<hbm>> -> memref<1000000x128xf32, #tpu.memory_space<hbm>>
      tpu.enqueue_indirect_dma source(%dma_start3A_209 : memref<1000000x128xf32, #tpu.memory_space<hbm>>) target(%dma_start3A_203 : memref<128x128xf32, #tpu.memory_space<vmem>>) offsets(%dma_start3A_206 : memref<128xi32, #tpu.memory_space<vmem>>) semaphore(%arg12 : memref<!tpu.dma_semaphore, #tpu.memory_space<semaphore_mem>>)
      %dma_start3A_210 = arith.constant 128 : i32
      %dma_start3A_211 = arith.constant 0 : i32
      %dma_start3A_212 = tpu.memref_slice %arg8[%dma_start3A_210, %dma_start3A_211] : memref<200x128xf32, #tpu.memory_space<vmem>> -> memref<72x128xf32, #tpu.memory_space<vmem>>
      %dma_start3A_213 = arith.constant 128 : i32
      %dma_start3A_214 = tpu.memref_slice %arg5[%add3A_200, %dma_start3A_213] : memref<128x200xi32, #tpu.memory_space<vmem>> -> memref<1x72xi32, #tpu.memory_space<vmem>>
      %dma_start3A_215 = tpu.memref_squeeze %dma_start3A_214 : memref<1x72xi32, #tpu.memory_space<vmem>> -> memref<72xi32, #tpu.memory_space<vmem>>
      %dma_start3A_216 = arith.constant 0 : i32
      %dma_start3A_217 = arith.constant 0 : i32
      %dma_start3A_218 = tpu.memref_slice %arg2[%dma_start3A_216, %dma_start3A_217] : memref<1000000x128xf32, #tpu.memory_space<hbm>> -> memref<1000000x128xf32, #tpu.memory_space<hbm>>
      tpu.enqueue_indirect_dma source(%dma_start3A_218 : memref<1000000x128xf32, #tpu.memory_space<hbm>>) target(%dma_start3A_212 : memref<72x128xf32, #tpu.memory_space<vmem>>) offsets(%dma_start3A_215 : memref<72xi32, #tpu.memory_space<vmem>>) semaphore(%arg12 : memref<!tpu.dma_semaphore, #tpu.memory_space<semaphore_mem>>)
      %dma_wait3A_219 = arith.constant 0 : i32
      %dma_wait3A_220 = arith.constant 0 : i32
      %dma_wait3A_221 = tpu.memref_slice %arg2[%dma_wait3A_219, %dma_wait3A_220] : memref<1000000x128xf32, #tpu.memory_space<hbm>> -> memref<200x128xf32, #tpu.memory_space<hbm>>
      %dma_wait3A_222 = arith.constant 0 : i32
      %dma_wait3A_223 = arith.constant 0 : i32
      %dma_wait3A_224 = tpu.memref_slice %arg2[%dma_wait3A_222, %dma_wait3A_223] : memref<1000000x128xf32, #tpu.memory_space<hbm>> -> memref<200x128xf32, #tpu.memory_space<hbm>>
      tpu.wait_dma2 semaphore(%arg10 : memref<!tpu.dma_semaphore, #tpu.memory_space<semaphore_mem>>) src(%dma_wait3A_224 : memref<200x128xf32, #tpu.memory_space<hbm>>) dst(%arg6 : memref<200x128xf32, #tpu.memory_space<vmem>>)
      %broadcast_in_dim3A_225 = arith.constant 0.000000e+00 : f32
      %broadcast_in_dim3A_226 = vector.broadcast %broadcast_in_dim3A_225 : f32 to vector<16xf32>
      %broadcast_in_dim3A_227 = arith.constant 0.000000e+00 : f32
      %broadcast_in_dim3A_228 = vector.broadcast %broadcast_in_dim3A_227 : f32 to vector<16xf32>
      %broadcast_in_dim3A_229 = arith.constant 0.000000e+00 : f32
      %broadcast_in_dim3A_230 = vector.broadcast %broadcast_in_dim3A_229 : f32 to vector<16xf32>
      %broadcast_in_dim3A_231 = arith.constant 0.000000e+00 : f32
      %broadcast_in_dim3A_232 = vector.broadcast %broadcast_in_dim3A_231 : f32 to vector<16xf32>
      %broadcast_in_dim3A_233 = arith.constant 0.000000e+00 : f32
      %broadcast_in_dim3A_234 = vector.broadcast %broadcast_in_dim3A_233 : f32 to vector<16xf32>
      %broadcast_in_dim3A_235 = arith.constant 0.000000e+00 : f32
      %broadcast_in_dim3A_236 = vector.broadcast %broadcast_in_dim3A_235 : f32 to vector<16xf32>
      %broadcast_in_dim3A_237 = arith.constant 0.000000e+00 : f32
      %broadcast_in_dim3A_238 = vector.broadcast %broadcast_in_dim3A_237 : f32 to vector<16xf32>
      %broadcast_in_dim3A_239 = arith.constant 0.000000e+00 : f32
      %broadcast_in_dim3A_240 = vector.broadcast %broadcast_in_dim3A_239 : f32 to vector<16xf32>
      %scan3A_241 = arith.constant 0 : i32
      %scan3A_242 = arith.constant 25 : i32
      %scan3A_243 = arith.addi %scan3A_241, %scan3A_242 : i32
      %scan3A_244 = arith.constant 1 : i32
      %scan3A_245:8 = scf.for %scan3A_467 = %scan3A_241 to %scan3A_243 step %scan3A_244 iter_args(%scan3A_468 = %broadcast_in_dim3A_226, %scan3A_469 = %broadcast_in_dim3A_228, %scan3A_470 = %broadcast_in_dim3A_230, %scan3A_471 = %broadcast_in_dim3A_232, %scan3A_472 = %broadcast_in_dim3A_234, %scan3A_473 = %broadcast_in_dim3A_236, %scan3A_474 = %broadcast_in_dim3A_238, %scan3A_475 = %broadcast_in_dim3A_240) -> (vector<16xf32>, vector<16xf32>, vector<16xf32>, vector<16xf32>, vector<16xf32>, vector<16xf32>, vector<16xf32>, vector<16xf32>)  : i32 {
        %mul3A_476 = arith.constant 8 : i32
        %mul3A_477 = arith.muli %mul3A_476, %scan3A_467 : i32
        %add3A_478 = arith.constant 0 : i32
        %add3A_479 = arith.addi %mul3A_477, %add3A_478 : i32
        %get3A = arith.index_cast %add3A_479 : i32 to index
        %get3A_480 = arith.constant 0 : index
        %get3A_481 = tpu.vector_load %arg6[%get3A, %get3A_480] {strides = array<i32>} : memref<200x128xf32, #tpu.memory_space<vmem>>, vector<1x16xf32>,
        %get3A_482 = vector.shape_cast %get3A_481 : vector<1x16xf32> to vector<16xf32>
        %add3A_483 = arith.addf %scan3A_468, %get3A_482 : vector<16xf32>
        %add3A_484 = arith.constant 0 : i32
        %add3A_485 = arith.addi %mul3A_477, %add3A_484 : i32
        %get3A_486 = arith.index_cast %add3A_485 : i32 to index
        %get3A_487 = arith.constant 16 : index
        %get3A_488 = tpu.vector_load %arg6[%get3A_486, %get3A_487] {strides = array<i32>} : memref<200x128xf32, #tpu.memory_space<vmem>>, vector<1x16xf32>,
        %get3A_489 = vector.shape_cast %get3A_488 : vector<1x16xf32> to vector<16xf32>
        %add3A_490 = arith.addf %scan3A_469, %get3A_489 : vector<16xf32>
        %add3A_491 = arith.constant 0 : i32
        %add3A_492 = arith.addi %mul3A_477, %add3A_491 : i32
        %get3A_493 = arith.index_cast %add3A_492 : i32 to index
        %get3A_494 = arith.constant 32 : index
        %get3A_495 = tpu.vector_load %arg6[%get3A_493, %get3A_494] {strides = array<i32>} : memref<200x128xf32, #tpu.memory_space<vmem>>, vector<1x16xf32>,
        %get3A_496 = vector.shape_cast %get3A_495 : vector<1x16xf32> to vector<16xf32>
        %add3A_497 = arith.addf %scan3A_470, %get3A_496 : vector<16xf32>
        %add3A_498 = arith.constant 0 : i32
        %add3A_499 = arith.addi %mul3A_477, %add3A_498 : i32
        %get3A_500 = arith.index_cast %add3A_499 : i32 to index
        %get3A_501 = arith.constant 48 : index
        %get3A_502 = tpu.vector_load %arg6[%get3A_500, %get3A_501] {strides = array<i32>} : memref<200x128xf32, #tpu.memory_space<vmem>>, vector<1x16xf32>,
        %get3A_503 = vector.shape_cast %get3A_502 : vector<1x16xf32> to vector<16xf32>
        %add3A_504 = arith.addf %scan3A_471, %get3A_503 : vector<16xf32>
        %add3A_505 = arith.constant 0 : i32
        %add3A_506 = arith.addi %mul3A_477, %add3A_505 : i32
        %get3A_507 = arith.index_cast %add3A_506 : i32 to index
        %get3A_508 = arith.constant 64 : index
        %get3A_509 = tpu.vector_load %arg6[%get3A_507, %get3A_508] {strides = array<i32>} : memref<200x128xf32, #tpu.memory_space<vmem>>, vector<1x16xf32>,
        %get3A_510 = vector.shape_cast %get3A_509 : vector<1x16xf32> to vector<16xf32>
        %add3A_511 = arith.addf %scan3A_472, %get3A_510 : vector<16xf32>
        %add3A_512 = arith.constant 0 : i32
        %add3A_513 = arith.addi %mul3A_477, %add3A_512 : i32
        %get3A_514 = arith.index_cast %add3A_513 : i32 to index
        %get3A_515 = arith.constant 80 : index
        %get3A_516 = tpu.vector_load %arg6[%get3A_514, %get3A_515] {strides = array<i32>} : memref<200x128xf32, #tpu.memory_space<vmem>>, vector<1x16xf32>,
        %get3A_517 = vector.shape_cast %get3A_516 : vector<1x16xf32> to vector<16xf32>
        %add3A_518 = arith.addf %scan3A_473, %get3A_517 : vector<16xf32>
        %add3A_519 = arith.constant 0 : i32
        %add3A_520 = arith.addi %mul3A_477, %add3A_519 : i32
        %get3A_521 = arith.index_cast %add3A_520 : i32 to index
        %get3A_522 = arith.constant 96 : index
        %get3A_523 = tpu.vector_load %arg6[%get3A_521, %get3A_522] {strides = array<i32>} : memref<200x128xf32, #tpu.memory_space<vmem>>, vector<1x16xf32>,
        %get3A_524 = vector.shape_cast %get3A_523 : vector<1x16xf32> to vector<16xf32>
        %add3A_525 = arith.addf %scan3A_474, %get3A_524 : vector<16xf32>
        %add3A_526 = arith.constant 0 : i32
        %add3A_527 = arith.addi %mul3A_477, %add3A_526 : i32
        %get3A_528 = arith.index_cast %add3A_527 : i32 to index
        %get3A_529 = arith.constant 112 : index
        %get3A_530 = tpu.vector_load %arg6[%get3A_528, %get3A_529] {strides = array<i32>} : memref<200x128xf32, #tpu.memory_space<vmem>>, vector<1x16xf32>,
        %get3A_531 = vector.shape_cast %get3A_530 : vector<1x16xf32> to vector<16xf32>
        %add3A_532 = arith.addf %scan3A_475, %get3A_531 : vector<16xf32>
        %add3A_533 = arith.constant 1 : i32
        %add3A_534 = arith.addi %mul3A_477, %add3A_533 : i32
        %get3A_535 = arith.index_cast %add3A_534 : i32 to index
        %get3A_536 = arith.constant 0 : index
        %get3A_537 = tpu.vector_load %arg6[%get3A_535, %get3A_536] {strides = array<i32>} : memref<200x128xf32, #tpu.memory_space<vmem>>, vector<1x16xf32>,
        %get3A_538 = vector.shape_cast %get3A_537 : vector<1x16xf32> to vector<16xf32>
        %add3A_539 = arith.addf %add3A_483, %get3A_538 : vector<16xf32>
        %add3A_540 = arith.constant 1 : i32
        %add3A_541 = arith.addi %mul3A_477, %add3A_540 : i32
        %get3A_542 = arith.index_cast %add3A_541 : i32 to index
        %get3A_543 = arith.constant 16 : index
        %get3A_544 = tpu.vector_load %arg6[%get3A_542, %get3A_543] {strides = array<i32>} : memref<200x128xf32, #tpu.memory_space<vmem>>, vector<1x16xf32>,
        %get3A_545 = vector.shape_cast %get3A_544 : vector<1x16xf32> to vector<16xf32>
        %add3A_546 = arith.addf %add3A_490, %get3A_545 : vector<16xf32>
        %add3A_547 = arith.constant 1 : i32
        %add3A_548 = arith.addi %mul3A_477, %add3A_547 : i32
        %get3A_549 = arith.index_cast %add3A_548 : i32 to index
        %get3A_550 = arith.constant 32 : index
        %get3A_551 = tpu.vector_load %arg6[%get3A_549, %get3A_550] {strides = array<i32>} : memref<200x128xf32, #tpu.memory_space<vmem>>, vector<1x16xf32>,
        %get3A_552 = vector.shape_cast %get3A_551 : vector<1x16xf32> to vector<16xf32>
        %add3A_553 = arith.addf %add3A_497, %get3A_552 : vector<16xf32>
        %add3A_554 = arith.constant 1 : i32
        %add3A_555 = arith.addi %mul3A_477, %add3A_554 : i32
        %get3A_556 = arith.index_cast %add3A_555 : i32 to index
        %get3A_557 = arith.constant 48 : index
        %get3A_558 = tpu.vector_load %arg6[%get3A_556, %get3A_557] {strides = array<i32>} : memref<200x128xf32, #tpu.memory_space<vmem>>, vector<1x16xf32>,
        %get3A_559 = vector.shape_cast %get3A_558 : vector<1x16xf32> to vector<16xf32>
        %add3A_560 = arith.addf %add3A_504, %get3A_559 : vector<16xf32>
        %add3A_561 = arith.constant 1 : i32
        %add3A_562 = arith.addi %mul3A_477, %add3A_561 : i32
        %get3A_563 = arith.index_cast %add3A_562 : i32 to index
        %get3A_564 = arith.constant 64 : index
        %get3A_565 = tpu.vector_load %arg6[%get3A_563, %get3A_564] {strides = array<i32>} : memref<200x128xf32, #tpu.memory_space<vmem>>, vector<1x16xf32>,
        %get3A_566 = vector.shape_cast %get3A_565 : vector<1x16xf32> to vector<16xf32>
        %add3A_567 = arith.addf %add3A_511, %get3A_566 : vector<16xf32>
        %add3A_568 = arith.constant 1 : i32
        %add3A_569 = arith.addi %mul3A_477, %add3A_568 : i32
        %get3A_570 = arith.index_cast %add3A_569 : i32 to index
        %get3A_571 = arith.constant 80 : index
        %get3A_572 = tpu.vector_load %arg6[%get3A_570, %get3A_571] {strides = array<i32>} : memref<200x128xf32, #tpu.memory_space<vmem>>, vector<1x16xf32>,
        %get3A_573 = vector.shape_cast %get3A_572 : vector<1x16xf32> to vector<16xf32>
        %add3A_574 = arith.addf %add3A_518, %get3A_573 : vector<16xf32>
        %add3A_575 = arith.constant 1 : i32
        %add3A_576 = arith.addi %mul3A_477, %add3A_575 : i32
        %get3A_577 = arith.index_cast %add3A_576 : i32 to index
        %get3A_578 = arith.constant 96 : index
        %get3A_579 = tpu.vector_load %arg6[%get3A_577, %get3A_578] {strides = array<i32>} : memref<200x128xf32, #tpu.memory_space<vmem>>, vector<1x16xf32>,
        %get3A_580 = vector.shape_cast %get3A_579 : vector<1x16xf32> to vector<16xf32>
        %add3A_581 = arith.addf %add3A_525, %get3A_580 : vector<16xf32>
        %add3A_582 = arith.constant 1 : i32
        %add3A_583 = arith.addi %mul3A_477, %add3A_582 : i32
        %get3A_584 = arith.index_cast %add3A_583 : i32 to index
        %get3A_585 = arith.constant 112 : index
        %get3A_586 = tpu.vector_load %arg6[%get3A_584, %get3A_585] {strides = array<i32>} : memref<200x128xf32, #tpu.memory_space<vmem>>, vector<1x16xf32>,
        %get3A_587 = vector.shape_cast %get3A_586 : vector<1x16xf32> to vector<16xf32>
        %add3A_588 = arith.addf %add3A_532, %get3A_587 : vector<16xf32>
        %add3A_589 = arith.constant 2 : i32
        %add3A_590 = arith.addi %mul3A_477, %add3A_589 : i32
        %get3A_591 = arith.index_cast %add3A_590 : i32 to index
        %get3A_592 = arith.constant 0 : index
        %get3A_593 = tpu.vector_load %arg6[%get3A_591, %get3A_592] {strides = array<i32>} : memref<200x128xf32, #tpu.memory_space<vmem>>, vector<1x16xf32>,
        %get3A_594 = vector.shape_cast %get3A_593 : vector<1x16xf32> to vector<16xf32>
        %add3A_595 = arith.addf %add3A_539, %get3A_594 : vector<16xf32>
        %add3A_596 = arith.constant 2 : i32
        %add3A_597 = arith.addi %mul3A_477, %add3A_596 : i32
        %get3A_598 = arith.index_cast %add3A_597 : i32 to index
        %get3A_599 = arith.constant 16 : index
        %get3A_600 = tpu.vector_load %arg6[%get3A_598, %get3A_599] {strides = array<i32>} : memref<200x128xf32, #tpu.memory_space<vmem>>, vector<1x16xf32>,
        %get3A_601 = vector.shape_cast %get3A_600 : vector<1x16xf32> to vector<16xf32>
        %add3A_602 = arith.addf %add3A_546, %get3A_601 : vector<16xf32>
        %add3A_603 = arith.constant 2 : i32
        %add3A_604 = arith.addi %mul3A_477, %add3A_603 : i32
        %get3A_605 = arith.index_cast %add3A_604 : i32 to index
        %get3A_606 = arith.constant 32 : index
        %get3A_607 = tpu.vector_load %arg6[%get3A_605, %get3A_606] {strides = array<i32>} : memref<200x128xf32, #tpu.memory_space<vmem>>, vector<1x16xf32>,
        %get3A_608 = vector.shape_cast %get3A_607 : vector<1x16xf32> to vector<16xf32>
        %add3A_609 = arith.addf %add3A_553, %get3A_608 : vector<16xf32>
        %add3A_610 = arith.constant 2 : i32
        %add3A_611 = arith.addi %mul3A_477, %add3A_610 : i32
        %get3A_612 = arith.index_cast %add3A_611 : i32 to index
        %get3A_613 = arith.constant 48 : index
        %get3A_614 = tpu.vector_load %arg6[%get3A_612, %get3A_613] {strides = array<i32>} : memref<200x128xf32, #tpu.memory_space<vmem>>, vector<1x16xf32>,
        %get3A_615 = vector.shape_cast %get3A_614 : vector<1x16xf32> to vector<16xf32>
        %add3A_616 = arith.addf %add3A_560, %get3A_615 : vector<16xf32>
        %add3A_617 = arith.constant 2 : i32
        %add3A_618 = arith.addi %mul3A_477, %add3A_617 : i32
        %get3A_619 = arith.index_cast %add3A_618 : i32 to index
        %get3A_620 = arith.constant 64 : index
        %get3A_621 = tpu.vector_load %arg6[%get3A_619, %get3A_620] {strides = array<i32>} : memref<200x128xf32, #tpu.memory_space<vmem>>, vector<1x16xf32>,
        %get3A_622 = vector.shape_cast %get3A_621 : vector<1x16xf32> to vector<16xf32>
        %add3A_623 = arith.addf %add3A_567, %get3A_622 : vector<16xf32>
        %add3A_624 = arith.constant 2 : i32
        %add3A_625 = arith.addi %mul3A_477, %add3A_624 : i32
        %get3A_626 = arith.index_cast %add3A_625 : i32 to index
        %get3A_627 = arith.constant 80 : index
        %get3A_628 = tpu.vector_load %arg6[%get3A_626, %get3A_627] {strides = array<i32>} : memref<200x128xf32, #tpu.memory_space<vmem>>, vector<1x16xf32>,
        %get3A_629 = vector.shape_cast %get3A_628 : vector<1x16xf32> to vector<16xf32>
        %add3A_630 = arith.addf %add3A_574, %get3A_629 : vector<16xf32>
        %add3A_631 = arith.constant 2 : i32
        %add3A_632 = arith.addi %mul3A_477, %add3A_631 : i32
        %get3A_633 = arith.index_cast %add3A_632 : i32 to index
        %get3A_634 = arith.constant 96 : index
        %get3A_635 = tpu.vector_load %arg6[%get3A_633, %get3A_634] {strides = array<i32>} : memref<200x128xf32, #tpu.memory_space<vmem>>, vector<1x16xf32>,
        %get3A_636 = vector.shape_cast %get3A_635 : vector<1x16xf32> to vector<16xf32>
        %add3A_637 = arith.addf %add3A_581, %get3A_636 : vector<16xf32>
        %add3A_638 = arith.constant 2 : i32
        %add3A_639 = arith.addi %mul3A_477, %add3A_638 : i32
        %get3A_640 = arith.index_cast %add3A_639 : i32 to index
        %get3A_641 = arith.constant 112 : index
        %get3A_642 = tpu.vector_load %arg6[%get3A_640, %get3A_641] {strides = array<i32>} : memref<200x128xf32, #tpu.memory_space<vmem>>, vector<1x16xf32>,
        %get3A_643 = vector.shape_cast %get3A_642 : vector<1x16xf32> to vector<16xf32>
        %add3A_644 = arith.addf %add3A_588, %get3A_643 : vector<16xf32>
        %add3A_645 = arith.constant 3 : i32
        %add3A_646 = arith.addi %mul3A_477, %add3A_645 : i32
        %get3A_647 = arith.index_cast %add3A_646 : i32 to index
        %get3A_648 = arith.constant 0 : index
        %get3A_649 = tpu.vector_load %arg6[%get3A_647, %get3A_648] {strides = array<i32>} : memref<200x128xf32, #tpu.memory_space<vmem>>, vector<1x16xf32>,
        %get3A_650 = vector.shape_cast %get3A_649 : vector<1x16xf32> to vector<16xf32>
        %add3A_651 = arith.addf %add3A_595, %get3A_650 : vector<16xf32>
        %add3A_652 = arith.constant 3 : i32
        %add3A_653 = arith.addi %mul3A_477, %add3A_652 : i32
        %get3A_654 = arith.index_cast %add3A_653 : i32 to index
        %get3A_655 = arith.constant 16 : index
        %get3A_656 = tpu.vector_load %arg6[%get3A_654, %get3A_655] {strides = array<i32>} : memref<200x128xf32, #tpu.memory_space<vmem>>, vector<1x16xf32>,
        %get3A_657 = vector.shape_cast %get3A_656 : vector<1x16xf32> to vector<16xf32>
        %add3A_658 = arith.addf %add3A_602, %get3A_657 : vector<16xf32>
        %add3A_659 = arith.constant 3 : i32
        %add3A_660 = arith.addi %mul3A_477, %add3A_659 : i32
        %get3A_661 = arith.index_cast %add3A_660 : i32 to index
        %get3A_662 = arith.constant 32 : index
        %get3A_663 = tpu.vector_load %arg6[%get3A_661, %get3A_662] {strides = array<i32>} : memref<200x128xf32, #tpu.memory_space<vmem>>, vector<1x16xf32>,
        %get3A_664 = vector.shape_cast %get3A_663 : vector<1x16xf32> to vector<16xf32>
        %add3A_665 = arith.addf %add3A_609, %get3A_664 : vector<16xf32>
        %add3A_666 = arith.constant 3 : i32
        %add3A_667 = arith.addi %mul3A_477, %add3A_666 : i32
        %get3A_668 = arith.index_cast %add3A_667 : i32 to index
        %get3A_669 = arith.constant 48 : index
        %get3A_670 = tpu.vector_load %arg6[%get3A_668, %get3A_669] {strides = array<i32>} : memref<200x128xf32, #tpu.memory_space<vmem>>, vector<1x16xf32>,
        %get3A_671 = vector.shape_cast %get3A_670 : vector<1x16xf32> to vector<16xf32>
        %add3A_672 = arith.addf %add3A_616, %get3A_671 : vector<16xf32>
        %add3A_673 = arith.constant 3 : i32
        %add3A_674 = arith.addi %mul3A_477, %add3A_673 : i32
        %get3A_675 = arith.index_cast %add3A_674 : i32 to index
        %get3A_676 = arith.constant 64 : index
        %get3A_677 = tpu.vector_load %arg6[%get3A_675, %get3A_676] {strides = array<i32>} : memref<200x128xf32, #tpu.memory_space<vmem>>, vector<1x16xf32>,
        %get3A_678 = vector.shape_cast %get3A_677 : vector<1x16xf32> to vector<16xf32>
        %add3A_679 = arith.addf %add3A_623, %get3A_678 : vector<16xf32>
        %add3A_680 = arith.constant 3 : i32
        %add3A_681 = arith.addi %mul3A_477, %add3A_680 : i32
        %get3A_682 = arith.index_cast %add3A_681 : i32 to index
        %get3A_683 = arith.constant 80 : index
        %get3A_684 = tpu.vector_load %arg6[%get3A_682, %get3A_683] {strides = array<i32>} : memref<200x128xf32, #tpu.memory_space<vmem>>, vector<1x16xf32>,
        %get3A_685 = vector.shape_cast %get3A_684 : vector<1x16xf32> to vector<16xf32>
        %add3A_686 = arith.addf %add3A_630, %get3A_685 : vector<16xf32>
        %add3A_687 = arith.constant 3 : i32
        %add3A_688 = arith.addi %mul3A_477, %add3A_687 : i32
        %get3A_689 = arith.index_cast %add3A_688 : i32 to index
        %get3A_690 = arith.constant 96 : index
        %get3A_691 = tpu.vector_load %arg6[%get3A_689, %get3A_690] {strides = array<i32>} : memref<200x128xf32, #tpu.memory_space<vmem>>, vector<1x16xf32>,
        %get3A_692 = vector.shape_cast %get3A_691 : vector<1x16xf32> to vector<16xf32>
        %add3A_693 = arith.addf %add3A_637, %get3A_692 : vector<16xf32>
        %add3A_694 = arith.constant 3 : i32
        %add3A_695 = arith.addi %mul3A_477, %add3A_694 : i32
        %get3A_696 = arith.index_cast %add3A_695 : i32 to index
        %get3A_697 = arith.constant 112 : index
        %get3A_698 = tpu.vector_load %arg6[%get3A_696, %get3A_697] {strides = array<i32>} : memref<200x128xf32, #tpu.memory_space<vmem>>, vector<1x16xf32>,
        %get3A_699 = vector.shape_cast %get3A_698 : vector<1x16xf32> to vector<16xf32>
        %add3A_700 = arith.addf %add3A_644, %get3A_699 : vector<16xf32>
        %add3A_701 = arith.constant 4 : i32
        %add3A_702 = arith.addi %mul3A_477, %add3A_701 : i32
        %get3A_703 = arith.index_cast %add3A_702 : i32 to index
        %get3A_704 = arith.constant 0 : index
        %get3A_705 = tpu.vector_load %arg6[%get3A_703, %get3A_704] {strides = array<i32>} : memref<200x128xf32, #tpu.memory_space<vmem>>, vector<1x16xf32>,
        %get3A_706 = vector.shape_cast %get3A_705 : vector<1x16xf32> to vector<16xf32>
        %add3A_707 = arith.addf %add3A_651, %get3A_706 : vector<16xf32>
        %add3A_708 = arith.constant 4 : i32
        %add3A_709 = arith.addi %mul3A_477, %add3A_708 : i32
        %get3A_710 = arith.index_cast %add3A_709 : i32 to index
        %get3A_711 = arith.constant 16 : index
        %get3A_712 = tpu.vector_load %arg6[%get3A_710, %get3A_711] {strides = array<i32>} : memref<200x128xf32, #tpu.memory_space<vmem>>, vector<1x16xf32>,
        %get3A_713 = vector.shape_cast %get3A_712 : vector<1x16xf32> to vector<16xf32>
        %add3A_714 = arith.addf %add3A_658, %get3A_713 : vector<16xf32>
        %add3A_715 = arith.constant 4 : i32
        %add3A_716 = arith.addi %mul3A_477, %add3A_715 : i32
        %get3A_717 = arith.index_cast %add3A_716 : i32 to index
        %get3A_718 = arith.constant 32 : index
        %get3A_719 = tpu.vector_load %arg6[%get3A_717, %get3A_718] {strides = array<i32>} : memref<200x128xf32, #tpu.memory_space<vmem>>, vector<1x16xf32>,
        %get3A_720 = vector.shape_cast %get3A_719 : vector<1x16xf32> to vector<16xf32>
        %add3A_721 = arith.addf %add3A_665, %get3A_720 : vector<16xf32>
        %add3A_722 = arith.constant 4 : i32
        %add3A_723 = arith.addi %mul3A_477, %add3A_722 : i32
        %get3A_724 = arith.index_cast %add3A_723 : i32 to index
        %get3A_725 = arith.constant 48 : index
        %get3A_726 = tpu.vector_load %arg6[%get3A_724, %get3A_725] {strides = array<i32>} : memref<200x128xf32, #tpu.memory_space<vmem>>, vector<1x16xf32>,
        %get3A_727 = vector.shape_cast %get3A_726 : vector<1x16xf32> to vector<16xf32>
        %add3A_728 = arith.addf %add3A_672, %get3A_727 : vector<16xf32>
        %add3A_729 = arith.constant 4 : i32
        %add3A_730 = arith.addi %mul3A_477, %add3A_729 : i32
        %get3A_731 = arith.index_cast %add3A_730 : i32 to index
        %get3A_732 = arith.constant 64 : index
        %get3A_733 = tpu.vector_load %arg6[%get3A_731, %get3A_732] {strides = array<i32>} : memref<200x128xf32, #tpu.memory_space<vmem>>, vector<1x16xf32>,
        %get3A_734 = vector.shape_cast %get3A_733 : vector<1x16xf32> to vector<16xf32>
        %add3A_735 = arith.addf %add3A_679, %get3A_734 : vector<16xf32>
        %add3A_736 = arith.constant 4 : i32
        %add3A_737 = arith.addi %mul3A_477, %add3A_736 : i32
        %get3A_738 = arith.index_cast %add3A_737 : i32 to index
        %get3A_739 = arith.constant 80 : index
        %get3A_740 = tpu.vector_load %arg6[%get3A_738, %get3A_739] {strides = array<i32>} : memref<200x128xf32, #tpu.memory_space<vmem>>, vector<1x16xf32>,
        %get3A_741 = vector.shape_cast %get3A_740 : vector<1x16xf32> to vector<16xf32>
        %add3A_742 = arith.addf %add3A_686, %get3A_741 : vector<16xf32>
        %add3A_743 = arith.constant 4 : i32
        %add3A_744 = arith.addi %mul3A_477, %add3A_743 : i32
        %get3A_745 = arith.index_cast %add3A_744 : i32 to index
        %get3A_746 = arith.constant 96 : index
        %get3A_747 = tpu.vector_load %arg6[%get3A_745, %get3A_746] {strides = array<i32>} : memref<200x128xf32, #tpu.memory_space<vmem>>, vector<1x16xf32>,
        %get3A_748 = vector.shape_cast %get3A_747 : vector<1x16xf32> to vector<16xf32>
        %add3A_749 = arith.addf %add3A_693, %get3A_748 : vector<16xf32>
        %add3A_750 = arith.constant 4 : i32
        %add3A_751 = arith.addi %mul3A_477, %add3A_750 : i32
        %get3A_752 = arith.index_cast %add3A_751 : i32 to index
        %get3A_753 = arith.constant 112 : index
        %get3A_754 = tpu.vector_load %arg6[%get3A_752, %get3A_753] {strides = array<i32>} : memref<200x128xf32, #tpu.memory_space<vmem>>, vector<1x16xf32>,
        %get3A_755 = vector.shape_cast %get3A_754 : vector<1x16xf32> to vector<16xf32>
        %add3A_756 = arith.addf %add3A_700, %get3A_755 : vector<16xf32>
        %add3A_757 = arith.constant 5 : i32
        %add3A_758 = arith.addi %mul3A_477, %add3A_757 : i32
        %get3A_759 = arith.index_cast %add3A_758 : i32 to index
        %get3A_760 = arith.constant 0 : index
        %get3A_761 = tpu.vector_load %arg6[%get3A_759, %get3A_760] {strides = array<i32>} : memref<200x128xf32, #tpu.memory_space<vmem>>, vector<1x16xf32>,
        %get3A_762 = vector.shape_cast %get3A_761 : vector<1x16xf32> to vector<16xf32>
        %add3A_763 = arith.addf %add3A_707, %get3A_762 : vector<16xf32>
        %add3A_764 = arith.constant 5 : i32
        %add3A_765 = arith.addi %mul3A_477, %add3A_764 : i32
        %get3A_766 = arith.index_cast %add3A_765 : i32 to index
        %get3A_767 = arith.constant 16 : index
        %get3A_768 = tpu.vector_load %arg6[%get3A_766, %get3A_767] {strides = array<i32>} : memref<200x128xf32, #tpu.memory_space<vmem>>, vector<1x16xf32>,
        %get3A_769 = vector.shape_cast %get3A_768 : vector<1x16xf32> to vector<16xf32>
        %add3A_770 = arith.addf %add3A_714, %get3A_769 : vector<16xf32>
        %add3A_771 = arith.constant 5 : i32
        %add3A_772 = arith.addi %mul3A_477, %add3A_771 : i32
        %get3A_773 = arith.index_cast %add3A_772 : i32 to index
        %get3A_774 = arith.constant 32 : index
        %get3A_775 = tpu.vector_load %arg6[%get3A_773, %get3A_774] {strides = array<i32>} : memref<200x128xf32, #tpu.memory_space<vmem>>, vector<1x16xf32>,
        %get3A_776 = vector.shape_cast %get3A_775 : vector<1x16xf32> to vector<16xf32>
        %add3A_777 = arith.addf %add3A_721, %get3A_776 : vector<16xf32>
        %add3A_778 = arith.constant 5 : i32
        %add3A_779 = arith.addi %mul3A_477, %add3A_778 : i32
        %get3A_780 = arith.index_cast %add3A_779 : i32 to index
        %get3A_781 = arith.constant 48 : index
        %get3A_782 = tpu.vector_load %arg6[%get3A_780, %get3A_781] {strides = array<i32>} : memref<200x128xf32, #tpu.memory_space<vmem>>, vector<1x16xf32>,
        %get3A_783 = vector.shape_cast %get3A_782 : vector<1x16xf32> to vector<16xf32>
        %add3A_784 = arith.addf %add3A_728, %get3A_783 : vector<16xf32>
        %add3A_785 = arith.constant 5 : i32
        %add3A_786 = arith.addi %mul3A_477, %add3A_785 : i32
        %get3A_787 = arith.index_cast %add3A_786 : i32 to index
        %get3A_788 = arith.constant 64 : index
        %get3A_789 = tpu.vector_load %arg6[%get3A_787, %get3A_788] {strides = array<i32>} : memref<200x128xf32, #tpu.memory_space<vmem>>, vector<1x16xf32>,
        %get3A_790 = vector.shape_cast %get3A_789 : vector<1x16xf32> to vector<16xf32>
        %add3A_791 = arith.addf %add3A_735, %get3A_790 : vector<16xf32>
        %add3A_792 = arith.constant 5 : i32
        %add3A_793 = arith.addi %mul3A_477, %add3A_792 : i32
        %get3A_794 = arith.index_cast %add3A_793 : i32 to index
        %get3A_795 = arith.constant 80 : index
        %get3A_796 = tpu.vector_load %arg6[%get3A_794, %get3A_795] {strides = array<i32>} : memref<200x128xf32, #tpu.memory_space<vmem>>, vector<1x16xf32>,
        %get3A_797 = vector.shape_cast %get3A_796 : vector<1x16xf32> to vector<16xf32>
        %add3A_798 = arith.addf %add3A_742, %get3A_797 : vector<16xf32>
        %add3A_799 = arith.constant 5 : i32
        %add3A_800 = arith.addi %mul3A_477, %add3A_799 : i32
        %get3A_801 = arith.index_cast %add3A_800 : i32 to index
        %get3A_802 = arith.constant 96 : index
        %get3A_803 = tpu.vector_load %arg6[%get3A_801, %get3A_802] {strides = array<i32>} : memref<200x128xf32, #tpu.memory_space<vmem>>, vector<1x16xf32>,
        %get3A_804 = vector.shape_cast %get3A_803 : vector<1x16xf32> to vector<16xf32>
        %add3A_805 = arith.addf %add3A_749, %get3A_804 : vector<16xf32>
        %add3A_806 = arith.constant 5 : i32
        %add3A_807 = arith.addi %mul3A_477, %add3A_806 : i32
        %get3A_808 = arith.index_cast %add3A_807 : i32 to index
        %get3A_809 = arith.constant 112 : index
        %get3A_810 = tpu.vector_load %arg6[%get3A_808, %get3A_809] {strides = array<i32>} : memref<200x128xf32, #tpu.memory_space<vmem>>, vector<1x16xf32>,
        %get3A_811 = vector.shape_cast %get3A_810 : vector<1x16xf32> to vector<16xf32>
        %add3A_812 = arith.addf %add3A_756, %get3A_811 : vector<16xf32>
        %add3A_813 = arith.constant 6 : i32
        %add3A_814 = arith.addi %mul3A_477, %add3A_813 : i32
        %get3A_815 = arith.index_cast %add3A_814 : i32 to index
        %get3A_816 = arith.constant 0 : index
        %get3A_817 = tpu.vector_load %arg6[%get3A_815, %get3A_816] {strides = array<i32>} : memref<200x128xf32, #tpu.memory_space<vmem>>, vector<1x16xf32>,
        %get3A_818 = vector.shape_cast %get3A_817 : vector<1x16xf32> to vector<16xf32>
        %add3A_819 = arith.addf %add3A_763, %get3A_818 : vector<16xf32>
        %add3A_820 = arith.constant 6 : i32
        %add3A_821 = arith.addi %mul3A_477, %add3A_820 : i32
        %get3A_822 = arith.index_cast %add3A_821 : i32 to index
        %get3A_823 = arith.constant 16 : index
        %get3A_824 = tpu.vector_load %arg6[%get3A_822, %get3A_823] {strides = array<i32>} : memref<200x128xf32, #tpu.memory_space<vmem>>, vector<1x16xf32>,
        %get3A_825 = vector.shape_cast %get3A_824 : vector<1x16xf32> to vector<16xf32>
        %add3A_826 = arith.addf %add3A_770, %get3A_825 : vector<16xf32>
        %add3A_827 = arith.constant 6 : i32
        %add3A_828 = arith.addi %mul3A_477, %add3A_827 : i32
        %get3A_829 = arith.index_cast %add3A_828 : i32 to index
        %get3A_830 = arith.constant 32 : index
        %get3A_831 = tpu.vector_load %arg6[%get3A_829, %get3A_830] {strides = array<i32>} : memref<200x128xf32, #tpu.memory_space<vmem>>, vector<1x16xf32>,
        %get3A_832 = vector.shape_cast %get3A_831 : vector<1x16xf32> to vector<16xf32>
        %add3A_833 = arith.addf %add3A_777, %get3A_832 : vector<16xf32>
        %add3A_834 = arith.constant 6 : i32
        %add3A_835 = arith.addi %mul3A_477, %add3A_834 : i32
        %get3A_836 = arith.index_cast %add3A_835 : i32 to index
        %get3A_837 = arith.constant 48 : index
        %get3A_838 = tpu.vector_load %arg6[%get3A_836, %get3A_837] {strides = array<i32>} : memref<200x128xf32, #tpu.memory_space<vmem>>, vector<1x16xf32>,
        %get3A_839 = vector.shape_cast %get3A_838 : vector<1x16xf32> to vector<16xf32>
        %add3A_840 = arith.addf %add3A_784, %get3A_839 : vector<16xf32>
        %add3A_841 = arith.constant 6 : i32
        %add3A_842 = arith.addi %mul3A_477, %add3A_841 : i32
        %get3A_843 = arith.index_cast %add3A_842 : i32 to index
        %get3A_844 = arith.constant 64 : index
        %get3A_845 = tpu.vector_load %arg6[%get3A_843, %get3A_844] {strides = array<i32>} : memref<200x128xf32, #tpu.memory_space<vmem>>, vector<1x16xf32>,
        %get3A_846 = vector.shape_cast %get3A_845 : vector<1x16xf32> to vector<16xf32>
        %add3A_847 = arith.addf %add3A_791, %get3A_846 : vector<16xf32>
        %add3A_848 = arith.constant 6 : i32
        %add3A_849 = arith.addi %mul3A_477, %add3A_848 : i32
        %get3A_850 = arith.index_cast %add3A_849 : i32 to index
        %get3A_851 = arith.constant 80 : index
        %get3A_852 = tpu.vector_load %arg6[%get3A_850, %get3A_851] {strides = array<i32>} : memref<200x128xf32, #tpu.memory_space<vmem>>, vector<1x16xf32>,
        %get3A_853 = vector.shape_cast %get3A_852 : vector<1x16xf32> to vector<16xf32>
        %add3A_854 = arith.addf %add3A_798, %get3A_853 : vector<16xf32>
        %add3A_855 = arith.constant 6 : i32
        %add3A_856 = arith.addi %mul3A_477, %add3A_855 : i32
        %get3A_857 = arith.index_cast %add3A_856 : i32 to index
        %get3A_858 = arith.constant 96 : index
        %get3A_859 = tpu.vector_load %arg6[%get3A_857, %get3A_858] {strides = array<i32>} : memref<200x128xf32, #tpu.memory_space<vmem>>, vector<1x16xf32>,
        %get3A_860 = vector.shape_cast %get3A_859 : vector<1x16xf32> to vector<16xf32>
        %add3A_861 = arith.addf %add3A_805, %get3A_860 : vector<16xf32>
        %add3A_862 = arith.constant 6 : i32
        %add3A_863 = arith.addi %mul3A_477, %add3A_862 : i32
        %get3A_864 = arith.index_cast %add3A_863 : i32 to index
        %get3A_865 = arith.constant 112 : index
        %get3A_866 = tpu.vector_load %arg6[%get3A_864, %get3A_865] {strides = array<i32>} : memref<200x128xf32, #tpu.memory_space<vmem>>, vector<1x16xf32>,
        %get3A_867 = vector.shape_cast %get3A_866 : vector<1x16xf32> to vector<16xf32>
        %add3A_868 = arith.addf %add3A_812, %get3A_867 : vector<16xf32>
        %add3A_869 = arith.constant 7 : i32
        %add3A_870 = arith.addi %mul3A_477, %add3A_869 : i32
        %get3A_871 = arith.index_cast %add3A_870 : i32 to index
        %get3A_872 = arith.constant 0 : index
        %get3A_873 = tpu.vector_load %arg6[%get3A_871, %get3A_872] {strides = array<i32>} : memref<200x128xf32, #tpu.memory_space<vmem>>, vector<1x16xf32>,
        %get3A_874 = vector.shape_cast %get3A_873 : vector<1x16xf32> to vector<16xf32>
        %add3A_875 = arith.addf %add3A_819, %get3A_874 : vector<16xf32>
        %add3A_876 = arith.constant 7 : i32
        %add3A_877 = arith.addi %mul3A_477, %add3A_876 : i32
        %get3A_878 = arith.index_cast %add3A_877 : i32 to index
        %get3A_879 = arith.constant 16 : index
        %get3A_880 = tpu.vector_load %arg6[%get3A_878, %get3A_879] {strides = array<i32>} : memref<200x128xf32, #tpu.memory_space<vmem>>, vector<1x16xf32>,
        %get3A_881 = vector.shape_cast %get3A_880 : vector<1x16xf32> to vector<16xf32>
        %add3A_882 = arith.addf %add3A_826, %get3A_881 : vector<16xf32>
        %add3A_883 = arith.constant 7 : i32
        %add3A_884 = arith.addi %mul3A_477, %add3A_883 : i32
        %get3A_885 = arith.index_cast %add3A_884 : i32 to index
        %get3A_886 = arith.constant 32 : index
        %get3A_887 = tpu.vector_load %arg6[%get3A_885, %get3A_886] {strides = array<i32>} : memref<200x128xf32, #tpu.memory_space<vmem>>, vector<1x16xf32>,
        %get3A_888 = vector.shape_cast %get3A_887 : vector<1x16xf32> to vector<16xf32>
        %add3A_889 = arith.addf %add3A_833, %get3A_888 : vector<16xf32>
        %add3A_890 = arith.constant 7 : i32
        %add3A_891 = arith.addi %mul3A_477, %add3A_890 : i32
        %get3A_892 = arith.index_cast %add3A_891 : i32 to index
        %get3A_893 = arith.constant 48 : index
        %get3A_894 = tpu.vector_load %arg6[%get3A_892, %get3A_893] {strides = array<i32>} : memref<200x128xf32, #tpu.memory_space<vmem>>, vector<1x16xf32>,
        %get3A_895 = vector.shape_cast %get3A_894 : vector<1x16xf32> to vector<16xf32>
        %add3A_896 = arith.addf %add3A_840, %get3A_895 : vector<16xf32>
        %add3A_897 = arith.constant 7 : i32
        %add3A_898 = arith.addi %mul3A_477, %add3A_897 : i32
        %get3A_899 = arith.index_cast %add3A_898 : i32 to index
        %get3A_900 = arith.constant 64 : index
        %get3A_901 = tpu.vector_load %arg6[%get3A_899, %get3A_900] {strides = array<i32>} : memref<200x128xf32, #tpu.memory_space<vmem>>, vector<1x16xf32>,
        %get3A_902 = vector.shape_cast %get3A_901 : vector<1x16xf32> to vector<16xf32>
        %add3A_903 = arith.addf %add3A_847, %get3A_902 : vector<16xf32>
        %add3A_904 = arith.constant 7 : i32
        %add3A_905 = arith.addi %mul3A_477, %add3A_904 : i32
        %get3A_906 = arith.index_cast %add3A_905 : i32 to index
        %get3A_907 = arith.constant 80 : index
        %get3A_908 = tpu.vector_load %arg6[%get3A_906, %get3A_907] {strides = array<i32>} : memref<200x128xf32, #tpu.memory_space<vmem>>, vector<1x16xf32>,
        %get3A_909 = vector.shape_cast %get3A_908 : vector<1x16xf32> to vector<16xf32>
        %add3A_910 = arith.addf %add3A_854, %get3A_909 : vector<16xf32>
        %add3A_911 = arith.constant 7 : i32
        %add3A_912 = arith.addi %mul3A_477, %add3A_911 : i32
        %get3A_913 = arith.index_cast %add3A_912 : i32 to index
        %get3A_914 = arith.constant 96 : index
        %get3A_915 = tpu.vector_load %arg6[%get3A_913, %get3A_914] {strides = array<i32>} : memref<200x128xf32, #tpu.memory_space<vmem>>, vector<1x16xf32>,
        %get3A_916 = vector.shape_cast %get3A_915 : vector<1x16xf32> to vector<16xf32>
        %add3A_917 = arith.addf %add3A_861, %get3A_916 : vector<16xf32>
        %add3A_918 = arith.constant 7 : i32
        %add3A_919 = arith.addi %mul3A_477, %add3A_918 : i32
        %get3A_920 = arith.index_cast %add3A_919 : i32 to index
        %get3A_921 = arith.constant 112 : index
        %get3A_922 = tpu.vector_load %arg6[%get3A_920, %get3A_921] {strides = array<i32>} : memref<200x128xf32, #tpu.memory_space<vmem>>, vector<1x16xf32>,
        %get3A_923 = vector.shape_cast %get3A_922 : vector<1x16xf32> to vector<16xf32>
        %add3A_924 = arith.addf %add3A_868, %get3A_923 : vector<16xf32>
        scf.yield %add3A_875, %add3A_882, %add3A_889, %add3A_896, %add3A_903, %add3A_910, %add3A_917, %add3A_924 : vector<16xf32>, vector<16xf32>, vector<16xf32>, vector<16xf32>, vector<16xf32>, vector<16xf32>, vector<16xf32>, vector<16xf32>
      }
      %scan3A_246 = arith.constant 25 : i32
      %swap3A_247 = arith.index_cast %mul3A_198 : i32 to index
      %swap3A_248 = arith.constant 0 : index
      %swap3A_249 = tpu.vector_load %arg9[%swap3A_247, %swap3A_248] {strides = array<i32>} : memref<128x128xf32, #tpu.memory_space<vmem>>, vector<1x16xf32>,
      %swap3A_250 = vector.shape_cast %swap3A_249 : vector<1x16xf32> to vector<16xf32>
      %swap3A_251 = vector.shape_cast %scan3A_245#0 : vector<16xf32> to vector<1x16xf32>
      tpu.vector_store %arg9[%swap3A_247, %swap3A_248], %swap3A_251 {strides = array<i32>} : memref<128x128xf32, #tpu.memory_space<vmem>>, vector<1x16xf32>,
      %swap3A_252 = arith.index_cast %mul3A_198 : i32 to index
      %swap3A_253 = arith.constant 16 : index
      %swap3A_254 = tpu.vector_load %arg9[%swap3A_252, %swap3A_253] {strides = array<i32>} : memref<128x128xf32, #tpu.memory_space<vmem>>, vector<1x16xf32>,
      %swap3A_255 = vector.shape_cast %swap3A_254 : vector<1x16xf32> to vector<16xf32>
      %swap3A_256 = vector.shape_cast %scan3A_245#1 : vector<16xf32> to vector<1x16xf32>
      tpu.vector_store %arg9[%swap3A_252, %swap3A_253], %swap3A_256 {strides = array<i32>} : memref<128x128xf32, #tpu.memory_space<vmem>>, vector<1x16xf32>,
      %swap3A_257 = arith.index_cast %mul3A_198 : i32 to index
      %swap3A_258 = arith.constant 32 : index
      %swap3A_259 = tpu.vector_load %arg9[%swap3A_257, %swap3A_258] {strides = array<i32>} : memref<128x128xf32, #tpu.memory_space<vmem>>, vector<1x16xf32>,
      %swap3A_260 = vector.shape_cast %swap3A_259 : vector<1x16xf32> to vector<16xf32>
      %swap3A_261 = vector.shape_cast %scan3A_245#2 : vector<16xf32> to vector<1x16xf32>
      tpu.vector_store %arg9[%swap3A_257, %swap3A_258], %swap3A_261 {strides = array<i32>} : memref<128x128xf32, #tpu.memory_space<vmem>>, vector<1x16xf32>,
      %swap3A_262 = arith.index_cast %mul3A_198 : i32 to index
      %swap3A_263 = arith.constant 48 : index
      %swap3A_264 = tpu.vector_load %arg9[%swap3A_262, %swap3A_263] {strides = array<i32>} : memref<128x128xf32, #tpu.memory_space<vmem>>, vector<1x16xf32>,
      %swap3A_265 = vector.shape_cast %swap3A_264 : vector<1x16xf32> to vector<16xf32>
      %swap3A_266 = vector.shape_cast %scan3A_245#3 : vector<16xf32> to vector<1x16xf32>
      tpu.vector_store %arg9[%swap3A_262, %swap3A_263], %swap3A_266 {strides = array<i32>} : memref<128x128xf32, #tpu.memory_space<vmem>>, vector<1x16xf32>,
      %swap3A_267 = arith.index_cast %mul3A_198 : i32 to index
      %swap3A_268 = arith.constant 64 : index
      %swap3A_269 = tpu.vector_load %arg9[%swap3A_267, %swap3A_268] {strides = array<i32>} : memref<128x128xf32, #tpu.memory_space<vmem>>, vector<1x16xf32>,
      %swap3A_270 = vector.shape_cast %swap3A_269 : vector<1x16xf32> to vector<16xf32>
      %swap3A_271 = vector.shape_cast %scan3A_245#4 : vector<16xf32> to vector<1x16xf32>
      tpu.vector_store %arg9[%swap3A_267, %swap3A_268], %swap3A_271 {strides = array<i32>} : memref<128x128xf32, #tpu.memory_space<vmem>>, vector<1x16xf32>,
      %swap3A_272 = arith.index_cast %mul3A_198 : i32 to index
      %swap3A_273 = arith.constant 80 : index
      %swap3A_274 = tpu.vector_load %arg9[%swap3A_272, %swap3A_273] {strides = array<i32>} : memref<128x128xf32, #tpu.memory_space<vmem>>, vector<1x16xf32>,
      %swap3A_275 = vector.shape_cast %swap3A_274 : vector<1x16xf32> to vector<16xf32>
      %swap3A_276 = vector.shape_cast %scan3A_245#5 : vector<16xf32> to vector<1x16xf32>
      tpu.vector_store %arg9[%swap3A_272, %swap3A_273], %swap3A_276 {strides = array<i32>} : memref<128x128xf32, #tpu.memory_space<vmem>>, vector<1x16xf32>,
      %swap3A_277 = arith.index_cast %mul3A_198 : i32 to index
      %swap3A_278 = arith.constant 96 : index
      %swap3A_279 = tpu.vector_load %arg9[%swap3A_277, %swap3A_278] {strides = array<i32>} : memref<128x128xf32, #tpu.memory_space<vmem>>, vector<1x16xf32>,
      %swap3A_280 = vector.shape_cast %swap3A_279 : vector<1x16xf32> to vector<16xf32>
      %swap3A_281 = vector.shape_cast %scan3A_245#6 : vector<16xf32> to vector<1x16xf32>
      tpu.vector_store %arg9[%swap3A_277, %swap3A_278], %swap3A_281 {strides = array<i32>} : memref<128x128xf32, #tpu.memory_space<vmem>>, vector<1x16xf32>,
      %swap3A_282 = arith.index_cast %mul3A_198 : i32 to index
      %swap3A_283 = arith.constant 112 : index
      %swap3A_284 = tpu.vector_load %arg9[%swap3A_282, %swap3A_283] {strides = array<i32>} : memref<128x128xf32, #tpu.memory_space<vmem>>, vector<1x16xf32>,
      %swap3A_285 = vector.shape_cast %swap3A_284 : vector<1x16xf32> to vector<16xf32>
      %swap3A_286 = vector.shape_cast %scan3A_245#7 : vector<16xf32> to vector<1x16xf32>
      tpu.vector_store %arg9[%swap3A_282, %swap3A_283], %swap3A_286 {strides = array<i32>} : memref<128x128xf32, #tpu.memory_space<vmem>>, vector<1x16xf32>,
      %add3A_287 = arith.constant 3 : i32
      %add3A_288 = arith.addi %mul3A_198, %add3A_287 : i32
      %dma_start3A_289 = arith.constant 0 : i32
      %dma_start3A_290 = arith.constant 0 : i32
      %dma_start3A_291 = tpu.memref_slice %arg6[%dma_start3A_289, %dma_start3A_290] : memref<200x128xf32, #tpu.memory_space<vmem>> -> memref<128x128xf32, #tpu.memory_space<vmem>>
      %dma_start3A_292 = arith.constant 0 : i32
      %dma_start3A_293 = tpu.memref_slice %arg5[%add3A_288, %dma_start3A_292] : memref<128x200xi32, #tpu.memory_space<vmem>> -> memref<1x128xi32, #tpu.memory_space<vmem>>
      %dma_start3A_294 = tpu.memref_squeeze %dma_start3A_293 : memref<1x128xi32, #tpu.memory_space<vmem>> -> memref<128xi32, #tpu.memory_space<vmem>>
      %dma_start3A_295 = arith.constant 0 : i32
      %dma_start3A_296 = arith.constant 0 : i32
      %dma_start3A_297 = tpu.memref_slice %arg2[%dma_start3A_295, %dma_start3A_296] : memref<1000000x128xf32, #tpu.memory_space<hbm>> -> memref<1000000x128xf32, #tpu.memory_space<hbm>>
      tpu.enqueue_indirect_dma source(%dma_start3A_297 : memref<1000000x128xf32, #tpu.memory_space<hbm>>) target(%dma_start3A_291 : memref<128x128xf32, #tpu.memory_space<vmem>>) offsets(%dma_start3A_294 : memref<128xi32, #tpu.memory_space<vmem>>) semaphore(%arg10 : memref<!tpu.dma_semaphore, #tpu.memory_space<semaphore_mem>>)
      %dma_start3A_298 = arith.constant 128 : i32
      %dma_start3A_299 = arith.constant 0 : i32
      %dma_start3A_300 = tpu.memref_slice %arg6[%dma_start3A_298, %dma_start3A_299] : memref<200x128xf32, #tpu.memory_space<vmem>> -> memref<72x128xf32, #tpu.memory_space<vmem>>
      %dma_start3A_301 = arith.constant 128 : i32
      %dma_start3A_302 = tpu.memref_slice %arg5[%add3A_288, %dma_start3A_301] : memref<128x200xi32, #tpu.memory_space<vmem>> -> memref<1x72xi32, #tpu.memory_space<vmem>>
      %dma_start3A_303 = tpu.memref_squeeze %dma_start3A_302 : memref<1x72xi32, #tpu.memory_space<vmem>> -> memref<72xi32, #tpu.memory_space<vmem>>
      %dma_start3A_304 = arith.constant 0 : i32
      %dma_start3A_305 = arith.constant 0 : i32
      %dma_start3A_306 = tpu.memref_slice %arg2[%dma_start3A_304, %dma_start3A_305] : memref<1000000x128xf32, #tpu.memory_space<hbm>> -> memref<1000000x128xf32, #tpu.memory_space<hbm>>
      tpu.enqueue_indirect_dma source(%dma_start3A_306 : memref<1000000x128xf32, #tpu.memory_space<hbm>>) target(%dma_start3A_300 : memref<72x128xf32, #tpu.memory_space<vmem>>) offsets(%dma_start3A_303 : memref<72xi32, #tpu.memory_space<vmem>>) semaphore(%arg10 : memref<!tpu.dma_semaphore, #tpu.memory_space<semaphore_mem>>)
      %dma_wait3A_307 = arith.constant 0 : i32
      %dma_wait3A_308 = arith.constant 0 : i32
      %dma_wait3A_309 = tpu.memref_slice %arg2[%dma_wait3A_307, %dma_wait3A_308] : memref<1000000x128xf32, #tpu.memory_space<hbm>> -> memref<200x128xf32, #tpu.memory_space<hbm>>
      %dma_wait3A_310 = arith.constant 0 : i32
      %dma_wait3A_311 = arith.constant 0 : i32
      %dma_wait3A_312 = tpu.memref_slice %arg2[%dma_wait3A_310, %dma_wait3A_311] : memref<1000000x128xf32, #tpu.memory_space<hbm>> -> memref<200x128xf32, #tpu.memory_space<hbm>>
      tpu.wait_dma2 semaphore(%arg11 : memref<!tpu.dma_semaphore, #tpu.memory_space<semaphore_mem>>) src(%dma_wait3A_312 : memref<200x128xf32, #tpu.memory_space<hbm>>) dst(%arg7 : memref<200x128xf32, #tpu.memory_space<vmem>>)
      %add3A_313 = arith.constant 1 : i32
      %add3A_314 = arith.addi %mul3A_198, %add3A_313 : i32
      %broadcast_in_dim3A_315 = arith.constant 0.000000e+00 : f32
      %broadcast_in_dim3A_316 = vector.broadcast %broadcast_in_dim3A_315 : f32 to vector<16xf32>
      %broadcast_in_dim3A_317 = arith.constant 0.000000e+00 : f32
      %broadcast_in_dim3A_318 = vector.broadcast %broadcast_in_dim3A_317 : f32 to vector<16xf32>
      %broadcast_in_dim3A_319 = arith.constant 0.000000e+00 : f32
      %broadcast_in_dim3A_320 = vector.broadcast %broadcast_in_dim3A_319 : f32 to vector<16xf32>
      %broadcast_in_dim3A_321 = arith.constant 0.000000e+00 : f32
      %broadcast_in_dim3A_322 = vector.broadcast %broadcast_in_dim3A_321 : f32 to vector<16xf32>
      %broadcast_in_dim3A_323 = arith.constant 0.000000e+00 : f32
      %broadcast_in_dim3A_324 = vector.broadcast %broadcast_in_dim3A_323 : f32 to vector<16xf32>
      %broadcast_in_dim3A_325 = arith.constant 0.000000e+00 : f32
      %broadcast_in_dim3A_326 = vector.broadcast %broadcast_in_dim3A_325 : f32 to vector<16xf32>
      %broadcast_in_dim3A_327 = arith.constant 0.000000e+00 : f32
      %broadcast_in_dim3A_328 = vector.broadcast %broadcast_in_dim3A_327 : f32 to vector<16xf32>
      %broadcast_in_dim3A_329 = arith.constant 0.000000e+00 : f32
      %broadcast_in_dim3A_330 = vector.broadcast %broadcast_in_dim3A_329 : f32 to vector<16xf32>
      %scan3A_331 = arith.constant 0 : i32
      %scan3A_332 = arith.constant 25 : i32
      %scan3A_333 = arith.addi %scan3A_331, %scan3A_332 : i32
      %scan3A_334 = arith.constant 1 : i32
      %scan3A_335:8 = scf.for %scan3A_467 = %scan3A_331 to %scan3A_333 step %scan3A_334 iter_args(%scan3A_468 = %broadcast_in_dim3A_316, %scan3A_469 = %broadcast_in_dim3A_318, %scan3A_470 = %broadcast_in_dim3A_320, %scan3A_471 = %broadcast_in_dim3A_322, %scan3A_472 = %broadcast_in_dim3A_324, %scan3A_473 = %broadcast_in_dim3A_326, %scan3A_474 = %broadcast_in_dim3A_328, %scan3A_475 = %broadcast_in_dim3A_330) -> (vector<16xf32>, vector<16xf32>, vector<16xf32>, vector<16xf32>, vector<16xf32>, vector<16xf32>, vector<16xf32>, vector<16xf32>)  : i32 {
        %mul3A_476 = arith.constant 8 : i32
        %mul3A_477 = arith.muli %mul3A_476, %scan3A_467 : i32
        %add3A_478 = arith.constant 0 : i32
        %add3A_479 = arith.addi %mul3A_477, %add3A_478 : i32
        %get3A = arith.index_cast %add3A_479 : i32 to index
        %get3A_480 = arith.constant 0 : index
        %get3A_481 = tpu.vector_load %arg7[%get3A, %get3A_480] {strides = array<i32>} : memref<200x128xf32, #tpu.memory_space<vmem>>, vector<1x16xf32>,
        %get3A_482 = vector.shape_cast %get3A_481 : vector<1x16xf32> to vector<16xf32>
        %add3A_483 = arith.addf %scan3A_468, %get3A_482 : vector<16xf32>
        %add3A_484 = arith.constant 0 : i32
        %add3A_485 = arith.addi %mul3A_477, %add3A_484 : i32
        %get3A_486 = arith.index_cast %add3A_485 : i32 to index
        %get3A_487 = arith.constant 16 : index
        %get3A_488 = tpu.vector_load %arg7[%get3A_486, %get3A_487] {strides = array<i32>} : memref<200x128xf32, #tpu.memory_space<vmem>>, vector<1x16xf32>,
        %get3A_489 = vector.shape_cast %get3A_488 : vector<1x16xf32> to vector<16xf32>
        %add3A_490 = arith.addf %scan3A_469, %get3A_489 : vector<16xf32>
        %add3A_491 = arith.constant 0 : i32
        %add3A_492 = arith.addi %mul3A_477, %add3A_491 : i32
        %get3A_493 = arith.index_cast %add3A_492 : i32 to index
        %get3A_494 = arith.constant 32 : index
        %get3A_495 = tpu.vector_load %arg7[%get3A_493, %get3A_494] {strides = array<i32>} : memref<200x128xf32, #tpu.memory_space<vmem>>, vector<1x16xf32>,
        %get3A_496 = vector.shape_cast %get3A_495 : vector<1x16xf32> to vector<16xf32>
        %add3A_497 = arith.addf %scan3A_470, %get3A_496 : vector<16xf32>
        %add3A_498 = arith.constant 0 : i32
        %add3A_499 = arith.addi %mul3A_477, %add3A_498 : i32
        %get3A_500 = arith.index_cast %add3A_499 : i32 to index
        %get3A_501 = arith.constant 48 : index
        %get3A_502 = tpu.vector_load %arg7[%get3A_500, %get3A_501] {strides = array<i32>} : memref<200x128xf32, #tpu.memory_space<vmem>>, vector<1x16xf32>,
        %get3A_503 = vector.shape_cast %get3A_502 : vector<1x16xf32> to vector<16xf32>
        %add3A_504 = arith.addf %scan3A_471, %get3A_503 : vector<16xf32>
        %add3A_505 = arith.constant 0 : i32
        %add3A_506 = arith.addi %mul3A_477, %add3A_505 : i32
        %get3A_507 = arith.index_cast %add3A_506 : i32 to index
        %get3A_508 = arith.constant 64 : index
        %get3A_509 = tpu.vector_load %arg7[%get3A_507, %get3A_508] {strides = array<i32>} : memref<200x128xf32, #tpu.memory_space<vmem>>, vector<1x16xf32>,
        %get3A_510 = vector.shape_cast %get3A_509 : vector<1x16xf32> to vector<16xf32>
        %add3A_511 = arith.addf %scan3A_472, %get3A_510 : vector<16xf32>
        %add3A_512 = arith.constant 0 : i32
        %add3A_513 = arith.addi %mul3A_477, %add3A_512 : i32
        %get3A_514 = arith.index_cast %add3A_513 : i32 to index
        %get3A_515 = arith.constant 80 : index
        %get3A_516 = tpu.vector_load %arg7[%get3A_514, %get3A_515] {strides = array<i32>} : memref<200x128xf32, #tpu.memory_space<vmem>>, vector<1x16xf32>,
        %get3A_517 = vector.shape_cast %get3A_516 : vector<1x16xf32> to vector<16xf32>
        %add3A_518 = arith.addf %scan3A_473, %get3A_517 : vector<16xf32>
        %add3A_519 = arith.constant 0 : i32
        %add3A_520 = arith.addi %mul3A_477, %add3A_519 : i32
        %get3A_521 = arith.index_cast %add3A_520 : i32 to index
        %get3A_522 = arith.constant 96 : index
        %get3A_523 = tpu.vector_load %arg7[%get3A_521, %get3A_522] {strides = array<i32>} : memref<200x128xf32, #tpu.memory_space<vmem>>, vector<1x16xf32>,
        %get3A_524 = vector.shape_cast %get3A_523 : vector<1x16xf32> to vector<16xf32>
        %add3A_525 = arith.addf %scan3A_474, %get3A_524 : vector<16xf32>
        %add3A_526 = arith.constant 0 : i32
        %add3A_527 = arith.addi %mul3A_477, %add3A_526 : i32
        %get3A_528 = arith.index_cast %add3A_527 : i32 to index
        %get3A_529 = arith.constant 112 : index
        %get3A_530 = tpu.vector_load %arg7[%get3A_528, %get3A_529] {strides = array<i32>} : memref<200x128xf32, #tpu.memory_space<vmem>>, vector<1x16xf32>,
        %get3A_531 = vector.shape_cast %get3A_530 : vector<1x16xf32> to vector<16xf32>
        %add3A_532 = arith.addf %scan3A_475, %get3A_531 : vector<16xf32>
        %add3A_533 = arith.constant 1 : i32
        %add3A_534 = arith.addi %mul3A_477, %add3A_533 : i32
        %get3A_535 = arith.index_cast %add3A_534 : i32 to index
        %get3A_536 = arith.constant 0 : index
        %get3A_537 = tpu.vector_load %arg7[%get3A_535, %get3A_536] {strides = array<i32>} : memref<200x128xf32, #tpu.memory_space<vmem>>, vector<1x16xf32>,
        %get3A_538 = vector.shape_cast %get3A_537 : vector<1x16xf32> to vector<16xf32>
        %add3A_539 = arith.addf %add3A_483, %get3A_538 : vector<16xf32>
        %add3A_540 = arith.constant 1 : i32
        %add3A_541 = arith.addi %mul3A_477, %add3A_540 : i32
        %get3A_542 = arith.index_cast %add3A_541 : i32 to index
        %get3A_543 = arith.constant 16 : index
        %get3A_544 = tpu.vector_load %arg7[%get3A_542, %get3A_543] {strides = array<i32>} : memref<200x128xf32, #tpu.memory_space<vmem>>, vector<1x16xf32>,
        %get3A_545 = vector.shape_cast %get3A_544 : vector<1x16xf32> to vector<16xf32>
        %add3A_546 = arith.addf %add3A_490, %get3A_545 : vector<16xf32>
        %add3A_547 = arith.constant 1 : i32
        %add3A_548 = arith.addi %mul3A_477, %add3A_547 : i32
        %get3A_549 = arith.index_cast %add3A_548 : i32 to index
        %get3A_550 = arith.constant 32 : index
        %get3A_551 = tpu.vector_load %arg7[%get3A_549, %get3A_550] {strides = array<i32>} : memref<200x128xf32, #tpu.memory_space<vmem>>, vector<1x16xf32>,
        %get3A_552 = vector.shape_cast %get3A_551 : vector<1x16xf32> to vector<16xf32>
        %add3A_553 = arith.addf %add3A_497, %get3A_552 : vector<16xf32>
        %add3A_554 = arith.constant 1 : i32
        %add3A_555 = arith.addi %mul3A_477, %add3A_554 : i32
        %get3A_556 = arith.index_cast %add3A_555 : i32 to index
        %get3A_557 = arith.constant 48 : index
        %get3A_558 = tpu.vector_load %arg7[%get3A_556, %get3A_557] {strides = array<i32>} : memref<200x128xf32, #tpu.memory_space<vmem>>, vector<1x16xf32>,
        %get3A_559 = vector.shape_cast %get3A_558 : vector<1x16xf32> to vector<16xf32>
        %add3A_560 = arith.addf %add3A_504, %get3A_559 : vector<16xf32>
        %add3A_561 = arith.constant 1 : i32
        %add3A_562 = arith.addi %mul3A_477, %add3A_561 : i32
        %get3A_563 = arith.index_cast %add3A_562 : i32 to index
        %get3A_564 = arith.constant 64 : index
        %get3A_565 = tpu.vector_load %arg7[%get3A_563, %get3A_564] {strides = array<i32>} : memref<200x128xf32, #tpu.memory_space<vmem>>, vector<1x16xf32>,
        %get3A_566 = vector.shape_cast %get3A_565 : vector<1x16xf32> to vector<16xf32>
        %add3A_567 = arith.addf %add3A_511, %get3A_566 : vector<16xf32>
        %add3A_568 = arith.constant 1 : i32
        %add3A_569 = arith.addi %mul3A_477, %add3A_568 : i32
        %get3A_570 = arith.index_cast %add3A_569 : i32 to index
        %get3A_571 = arith.constant 80 : index
        %get3A_572 = tpu.vector_load %arg7[%get3A_570, %get3A_571] {strides = array<i32>} : memref<200x128xf32, #tpu.memory_space<vmem>>, vector<1x16xf32>,
        %get3A_573 = vector.shape_cast %get3A_572 : vector<1x16xf32> to vector<16xf32>
        %add3A_574 = arith.addf %add3A_518, %get3A_573 : vector<16xf32>
        %add3A_575 = arith.constant 1 : i32
        %add3A_576 = arith.addi %mul3A_477, %add3A_575 : i32
        %get3A_577 = arith.index_cast %add3A_576 : i32 to index
        %get3A_578 = arith.constant 96 : index
        %get3A_579 = tpu.vector_load %arg7[%get3A_577, %get3A_578] {strides = array<i32>} : memref<200x128xf32, #tpu.memory_space<vmem>>, vector<1x16xf32>,
        %get3A_580 = vector.shape_cast %get3A_579 : vector<1x16xf32> to vector<16xf32>
        %add3A_581 = arith.addf %add3A_525, %get3A_580 : vector<16xf32>
        %add3A_582 = arith.constant 1 : i32
        %add3A_583 = arith.addi %mul3A_477, %add3A_582 : i32
        %get3A_584 = arith.index_cast %add3A_583 : i32 to index
        %get3A_585 = arith.constant 112 : index
        %get3A_586 = tpu.vector_load %arg7[%get3A_584, %get3A_585] {strides = array<i32>} : memref<200x128xf32, #tpu.memory_space<vmem>>, vector<1x16xf32>,
        %get3A_587 = vector.shape_cast %get3A_586 : vector<1x16xf32> to vector<16xf32>
        %add3A_588 = arith.addf %add3A_532, %get3A_587 : vector<16xf32>
        %add3A_589 = arith.constant 2 : i32
        %add3A_590 = arith.addi %mul3A_477, %add3A_589 : i32
        %get3A_591 = arith.index_cast %add3A_590 : i32 to index
        %get3A_592 = arith.constant 0 : index
        %get3A_593 = tpu.vector_load %arg7[%get3A_591, %get3A_592] {strides = array<i32>} : memref<200x128xf32, #tpu.memory_space<vmem>>, vector<1x16xf32>,
        %get3A_594 = vector.shape_cast %get3A_593 : vector<1x16xf32> to vector<16xf32>
        %add3A_595 = arith.addf %add3A_539, %get3A_594 : vector<16xf32>
        %add3A_596 = arith.constant 2 : i32
        %add3A_597 = arith.addi %mul3A_477, %add3A_596 : i32
        %get3A_598 = arith.index_cast %add3A_597 : i32 to index
        %get3A_599 = arith.constant 16 : index
        %get3A_600 = tpu.vector_load %arg7[%get3A_598, %get3A_599] {strides = array<i32>} : memref<200x128xf32, #tpu.memory_space<vmem>>, vector<1x16xf32>,
        %get3A_601 = vector.shape_cast %get3A_600 : vector<1x16xf32> to vector<16xf32>
        %add3A_602 = arith.addf %add3A_546, %get3A_601 : vector<16xf32>
        %add3A_603 = arith.constant 2 : i32
        %add3A_604 = arith.addi %mul3A_477, %add3A_603 : i32
        %get3A_605 = arith.index_cast %add3A_604 : i32 to index
        %get3A_606 = arith.constant 32 : index
        %get3A_607 = tpu.vector_load %arg7[%get3A_605, %get3A_606] {strides = array<i32>} : memref<200x128xf32, #tpu.memory_space<vmem>>, vector<1x16xf32>,
        %get3A_608 = vector.shape_cast %get3A_607 : vector<1x16xf32> to vector<16xf32>
        %add3A_609 = arith.addf %add3A_553, %get3A_608 : vector<16xf32>
        %add3A_610 = arith.constant 2 : i32
        %add3A_611 = arith.addi %mul3A_477, %add3A_610 : i32
        %get3A_612 = arith.index_cast %add3A_611 : i32 to index
        %get3A_613 = arith.constant 48 : index
        %get3A_614 = tpu.vector_load %arg7[%get3A_612, %get3A_613] {strides = array<i32>} : memref<200x128xf32, #tpu.memory_space<vmem>>, vector<1x16xf32>,
        %get3A_615 = vector.shape_cast %get3A_614 : vector<1x16xf32> to vector<16xf32>
        %add3A_616 = arith.addf %add3A_560, %get3A_615 : vector<16xf32>
        %add3A_617 = arith.constant 2 : i32
        %add3A_618 = arith.addi %mul3A_477, %add3A_617 : i32
        %get3A_619 = arith.index_cast %add3A_618 : i32 to index
        %get3A_620 = arith.constant 64 : index
        %get3A_621 = tpu.vector_load %arg7[%get3A_619, %get3A_620] {strides = array<i32>} : memref<200x128xf32, #tpu.memory_space<vmem>>, vector<1x16xf32>,
        %get3A_622 = vector.shape_cast %get3A_621 : vector<1x16xf32> to vector<16xf32>
        %add3A_623 = arith.addf %add3A_567, %get3A_622 : vector<16xf32>
        %add3A_624 = arith.constant 2 : i32
        %add3A_625 = arith.addi %mul3A_477, %add3A_624 : i32
        %get3A_626 = arith.index_cast %add3A_625 : i32 to index
        %get3A_627 = arith.constant 80 : index
        %get3A_628 = tpu.vector_load %arg7[%get3A_626, %get3A_627] {strides = array<i32>} : memref<200x128xf32, #tpu.memory_space<vmem>>, vector<1x16xf32>,
        %get3A_629 = vector.shape_cast %get3A_628 : vector<1x16xf32> to vector<16xf32>
        %add3A_630 = arith.addf %add3A_574, %get3A_629 : vector<16xf32>
        %add3A_631 = arith.constant 2 : i32
        %add3A_632 = arith.addi %mul3A_477, %add3A_631 : i32
        %get3A_633 = arith.index_cast %add3A_632 : i32 to index
        %get3A_634 = arith.constant 96 : index
        %get3A_635 = tpu.vector_load %arg7[%get3A_633, %get3A_634] {strides = array<i32>} : memref<200x128xf32, #tpu.memory_space<vmem>>, vector<1x16xf32>,
        %get3A_636 = vector.shape_cast %get3A_635 : vector<1x16xf32> to vector<16xf32>
        %add3A_637 = arith.addf %add3A_581, %get3A_636 : vector<16xf32>
        %add3A_638 = arith.constant 2 : i32
        %add3A_639 = arith.addi %mul3A_477, %add3A_638 : i32
        %get3A_640 = arith.index_cast %add3A_639 : i32 to index
        %get3A_641 = arith.constant 112 : index
        %get3A_642 = tpu.vector_load %arg7[%get3A_640, %get3A_641] {strides = array<i32>} : memref<200x128xf32, #tpu.memory_space<vmem>>, vector<1x16xf32>,
        %get3A_643 = vector.shape_cast %get3A_642 : vector<1x16xf32> to vector<16xf32>
        %add3A_644 = arith.addf %add3A_588, %get3A_643 : vector<16xf32>
        %add3A_645 = arith.constant 3 : i32
        %add3A_646 = arith.addi %mul3A_477, %add3A_645 : i32
        %get3A_647 = arith.index_cast %add3A_646 : i32 to index
        %get3A_648 = arith.constant 0 : index
        %get3A_649 = tpu.vector_load %arg7[%get3A_647, %get3A_648] {strides = array<i32>} : memref<200x128xf32, #tpu.memory_space<vmem>>, vector<1x16xf32>,
        %get3A_650 = vector.shape_cast %get3A_649 : vector<1x16xf32> to vector<16xf32>
        %add3A_651 = arith.addf %add3A_595, %get3A_650 : vector<16xf32>
        %add3A_652 = arith.constant 3 : i32
        %add3A_653 = arith.addi %mul3A_477, %add3A_652 : i32
        %get3A_654 = arith.index_cast %add3A_653 : i32 to index
        %get3A_655 = arith.constant 16 : index
        %get3A_656 = tpu.vector_load %arg7[%get3A_654, %get3A_655] {strides = array<i32>} : memref<200x128xf32, #tpu.memory_space<vmem>>, vector<1x16xf32>,
        %get3A_657 = vector.shape_cast %get3A_656 : vector<1x16xf32> to vector<16xf32>
        %add3A_658 = arith.addf %add3A_602, %get3A_657 : vector<16xf32>
        %add3A_659 = arith.constant 3 : i32
        %add3A_660 = arith.addi %mul3A_477, %add3A_659 : i32
        %get3A_661 = arith.index_cast %add3A_660 : i32 to index
        %get3A_662 = arith.constant 32 : index
        %get3A_663 = tpu.vector_load %arg7[%get3A_661, %get3A_662] {strides = array<i32>} : memref<200x128xf32, #tpu.memory_space<vmem>>, vector<1x16xf32>,
        %get3A_664 = vector.shape_cast %get3A_663 : vector<1x16xf32> to vector<16xf32>
        %add3A_665 = arith.addf %add3A_609, %get3A_664 : vector<16xf32>
        %add3A_666 = arith.constant 3 : i32
        %add3A_667 = arith.addi %mul3A_477, %add3A_666 : i32
        %get3A_668 = arith.index_cast %add3A_667 : i32 to index
        %get3A_669 = arith.constant 48 : index
        %get3A_670 = tpu.vector_load %arg7[%get3A_668, %get3A_669] {strides = array<i32>} : memref<200x128xf32, #tpu.memory_space<vmem>>, vector<1x16xf32>,
        %get3A_671 = vector.shape_cast %get3A_670 : vector<1x16xf32> to vector<16xf32>
        %add3A_672 = arith.addf %add3A_616, %get3A_671 : vector<16xf32>
        %add3A_673 = arith.constant 3 : i32
        %add3A_674 = arith.addi %mul3A_477, %add3A_673 : i32
        %get3A_675 = arith.index_cast %add3A_674 : i32 to index
        %get3A_676 = arith.constant 64 : index
        %get3A_677 = tpu.vector_load %arg7[%get3A_675, %get3A_676] {strides = array<i32>} : memref<200x128xf32, #tpu.memory_space<vmem>>, vector<1x16xf32>,
        %get3A_678 = vector.shape_cast %get3A_677 : vector<1x16xf32> to vector<16xf32>
        %add3A_679 = arith.addf %add3A_623, %get3A_678 : vector<16xf32>
        %add3A_680 = arith.constant 3 : i32
        %add3A_681 = arith.addi %mul3A_477, %add3A_680 : i32
        %get3A_682 = arith.index_cast %add3A_681 : i32 to index
        %get3A_683 = arith.constant 80 : index
        %get3A_684 = tpu.vector_load %arg7[%get3A_682, %get3A_683] {strides = array<i32>} : memref<200x128xf32, #tpu.memory_space<vmem>>, vector<1x16xf32>,
        %get3A_685 = vector.shape_cast %get3A_684 : vector<1x16xf32> to vector<16xf32>
        %add3A_686 = arith.addf %add3A_630, %get3A_685 : vector<16xf32>
        %add3A_687 = arith.constant 3 : i32
        %add3A_688 = arith.addi %mul3A_477, %add3A_687 : i32
        %get3A_689 = arith.index_cast %add3A_688 : i32 to index
        %get3A_690 = arith.constant 96 : index
        %get3A_691 = tpu.vector_load %arg7[%get3A_689, %get3A_690] {strides = array<i32>} : memref<200x128xf32, #tpu.memory_space<vmem>>, vector<1x16xf32>,
        %get3A_692 = vector.shape_cast %get3A_691 : vector<1x16xf32> to vector<16xf32>
        %add3A_693 = arith.addf %add3A_637, %get3A_692 : vector<16xf32>
        %add3A_694 = arith.constant 3 : i32
        %add3A_695 = arith.addi %mul3A_477, %add3A_694 : i32
        %get3A_696 = arith.index_cast %add3A_695 : i32 to index
        %get3A_697 = arith.constant 112 : index
        %get3A_698 = tpu.vector_load %arg7[%get3A_696, %get3A_697] {strides = array<i32>} : memref<200x128xf32, #tpu.memory_space<vmem>>, vector<1x16xf32>,
        %get3A_699 = vector.shape_cast %get3A_698 : vector<1x16xf32> to vector<16xf32>
        %add3A_700 = arith.addf %add3A_644, %get3A_699 : vector<16xf32>
        %add3A_701 = arith.constant 4 : i32
        %add3A_702 = arith.addi %mul3A_477, %add3A_701 : i32
        %get3A_703 = arith.index_cast %add3A_702 : i32 to index
        %get3A_704 = arith.constant 0 : index
        %get3A_705 = tpu.vector_load %arg7[%get3A_703, %get3A_704] {strides = array<i32>} : memref<200x128xf32, #tpu.memory_space<vmem>>, vector<1x16xf32>,
        %get3A_706 = vector.shape_cast %get3A_705 : vector<1x16xf32> to vector<16xf32>
        %add3A_707 = arith.addf %add3A_651, %get3A_706 : vector<16xf32>
        %add3A_708 = arith.constant 4 : i32
        %add3A_709 = arith.addi %mul3A_477, %add3A_708 : i32
        %get3A_710 = arith.index_cast %add3A_709 : i32 to index
        %get3A_711 = arith.constant 16 : index
        %get3A_712 = tpu.vector_load %arg7[%get3A_710, %get3A_711] {strides = array<i32>} : memref<200x128xf32, #tpu.memory_space<vmem>>, vector<1x16xf32>,
        %get3A_713 = vector.shape_cast %get3A_712 : vector<1x16xf32> to vector<16xf32>
        %add3A_714 = arith.addf %add3A_658, %get3A_713 : vector<16xf32>
        %add3A_715 = arith.constant 4 : i32
        %add3A_716 = arith.addi %mul3A_477, %add3A_715 : i32
        %get3A_717 = arith.index_cast %add3A_716 : i32 to index
        %get3A_718 = arith.constant 32 : index
        %get3A_719 = tpu.vector_load %arg7[%get3A_717, %get3A_718] {strides = array<i32>} : memref<200x128xf32, #tpu.memory_space<vmem>>, vector<1x16xf32>,
        %get3A_720 = vector.shape_cast %get3A_719 : vector<1x16xf32> to vector<16xf32>
        %add3A_721 = arith.addf %add3A_665, %get3A_720 : vector<16xf32>
        %add3A_722 = arith.constant 4 : i32
        %add3A_723 = arith.addi %mul3A_477, %add3A_722 : i32
        %get3A_724 = arith.index_cast %add3A_723 : i32 to index
        %get3A_725 = arith.constant 48 : index
        %get3A_726 = tpu.vector_load %arg7[%get3A_724, %get3A_725] {strides = array<i32>} : memref<200x128xf32, #tpu.memory_space<vmem>>, vector<1x16xf32>,
        %get3A_727 = vector.shape_cast %get3A_726 : vector<1x16xf32> to vector<16xf32>
        %add3A_728 = arith.addf %add3A_672, %get3A_727 : vector<16xf32>
        %add3A_729 = arith.constant 4 : i32
        %add3A_730 = arith.addi %mul3A_477, %add3A_729 : i32
        %get3A_731 = arith.index_cast %add3A_730 : i32 to index
        %get3A_732 = arith.constant 64 : index
        %get3A_733 = tpu.vector_load %arg7[%get3A_731, %get3A_732] {strides = array<i32>} : memref<200x128xf32, #tpu.memory_space<vmem>>, vector<1x16xf32>,
        %get3A_734 = vector.shape_cast %get3A_733 : vector<1x16xf32> to vector<16xf32>
        %add3A_735 = arith.addf %add3A_679, %get3A_734 : vector<16xf32>
        %add3A_736 = arith.constant 4 : i32
        %add3A_737 = arith.addi %mul3A_477, %add3A_736 : i32
        %get3A_738 = arith.index_cast %add3A_737 : i32 to index
        %get3A_739 = arith.constant 80 : index
        %get3A_740 = tpu.vector_load %arg7[%get3A_738, %get3A_739] {strides = array<i32>} : memref<200x128xf32, #tpu.memory_space<vmem>>, vector<1x16xf32>,
        %get3A_741 = vector.shape_cast %get3A_740 : vector<1x16xf32> to vector<16xf32>
        %add3A_742 = arith.addf %add3A_686, %get3A_741 : vector<16xf32>
        %add3A_743 = arith.constant 4 : i32
        %add3A_744 = arith.addi %mul3A_477, %add3A_743 : i32
        %get3A_745 = arith.index_cast %add3A_744 : i32 to index
        %get3A_746 = arith.constant 96 : index
        %get3A_747 = tpu.vector_load %arg7[%get3A_745, %get3A_746] {strides = array<i32>} : memref<200x128xf32, #tpu.memory_space<vmem>>, vector<1x16xf32>,
        %get3A_748 = vector.shape_cast %get3A_747 : vector<1x16xf32> to vector<16xf32>
        %add3A_749 = arith.addf %add3A_693, %get3A_748 : vector<16xf32>
        %add3A_750 = arith.constant 4 : i32
        %add3A_751 = arith.addi %mul3A_477, %add3A_750 : i32
        %get3A_752 = arith.index_cast %add3A_751 : i32 to index
        %get3A_753 = arith.constant 112 : index
        %get3A_754 = tpu.vector_load %arg7[%get3A_752, %get3A_753] {strides = array<i32>} : memref<200x128xf32, #tpu.memory_space<vmem>>, vector<1x16xf32>,
        %get3A_755 = vector.shape_cast %get3A_754 : vector<1x16xf32> to vector<16xf32>
        %add3A_756 = arith.addf %add3A_700, %get3A_755 : vector<16xf32>
        %add3A_757 = arith.constant 5 : i32
        %add3A_758 = arith.addi %mul3A_477, %add3A_757 : i32
        %get3A_759 = arith.index_cast %add3A_758 : i32 to index
        %get3A_760 = arith.constant 0 : index
        %get3A_761 = tpu.vector_load %arg7[%get3A_759, %get3A_760] {strides = array<i32>} : memref<200x128xf32, #tpu.memory_space<vmem>>, vector<1x16xf32>,
        %get3A_762 = vector.shape_cast %get3A_761 : vector<1x16xf32> to vector<16xf32>
        %add3A_763 = arith.addf %add3A_707, %get3A_762 : vector<16xf32>
        %add3A_764 = arith.constant 5 : i32
        %add3A_765 = arith.addi %mul3A_477, %add3A_764 : i32
        %get3A_766 = arith.index_cast %add3A_765 : i32 to index
        %get3A_767 = arith.constant 16 : index
        %get3A_768 = tpu.vector_load %arg7[%get3A_766, %get3A_767] {strides = array<i32>} : memref<200x128xf32, #tpu.memory_space<vmem>>, vector<1x16xf32>,
        %get3A_769 = vector.shape_cast %get3A_768 : vector<1x16xf32> to vector<16xf32>
        %add3A_770 = arith.addf %add3A_714, %get3A_769 : vector<16xf32>
        %add3A_771 = arith.constant 5 : i32
        %add3A_772 = arith.addi %mul3A_477, %add3A_771 : i32
        %get3A_773 = arith.index_cast %add3A_772 : i32 to index
        %get3A_774 = arith.constant 32 : index
        %get3A_775 = tpu.vector_load %arg7[%get3A_773, %get3A_774] {strides = array<i32>} : memref<200x128xf32, #tpu.memory_space<vmem>>, vector<1x16xf32>,
        %get3A_776 = vector.shape_cast %get3A_775 : vector<1x16xf32> to vector<16xf32>
        %add3A_777 = arith.addf %add3A_721, %get3A_776 : vector<16xf32>
        %add3A_778 = arith.constant 5 : i32
        %add3A_779 = arith.addi %mul3A_477, %add3A_778 : i32
        %get3A_780 = arith.index_cast %add3A_779 : i32 to index
        %get3A_781 = arith.constant 48 : index
        %get3A_782 = tpu.vector_load %arg7[%get3A_780, %get3A_781] {strides = array<i32>} : memref<200x128xf32, #tpu.memory_space<vmem>>, vector<1x16xf32>,
        %get3A_783 = vector.shape_cast %get3A_782 : vector<1x16xf32> to vector<16xf32>
        %add3A_784 = arith.addf %add3A_728, %get3A_783 : vector<16xf32>
        %add3A_785 = arith.constant 5 : i32
        %add3A_786 = arith.addi %mul3A_477, %add3A_785 : i32
        %get3A_787 = arith.index_cast %add3A_786 : i32 to index
        %get3A_788 = arith.constant 64 : index
        %get3A_789 = tpu.vector_load %arg7[%get3A_787, %get3A_788] {strides = array<i32>} : memref<200x128xf32, #tpu.memory_space<vmem>>, vector<1x16xf32>,
        %get3A_790 = vector.shape_cast %get3A_789 : vector<1x16xf32> to vector<16xf32>
        %add3A_791 = arith.addf %add3A_735, %get3A_790 : vector<16xf32>
        %add3A_792 = arith.constant 5 : i32
        %add3A_793 = arith.addi %mul3A_477, %add3A_792 : i32
        %get3A_794 = arith.index_cast %add3A_793 : i32 to index
        %get3A_795 = arith.constant 80 : index
        %get3A_796 = tpu.vector_load %arg7[%get3A_794, %get3A_795] {strides = array<i32>} : memref<200x128xf32, #tpu.memory_space<vmem>>, vector<1x16xf32>,
        %get3A_797 = vector.shape_cast %get3A_796 : vector<1x16xf32> to vector<16xf32>
        %add3A_798 = arith.addf %add3A_742, %get3A_797 : vector<16xf32>
        %add3A_799 = arith.constant 5 : i32
        %add3A_800 = arith.addi %mul3A_477, %add3A_799 : i32
        %get3A_801 = arith.index_cast %add3A_800 : i32 to index
        %get3A_802 = arith.constant 96 : index
        %get3A_803 = tpu.vector_load %arg7[%get3A_801, %get3A_802] {strides = array<i32>} : memref<200x128xf32, #tpu.memory_space<vmem>>, vector<1x16xf32>,
        %get3A_804 = vector.shape_cast %get3A_803 : vector<1x16xf32> to vector<16xf32>
        %add3A_805 = arith.addf %add3A_749, %get3A_804 : vector<16xf32>
        %add3A_806 = arith.constant 5 : i32
        %add3A_807 = arith.addi %mul3A_477, %add3A_806 : i32
        %get3A_808 = arith.index_cast %add3A_807 : i32 to index
        %get3A_809 = arith.constant 112 : index
        %get3A_810 = tpu.vector_load %arg7[%get3A_808, %get3A_809] {strides = array<i32>} : memref<200x128xf32, #tpu.memory_space<vmem>>, vector<1x16xf32>,
        %get3A_811 = vector.shape_cast %get3A_810 : vector<1x16xf32> to vector<16xf32>
        %add3A_812 = arith.addf %add3A_756, %get3A_811 : vector<16xf32>
        %add3A_813 = arith.constant 6 : i32
        %add3A_814 = arith.addi %mul3A_477, %add3A_813 : i32
        %get3A_815 = arith.index_cast %add3A_814 : i32 to index
        %get3A_816 = arith.constant 0 : index
        %get3A_817 = tpu.vector_load %arg7[%get3A_815, %get3A_816] {strides = array<i32>} : memref<200x128xf32, #tpu.memory_space<vmem>>, vector<1x16xf32>,
        %get3A_818 = vector.shape_cast %get3A_817 : vector<1x16xf32> to vector<16xf32>
        %add3A_819 = arith.addf %add3A_763, %get3A_818 : vector<16xf32>
        %add3A_820 = arith.constant 6 : i32
        %add3A_821 = arith.addi %mul3A_477, %add3A_820 : i32
        %get3A_822 = arith.index_cast %add3A_821 : i32 to index
        %get3A_823 = arith.constant 16 : index
        %get3A_824 = tpu.vector_load %arg7[%get3A_822, %get3A_823] {strides = array<i32>} : memref<200x128xf32, #tpu.memory_space<vmem>>, vector<1x16xf32>,
        %get3A_825 = vector.shape_cast %get3A_824 : vector<1x16xf32> to vector<16xf32>
        %add3A_826 = arith.addf %add3A_770, %get3A_825 : vector<16xf32>
        %add3A_827 = arith.constant 6 : i32
        %add3A_828 = arith.addi %mul3A_477, %add3A_827 : i32
        %get3A_829 = arith.index_cast %add3A_828 : i32 to index
        %get3A_830 = arith.constant 32 : index
        %get3A_831 = tpu.vector_load %arg7[%get3A_829, %get3A_830] {strides = array<i32>} : memref<200x128xf32, #tpu.memory_space<vmem>>, vector<1x16xf32>,
        %get3A_832 = vector.shape_cast %get3A_831 : vector<1x16xf32> to vector<16xf32>
        %add3A_833 = arith.addf %add3A_777, %get3A_832 : vector<16xf32>
        %add3A_834 = arith.constant 6 : i32
        %add3A_835 = arith.addi %mul3A_477, %add3A_834 : i32
        %get3A_836 = arith.index_cast %add3A_835 : i32 to index
        %get3A_837 = arith.constant 48 : index
        %get3A_838 = tpu.vector_load %arg7[%get3A_836, %get3A_837] {strides = array<i32>} : memref<200x128xf32, #tpu.memory_space<vmem>>, vector<1x16xf32>,
        %get3A_839 = vector.shape_cast %get3A_838 : vector<1x16xf32> to vector<16xf32>
        %add3A_840 = arith.addf %add3A_784, %get3A_839 : vector<16xf32>
        %add3A_841 = arith.constant 6 : i32
        %add3A_842 = arith.addi %mul3A_477, %add3A_841 : i32
        %get3A_843 = arith.index_cast %add3A_842 : i32 to index
        %get3A_844 = arith.constant 64 : index
        %get3A_845 = tpu.vector_load %arg7[%get3A_843, %get3A_844] {strides = array<i32>} : memref<200x128xf32, #tpu.memory_space<vmem>>, vector<1x16xf32>,
        %get3A_846 = vector.shape_cast %get3A_845 : vector<1x16xf32> to vector<16xf32>
        %add3A_847 = arith.addf %add3A_791, %get3A_846 : vector<16xf32>
        %add3A_848 = arith.constant 6 : i32
        %add3A_849 = arith.addi %mul3A_477, %add3A_848 : i32
        %get3A_850 = arith.index_cast %add3A_849 : i32 to index
        %get3A_851 = arith.constant 80 : index
        %get3A_852 = tpu.vector_load %arg7[%get3A_850, %get3A_851] {strides = array<i32>} : memref<200x128xf32, #tpu.memory_space<vmem>>, vector<1x16xf32>,
        %get3A_853 = vector.shape_cast %get3A_852 : vector<1x16xf32> to vector<16xf32>
        %add3A_854 = arith.addf %add3A_798, %get3A_853 : vector<16xf32>
        %add3A_855 = arith.constant 6 : i32
        %add3A_856 = arith.addi %mul3A_477, %add3A_855 : i32
        %get3A_857 = arith.index_cast %add3A_856 : i32 to index
        %get3A_858 = arith.constant 96 : index
        %get3A_859 = tpu.vector_load %arg7[%get3A_857, %get3A_858] {strides = array<i32>} : memref<200x128xf32, #tpu.memory_space<vmem>>, vector<1x16xf32>,
        %get3A_860 = vector.shape_cast %get3A_859 : vector<1x16xf32> to vector<16xf32>
        %add3A_861 = arith.addf %add3A_805, %get3A_860 : vector<16xf32>
        %add3A_862 = arith.constant 6 : i32
        %add3A_863 = arith.addi %mul3A_477, %add3A_862 : i32
        %get3A_864 = arith.index_cast %add3A_863 : i32 to index
        %get3A_865 = arith.constant 112 : index
        %get3A_866 = tpu.vector_load %arg7[%get3A_864, %get3A_865] {strides = array<i32>} : memref<200x128xf32, #tpu.memory_space<vmem>>, vector<1x16xf32>,
        %get3A_867 = vector.shape_cast %get3A_866 : vector<1x16xf32> to vector<16xf32>
        %add3A_868 = arith.addf %add3A_812, %get3A_867 : vector<16xf32>
        %add3A_869 = arith.constant 7 : i32
        %add3A_870 = arith.addi %mul3A_477, %add3A_869 : i32
        %get3A_871 = arith.index_cast %add3A_870 : i32 to index
        %get3A_872 = arith.constant 0 : index
        %get3A_873 = tpu.vector_load %arg7[%get3A_871, %get3A_872] {strides = array<i32>} : memref<200x128xf32, #tpu.memory_space<vmem>>, vector<1x16xf32>,
        %get3A_874 = vector.shape_cast %get3A_873 : vector<1x16xf32> to vector<16xf32>
        %add3A_875 = arith.addf %add3A_819, %get3A_874 : vector<16xf32>
        %add3A_876 = arith.constant 7 : i32
        %add3A_877 = arith.addi %mul3A_477, %add3A_876 : i32
        %get3A_878 = arith.index_cast %add3A_877 : i32 to index
        %get3A_879 = arith.constant 16 : index
        %get3A_880 = tpu.vector_load %arg7[%get3A_878, %get3A_879] {strides = array<i32>} : memref<200x128xf32, #tpu.memory_space<vmem>>, vector<1x16xf32>,
        %get3A_881 = vector.shape_cast %get3A_880 : vector<1x16xf32> to vector<16xf32>
        %add3A_882 = arith.addf %add3A_826, %get3A_881 : vector<16xf32>
        %add3A_883 = arith.constant 7 : i32
        %add3A_884 = arith.addi %mul3A_477, %add3A_883 : i32
        %get3A_885 = arith.index_cast %add3A_884 : i32 to index
        %get3A_886 = arith.constant 32 : index
        %get3A_887 = tpu.vector_load %arg7[%get3A_885, %get3A_886] {strides = array<i32>} : memref<200x128xf32, #tpu.memory_space<vmem>>, vector<1x16xf32>,
        %get3A_888 = vector.shape_cast %get3A_887 : vector<1x16xf32> to vector<16xf32>
        %add3A_889 = arith.addf %add3A_833, %get3A_888 : vector<16xf32>
        %add3A_890 = arith.constant 7 : i32
        %add3A_891 = arith.addi %mul3A_477, %add3A_890 : i32
        %get3A_892 = arith.index_cast %add3A_891 : i32 to index
        %get3A_893 = arith.constant 48 : index
        %get3A_894 = tpu.vector_load %arg7[%get3A_892, %get3A_893] {strides = array<i32>} : memref<200x128xf32, #tpu.memory_space<vmem>>, vector<1x16xf32>,
        %get3A_895 = vector.shape_cast %get3A_894 : vector<1x16xf32> to vector<16xf32>
        %add3A_896 = arith.addf %add3A_840, %get3A_895 : vector<16xf32>
        %add3A_897 = arith.constant 7 : i32
        %add3A_898 = arith.addi %mul3A_477, %add3A_897 : i32
        %get3A_899 = arith.index_cast %add3A_898 : i32 to index
        %get3A_900 = arith.constant 64 : index
        %get3A_901 = tpu.vector_load %arg7[%get3A_899, %get3A_900] {strides = array<i32>} : memref<200x128xf32, #tpu.memory_space<vmem>>, vector<1x16xf32>,
        %get3A_902 = vector.shape_cast %get3A_901 : vector<1x16xf32> to vector<16xf32>
        %add3A_903 = arith.addf %add3A_847, %get3A_902 : vector<16xf32>
        %add3A_904 = arith.constant 7 : i32
        %add3A_905 = arith.addi %mul3A_477, %add3A_904 : i32
        %get3A_906 = arith.index_cast %add3A_905 : i32 to index
        %get3A_907 = arith.constant 80 : index
        %get3A_908 = tpu.vector_load %arg7[%get3A_906, %get3A_907] {strides = array<i32>} : memref<200x128xf32, #tpu.memory_space<vmem>>, vector<1x16xf32>,
        %get3A_909 = vector.shape_cast %get3A_908 : vector<1x16xf32> to vector<16xf32>
        %add3A_910 = arith.addf %add3A_854, %get3A_909 : vector<16xf32>
        %add3A_911 = arith.constant 7 : i32
        %add3A_912 = arith.addi %mul3A_477, %add3A_911 : i32
        %get3A_913 = arith.index_cast %add3A_912 : i32 to index
        %get3A_914 = arith.constant 96 : index
        %get3A_915 = tpu.vector_load %arg7[%get3A_913, %get3A_914] {strides = array<i32>} : memref<200x128xf32, #tpu.memory_space<vmem>>, vector<1x16xf32>,
        %get3A_916 = vector.shape_cast %get3A_915 : vector<1x16xf32> to vector<16xf32>
        %add3A_917 = arith.addf %add3A_861, %get3A_916 : vector<16xf32>
        %add3A_918 = arith.constant 7 : i32
        %add3A_919 = arith.addi %mul3A_477, %add3A_918 : i32
        %get3A_920 = arith.index_cast %add3A_919 : i32 to index
        %get3A_921 = arith.constant 112 : index
        %get3A_922 = tpu.vector_load %arg7[%get3A_920, %get3A_921] {strides = array<i32>} : memref<200x128xf32, #tpu.memory_space<vmem>>, vector<1x16xf32>,
        %get3A_923 = vector.shape_cast %get3A_922 : vector<1x16xf32> to vector<16xf32>
        %add3A_924 = arith.addf %add3A_868, %get3A_923 : vector<16xf32>
        scf.yield %add3A_875, %add3A_882, %add3A_889, %add3A_896, %add3A_903, %add3A_910, %add3A_917, %add3A_924 : vector<16xf32>, vector<16xf32>, vector<16xf32>, vector<16xf32>, vector<16xf32>, vector<16xf32>, vector<16xf32>, vector<16xf32>
      }
      %scan3A_336 = arith.constant 25 : i32
      %swap3A_337 = arith.index_cast %add3A_314 : i32 to index
      %swap3A_338 = arith.constant 0 : index
      %swap3A_339 = tpu.vector_load %arg9[%swap3A_337, %swap3A_338] {strides = array<i32>} : memref<128x128xf32, #tpu.memory_space<vmem>>, vector<1x16xf32>,
      %swap3A_340 = vector.shape_cast %swap3A_339 : vector<1x16xf32> to vector<16xf32>
      %swap3A_341 = vector.shape_cast %scan3A_335#0 : vector<16xf32> to vector<1x16xf32>
      tpu.vector_store %arg9[%swap3A_337, %swap3A_338], %swap3A_341 {strides = array<i32>} : memref<128x128xf32, #tpu.memory_space<vmem>>, vector<1x16xf32>,
      %swap3A_342 = arith.index_cast %add3A_314 : i32 to index
      %swap3A_343 = arith.constant 16 : index
      %swap3A_344 = tpu.vector_load %arg9[%swap3A_342, %swap3A_343] {strides = array<i32>} : memref<128x128xf32, #tpu.memory_space<vmem>>, vector<1x16xf32>,
      %swap3A_345 = vector.shape_cast %swap3A_344 : vector<1x16xf32> to vector<16xf32>
      %swap3A_346 = vector.shape_cast %scan3A_335#1 : vector<16xf32> to vector<1x16xf32>
      tpu.vector_store %arg9[%swap3A_342, %swap3A_343], %swap3A_346 {strides = array<i32>} : memref<128x128xf32, #tpu.memory_space<vmem>>, vector<1x16xf32>,
      %swap3A_347 = arith.index_cast %add3A_314 : i32 to index
      %swap3A_348 = arith.constant 32 : index
      %swap3A_349 = tpu.vector_load %arg9[%swap3A_347, %swap3A_348] {strides = array<i32>} : memref<128x128xf32, #tpu.memory_space<vmem>>, vector<1x16xf32>,
      %swap3A_350 = vector.shape_cast %swap3A_349 : vector<1x16xf32> to vector<16xf32>
      %swap3A_351 = vector.shape_cast %scan3A_335#2 : vector<16xf32> to vector<1x16xf32>
      tpu.vector_store %arg9[%swap3A_347, %swap3A_348], %swap3A_351 {strides = array<i32>} : memref<128x128xf32, #tpu.memory_space<vmem>>, vector<1x16xf32>,
      %swap3A_352 = arith.index_cast %add3A_314 : i32 to index
      %swap3A_353 = arith.constant 48 : index
      %swap3A_354 = tpu.vector_load %arg9[%swap3A_352, %swap3A_353] {strides = array<i32>} : memref<128x128xf32, #tpu.memory_space<vmem>>, vector<1x16xf32>,
      %swap3A_355 = vector.shape_cast %swap3A_354 : vector<1x16xf32> to vector<16xf32>
      %swap3A_356 = vector.shape_cast %scan3A_335#3 : vector<16xf32> to vector<1x16xf32>
      tpu.vector_store %arg9[%swap3A_352, %swap3A_353], %swap3A_356 {strides = array<i32>} : memref<128x128xf32, #tpu.memory_space<vmem>>, vector<1x16xf32>,
      %swap3A_357 = arith.index_cast %add3A_314 : i32 to index
      %swap3A_358 = arith.constant 64 : index
      %swap3A_359 = tpu.vector_load %arg9[%swap3A_357, %swap3A_358] {strides = array<i32>} : memref<128x128xf32, #tpu.memory_space<vmem>>, vector<1x16xf32>,
      %swap3A_360 = vector.shape_cast %swap3A_359 : vector<1x16xf32> to vector<16xf32>
      %swap3A_361 = vector.shape_cast %scan3A_335#4 : vector<16xf32> to vector<1x16xf32>
      tpu.vector_store %arg9[%swap3A_357, %swap3A_358], %swap3A_361 {strides = array<i32>} : memref<128x128xf32, #tpu.memory_space<vmem>>, vector<1x16xf32>,
      %swap3A_362 = arith.index_cast %add3A_314 : i32 to index
      %swap3A_363 = arith.constant 80 : index
      %swap3A_364 = tpu.vector_load %arg9[%swap3A_362, %swap3A_363] {strides = array<i32>} : memref<128x128xf32, #tpu.memory_space<vmem>>, vector<1x16xf32>,
      %swap3A_365 = vector.shape_cast %swap3A_364 : vector<1x16xf32> to vector<16xf32>
      %swap3A_366 = vector.shape_cast %scan3A_335#5 : vector<16xf32> to vector<1x16xf32>
      tpu.vector_store %arg9[%swap3A_362, %swap3A_363], %swap3A_366 {strides = array<i32>} : memref<128x128xf32, #tpu.memory_space<vmem>>, vector<1x16xf32>,
      %swap3A_367 = arith.index_cast %add3A_314 : i32 to index
      %swap3A_368 = arith.constant 96 : index
      %swap3A_369 = tpu.vector_load %arg9[%swap3A_367, %swap3A_368] {strides = array<i32>} : memref<128x128xf32, #tpu.memory_space<vmem>>, vector<1x16xf32>,
      %swap3A_370 = vector.shape_cast %swap3A_369 : vector<1x16xf32> to vector<16xf32>
      %swap3A_371 = vector.shape_cast %scan3A_335#6 : vector<16xf32> to vector<1x16xf32>
      tpu.vector_store %arg9[%swap3A_367, %swap3A_368], %swap3A_371 {strides = array<i32>} : memref<128x128xf32, #tpu.memory_space<vmem>>, vector<1x16xf32>,
      %swap3A_372 = arith.index_cast %add3A_314 : i32 to index
      %swap3A_373 = arith.constant 112 : index
      %swap3A_374 = tpu.vector_load %arg9[%swap3A_372, %swap3A_373] {strides = array<i32>} : memref<128x128xf32, #tpu.memory_space<vmem>>, vector<1x16xf32>,
      %swap3A_375 = vector.shape_cast %swap3A_374 : vector<1x16xf32> to vector<16xf32>
      %swap3A_376 = vector.shape_cast %scan3A_335#7 : vector<16xf32> to vector<1x16xf32>
      tpu.vector_store %arg9[%swap3A_372, %swap3A_373], %swap3A_376 {strides = array<i32>} : memref<128x128xf32, #tpu.memory_space<vmem>>, vector<1x16xf32>,
      %add3A_377 = arith.constant 4 : i32
      %add3A_378 = arith.addi %mul3A_198, %add3A_377 : i32
      %dma_start3A_379 = arith.constant 0 : i32
      %dma_start3A_380 = arith.constant 0 : i32
      %dma_start3A_381 = tpu.memref_slice %arg7[%dma_start3A_379, %dma_start3A_380] : memref<200x128xf32, #tpu.memory_space<vmem>> -> memref<128x128xf32, #tpu.memory_space<vmem>>
      %dma_start3A_382 = arith.constant 0 : i32
      %dma_start3A_383 = tpu.memref_slice %arg5[%add3A_378, %dma_start3A_382] : memref<128x200xi32, #tpu.memory_space<vmem>> -> memref<1x128xi32, #tpu.memory_space<vmem>>
      %dma_start3A_384 = tpu.memref_squeeze %dma_start3A_383 : memref<1x128xi32, #tpu.memory_space<vmem>> -> memref<128xi32, #tpu.memory_space<vmem>>
      %dma_start3A_385 = arith.constant 0 : i32
      %dma_start3A_386 = arith.constant 0 : i32
      %dma_start3A_387 = tpu.memref_slice %arg2[%dma_start3A_385, %dma_start3A_386] : memref<1000000x128xf32, #tpu.memory_space<hbm>> -> memref<1000000x128xf32, #tpu.memory_space<hbm>>
      tpu.enqueue_indirect_dma source(%dma_start3A_387 : memref<1000000x128xf32, #tpu.memory_space<hbm>>) target(%dma_start3A_381 : memref<128x128xf32, #tpu.memory_space<vmem>>) offsets(%dma_start3A_384 : memref<128xi32, #tpu.memory_space<vmem>>) semaphore(%arg11 : memref<!tpu.dma_semaphore, #tpu.memory_space<semaphore_mem>>)
      %dma_start3A_388 = arith.constant 128 : i32
      %dma_start3A_389 = arith.constant 0 : i32
      %dma_start3A_390 = tpu.memref_slice %arg7[%dma_start3A_388, %dma_start3A_389] : memref<200x128xf32, #tpu.memory_space<vmem>> -> memref<72x128xf32, #tpu.memory_space<vmem>>
      %dma_start3A_391 = arith.constant 128 : i32
      %dma_start3A_392 = tpu.memref_slice %arg5[%add3A_378, %dma_start3A_391] : memref<128x200xi32, #tpu.memory_space<vmem>> -> memref<1x72xi32, #tpu.memory_space<vmem>>
      %dma_start3A_393 = tpu.memref_squeeze %dma_start3A_392 : memref<1x72xi32, #tpu.memory_space<vmem>> -> memref<72xi32, #tpu.memory_space<vmem>>
      %dma_start3A_394 = arith.constant 0 : i32
      %dma_start3A_395 = arith.constant 0 : i32
      %dma_start3A_396 = tpu.memref_slice %arg2[%dma_start3A_394, %dma_start3A_395] : memref<1000000x128xf32, #tpu.memory_space<hbm>> -> memref<1000000x128xf32, #tpu.memory_space<hbm>>
      tpu.enqueue_indirect_dma source(%dma_start3A_396 : memref<1000000x128xf32, #tpu.memory_space<hbm>>) target(%dma_start3A_390 : memref<72x128xf32, #tpu.memory_space<vmem>>) offsets(%dma_start3A_393 : memref<72xi32, #tpu.memory_space<vmem>>) semaphore(%arg11 : memref<!tpu.dma_semaphore, #tpu.memory_space<semaphore_mem>>)
      %dma_wait3A_397 = arith.constant 0 : i32
      %dma_wait3A_398 = arith.constant 0 : i32
      %dma_wait3A_399 = tpu.memref_slice %arg2[%dma_wait3A_397, %dma_wait3A_398] : memref<1000000x128xf32, #tpu.memory_space<hbm>> -> memref<200x128xf32, #tpu.memory_space<hbm>>
      %dma_wait3A_400 = arith.constant 0 : i32
      %dma_wait3A_401 = arith.constant 0 : i32
      %dma_wait3A_402 = tpu.memref_slice %arg2[%dma_wait3A_400, %dma_wait3A_401] : memref<1000000x128xf32, #tpu.memory_space<hbm>> -> memref<200x128xf32, #tpu.memory_space<hbm>>
      tpu.wait_dma2 semaphore(%arg12 : memref<!tpu.dma_semaphore, #tpu.memory_space<semaphore_mem>>) src(%dma_wait3A_402 : memref<200x128xf32, #tpu.memory_space<hbm>>) dst(%arg8 : memref<200x128xf32, #tpu.memory_space<vmem>>)
      %add3A_403 = arith.constant 2 : i32
      %add3A_404 = arith.addi %mul3A_198, %add3A_403 : i32
      %broadcast_in_dim3A_405 = arith.constant 0.000000e+00 : f32
      %broadcast_in_dim3A_406 = vector.broadcast %broadcast_in_dim3A_405 : f32 to vector<16xf32>
      %broadcast_in_dim3A_407 = arith.constant 0.000000e+00 : f32
      %broadcast_in_dim3A_408 = vector.broadcast %broadcast_in_dim3A_407 : f32 to vector<16xf32>
      %broadcast_in_dim3A_409 = arith.constant 0.000000e+00 : f32
      %broadcast_in_dim3A_410 = vector.broadcast %broadcast_in_dim3A_409 : f32 to vector<16xf32>
      %broadcast_in_dim3A_411 = arith.constant 0.000000e+00 : f32
      %broadcast_in_dim3A_412 = vector.broadcast %broadcast_in_dim3A_411 : f32 to vector<16xf32>
      %broadcast_in_dim3A_413 = arith.constant 0.000000e+00 : f32
      %broadcast_in_dim3A_414 = vector.broadcast %broadcast_in_dim3A_413 : f32 to vector<16xf32>
      %broadcast_in_dim3A_415 = arith.constant 0.000000e+00 : f32
      %broadcast_in_dim3A_416 = vector.broadcast %broadcast_in_dim3A_415 : f32 to vector<16xf32>
      %broadcast_in_dim3A_417 = arith.constant 0.000000e+00 : f32
      %broadcast_in_dim3A_418 = vector.broadcast %broadcast_in_dim3A_417 : f32 to vector<16xf32>
      %broadcast_in_dim3A_419 = arith.constant 0.000000e+00 : f32
      %broadcast_in_dim3A_420 = vector.broadcast %broadcast_in_dim3A_419 : f32 to vector<16xf32>
      %scan3A_421 = arith.constant 0 : i32
      %scan3A_422 = arith.constant 25 : i32
      %scan3A_423 = arith.addi %scan3A_421, %scan3A_422 : i32
      %scan3A_424 = arith.constant 1 : i32
      %scan3A_425:8 = scf.for %scan3A_467 = %scan3A_421 to %scan3A_423 step %scan3A_424 iter_args(%scan3A_468 = %broadcast_in_dim3A_406, %scan3A_469 = %broadcast_in_dim3A_408, %scan3A_470 = %broadcast_in_dim3A_410, %scan3A_471 = %broadcast_in_dim3A_412, %scan3A_472 = %broadcast_in_dim3A_414, %scan3A_473 = %broadcast_in_dim3A_416, %scan3A_474 = %broadcast_in_dim3A_418, %scan3A_475 = %broadcast_in_dim3A_420) -> (vector<16xf32>, vector<16xf32>, vector<16xf32>, vector<16xf32>, vector<16xf32>, vector<16xf32>, vector<16xf32>, vector<16xf32>)  : i32 {
        %mul3A_476 = arith.constant 8 : i32
        %mul3A_477 = arith.muli %mul3A_476, %scan3A_467 : i32
        %add3A_478 = arith.constant 0 : i32
        %add3A_479 = arith.addi %mul3A_477, %add3A_478 : i32
        %get3A = arith.index_cast %add3A_479 : i32 to index
        %get3A_480 = arith.constant 0 : index
        %get3A_481 = tpu.vector_load %arg8[%get3A, %get3A_480] {strides = array<i32>} : memref<200x128xf32, #tpu.memory_space<vmem>>, vector<1x16xf32>,
        %get3A_482 = vector.shape_cast %get3A_481 : vector<1x16xf32> to vector<16xf32>
        %add3A_483 = arith.addf %scan3A_468, %get3A_482 : vector<16xf32>
        %add3A_484 = arith.constant 0 : i32
        %add3A_485 = arith.addi %mul3A_477, %add3A_484 : i32
        %get3A_486 = arith.index_cast %add3A_485 : i32 to index
        %get3A_487 = arith.constant 16 : index
        %get3A_488 = tpu.vector_load %arg8[%get3A_486, %get3A_487] {strides = array<i32>} : memref<200x128xf32, #tpu.memory_space<vmem>>, vector<1x16xf32>,
        %get3A_489 = vector.shape_cast %get3A_488 : vector<1x16xf32> to vector<16xf32>
        %add3A_490 = arith.addf %scan3A_469, %get3A_489 : vector<16xf32>
        %add3A_491 = arith.constant 0 : i32
        %add3A_492 = arith.addi %mul3A_477, %add3A_491 : i32
        %get3A_493 = arith.index_cast %add3A_492 : i32 to index
        %get3A_494 = arith.constant 32 : index
        %get3A_495 = tpu.vector_load %arg8[%get3A_493, %get3A_494] {strides = array<i32>} : memref<200x128xf32, #tpu.memory_space<vmem>>, vector<1x16xf32>,
        %get3A_496 = vector.shape_cast %get3A_495 : vector<1x16xf32> to vector<16xf32>
        %add3A_497 = arith.addf %scan3A_470, %get3A_496 : vector<16xf32>
        %add3A_498 = arith.constant 0 : i32
        %add3A_499 = arith.addi %mul3A_477, %add3A_498 : i32
        %get3A_500 = arith.index_cast %add3A_499 : i32 to index
        %get3A_501 = arith.constant 48 : index
        %get3A_502 = tpu.vector_load %arg8[%get3A_500, %get3A_501] {strides = array<i32>} : memref<200x128xf32, #tpu.memory_space<vmem>>, vector<1x16xf32>,
        %get3A_503 = vector.shape_cast %get3A_502 : vector<1x16xf32> to vector<16xf32>
        %add3A_504 = arith.addf %scan3A_471, %get3A_503 : vector<16xf32>
        %add3A_505 = arith.constant 0 : i32
        %add3A_506 = arith.addi %mul3A_477, %add3A_505 : i32
        %get3A_507 = arith.index_cast %add3A_506 : i32 to index
        %get3A_508 = arith.constant 64 : index
        %get3A_509 = tpu.vector_load %arg8[%get3A_507, %get3A_508] {strides = array<i32>} : memref<200x128xf32, #tpu.memory_space<vmem>>, vector<1x16xf32>,
        %get3A_510 = vector.shape_cast %get3A_509 : vector<1x16xf32> to vector<16xf32>
        %add3A_511 = arith.addf %scan3A_472, %get3A_510 : vector<16xf32>
        %add3A_512 = arith.constant 0 : i32
        %add3A_513 = arith.addi %mul3A_477, %add3A_512 : i32
        %get3A_514 = arith.index_cast %add3A_513 : i32 to index
        %get3A_515 = arith.constant 80 : index
        %get3A_516 = tpu.vector_load %arg8[%get3A_514, %get3A_515] {strides = array<i32>} : memref<200x128xf32, #tpu.memory_space<vmem>>, vector<1x16xf32>,
        %get3A_517 = vector.shape_cast %get3A_516 : vector<1x16xf32> to vector<16xf32>
        %add3A_518 = arith.addf %scan3A_473, %get3A_517 : vector<16xf32>
        %add3A_519 = arith.constant 0 : i32
        %add3A_520 = arith.addi %mul3A_477, %add3A_519 : i32
        %get3A_521 = arith.index_cast %add3A_520 : i32 to index
        %get3A_522 = arith.constant 96 : index
        %get3A_523 = tpu.vector_load %arg8[%get3A_521, %get3A_522] {strides = array<i32>} : memref<200x128xf32, #tpu.memory_space<vmem>>, vector<1x16xf32>,
        %get3A_524 = vector.shape_cast %get3A_523 : vector<1x16xf32> to vector<16xf32>
        %add3A_525 = arith.addf %scan3A_474, %get3A_524 : vector<16xf32>
        %add3A_526 = arith.constant 0 : i32
        %add3A_527 = arith.addi %mul3A_477, %add3A_526 : i32
        %get3A_528 = arith.index_cast %add3A_527 : i32 to index
        %get3A_529 = arith.constant 112 : index
        %get3A_530 = tpu.vector_load %arg8[%get3A_528, %get3A_529] {strides = array<i32>} : memref<200x128xf32, #tpu.memory_space<vmem>>, vector<1x16xf32>,
        %get3A_531 = vector.shape_cast %get3A_530 : vector<1x16xf32> to vector<16xf32>
        %add3A_532 = arith.addf %scan3A_475, %get3A_531 : vector<16xf32>
        %add3A_533 = arith.constant 1 : i32
        %add3A_534 = arith.addi %mul3A_477, %add3A_533 : i32
        %get3A_535 = arith.index_cast %add3A_534 : i32 to index
        %get3A_536 = arith.constant 0 : index
        %get3A_537 = tpu.vector_load %arg8[%get3A_535, %get3A_536] {strides = array<i32>} : memref<200x128xf32, #tpu.memory_space<vmem>>, vector<1x16xf32>,
        %get3A_538 = vector.shape_cast %get3A_537 : vector<1x16xf32> to vector<16xf32>
        %add3A_539 = arith.addf %add3A_483, %get3A_538 : vector<16xf32>
        %add3A_540 = arith.constant 1 : i32
        %add3A_541 = arith.addi %mul3A_477, %add3A_540 : i32
        %get3A_542 = arith.index_cast %add3A_541 : i32 to index
        %get3A_543 = arith.constant 16 : index
        %get3A_544 = tpu.vector_load %arg8[%get3A_542, %get3A_543] {strides = array<i32>} : memref<200x128xf32, #tpu.memory_space<vmem>>, vector<1x16xf32>,
        %get3A_545 = vector.shape_cast %get3A_544 : vector<1x16xf32> to vector<16xf32>
        %add3A_546 = arith.addf %add3A_490, %get3A_545 : vector<16xf32>
        %add3A_547 = arith.constant 1 : i32
        %add3A_548 = arith.addi %mul3A_477, %add3A_547 : i32
        %get3A_549 = arith.index_cast %add3A_548 : i32 to index
        %get3A_550 = arith.constant 32 : index
        %get3A_551 = tpu.vector_load %arg8[%get3A_549, %get3A_550] {strides = array<i32>} : memref<200x128xf32, #tpu.memory_space<vmem>>, vector<1x16xf32>,
        %get3A_552 = vector.shape_cast %get3A_551 : vector<1x16xf32> to vector<16xf32>
        %add3A_553 = arith.addf %add3A_497, %get3A_552 : vector<16xf32>
        %add3A_554 = arith.constant 1 : i32
        %add3A_555 = arith.addi %mul3A_477, %add3A_554 : i32
        %get3A_556 = arith.index_cast %add3A_555 : i32 to index
        %get3A_557 = arith.constant 48 : index
        %get3A_558 = tpu.vector_load %arg8[%get3A_556, %get3A_557] {strides = array<i32>} : memref<200x128xf32, #tpu.memory_space<vmem>>, vector<1x16xf32>,
        %get3A_559 = vector.shape_cast %get3A_558 : vector<1x16xf32> to vector<16xf32>
        %add3A_560 = arith.addf %add3A_504, %get3A_559 : vector<16xf32>
        %add3A_561 = arith.constant 1 : i32
        %add3A_562 = arith.addi %mul3A_477, %add3A_561 : i32
        %get3A_563 = arith.index_cast %add3A_562 : i32 to index
        %get3A_564 = arith.constant 64 : index
        %get3A_565 = tpu.vector_load %arg8[%get3A_563, %get3A_564] {strides = array<i32>} : memref<200x128xf32, #tpu.memory_space<vmem>>, vector<1x16xf32>,
        %get3A_566 = vector.shape_cast %get3A_565 : vector<1x16xf32> to vector<16xf32>
        %add3A_567 = arith.addf %add3A_511, %get3A_566 : vector<16xf32>
        %add3A_568 = arith.constant 1 : i32
        %add3A_569 = arith.addi %mul3A_477, %add3A_568 : i32
        %get3A_570 = arith.index_cast %add3A_569 : i32 to index
        %get3A_571 = arith.constant 80 : index
        %get3A_572 = tpu.vector_load %arg8[%get3A_570, %get3A_571] {strides = array<i32>} : memref<200x128xf32, #tpu.memory_space<vmem>>, vector<1x16xf32>,
        %get3A_573 = vector.shape_cast %get3A_572 : vector<1x16xf32> to vector<16xf32>
        %add3A_574 = arith.addf %add3A_518, %get3A_573 : vector<16xf32>
        %add3A_575 = arith.constant 1 : i32
        %add3A_576 = arith.addi %mul3A_477, %add3A_575 : i32
        %get3A_577 = arith.index_cast %add3A_576 : i32 to index
        %get3A_578 = arith.constant 96 : index
        %get3A_579 = tpu.vector_load %arg8[%get3A_577, %get3A_578] {strides = array<i32>} : memref<200x128xf32, #tpu.memory_space<vmem>>, vector<1x16xf32>,
        %get3A_580 = vector.shape_cast %get3A_579 : vector<1x16xf32> to vector<16xf32>
        %add3A_581 = arith.addf %add3A_525, %get3A_580 : vector<16xf32>
        %add3A_582 = arith.constant 1 : i32
        %add3A_583 = arith.addi %mul3A_477, %add3A_582 : i32
        %get3A_584 = arith.index_cast %add3A_583 : i32 to index
        %get3A_585 = arith.constant 112 : index
        %get3A_586 = tpu.vector_load %arg8[%get3A_584, %get3A_585] {strides = array<i32>} : memref<200x128xf32, #tpu.memory_space<vmem>>, vector<1x16xf32>,
        %get3A_587 = vector.shape_cast %get3A_586 : vector<1x16xf32> to vector<16xf32>
        %add3A_588 = arith.addf %add3A_532, %get3A_587 : vector<16xf32>
        %add3A_589 = arith.constant 2 : i32
        %add3A_590 = arith.addi %mul3A_477, %add3A_589 : i32
        %get3A_591 = arith.index_cast %add3A_590 : i32 to index
        %get3A_592 = arith.constant 0 : index
        %get3A_593 = tpu.vector_load %arg8[%get3A_591, %get3A_592] {strides = array<i32>} : memref<200x128xf32, #tpu.memory_space<vmem>>, vector<1x16xf32>,
        %get3A_594 = vector.shape_cast %get3A_593 : vector<1x16xf32> to vector<16xf32>
        %add3A_595 = arith.addf %add3A_539, %get3A_594 : vector<16xf32>
        %add3A_596 = arith.constant 2 : i32
        %add3A_597 = arith.addi %mul3A_477, %add3A_596 : i32
        %get3A_598 = arith.index_cast %add3A_597 : i32 to index
        %get3A_599 = arith.constant 16 : index
        %get3A_600 = tpu.vector_load %arg8[%get3A_598, %get3A_599] {strides = array<i32>} : memref<200x128xf32, #tpu.memory_space<vmem>>, vector<1x16xf32>,
        %get3A_601 = vector.shape_cast %get3A_600 : vector<1x16xf32> to vector<16xf32>
        %add3A_602 = arith.addf %add3A_546, %get3A_601 : vector<16xf32>
        %add3A_603 = arith.constant 2 : i32
        %add3A_604 = arith.addi %mul3A_477, %add3A_603 : i32
        %get3A_605 = arith.index_cast %add3A_604 : i32 to index
        %get3A_606 = arith.constant 32 : index
        %get3A_607 = tpu.vector_load %arg8[%get3A_605, %get3A_606] {strides = array<i32>} : memref<200x128xf32, #tpu.memory_space<vmem>>, vector<1x16xf32>,
        %get3A_608 = vector.shape_cast %get3A_607 : vector<1x16xf32> to vector<16xf32>
        %add3A_609 = arith.addf %add3A_553, %get3A_608 : vector<16xf32>
        %add3A_610 = arith.constant 2 : i32
        %add3A_611 = arith.addi %mul3A_477, %add3A_610 : i32
        %get3A_612 = arith.index_cast %add3A_611 : i32 to index
        %get3A_613 = arith.constant 48 : index
        %get3A_614 = tpu.vector_load %arg8[%get3A_612, %get3A_613] {strides = array<i32>} : memref<200x128xf32, #tpu.memory_space<vmem>>, vector<1x16xf32>,
        %get3A_615 = vector.shape_cast %get3A_614 : vector<1x16xf32> to vector<16xf32>
        %add3A_616 = arith.addf %add3A_560, %get3A_615 : vector<16xf32>
        %add3A_617 = arith.constant 2 : i32
        %add3A_618 = arith.addi %mul3A_477, %add3A_617 : i32
        %get3A_619 = arith.index_cast %add3A_618 : i32 to index
        %get3A_620 = arith.constant 64 : index
        %get3A_621 = tpu.vector_load %arg8[%get3A_619, %get3A_620] {strides = array<i32>} : memref<200x128xf32, #tpu.memory_space<vmem>>, vector<1x16xf32>,
        %get3A_622 = vector.shape_cast %get3A_621 : vector<1x16xf32> to vector<16xf32>
        %add3A_623 = arith.addf %add3A_567, %get3A_622 : vector<16xf32>
        %add3A_624 = arith.constant 2 : i32
        %add3A_625 = arith.addi %mul3A_477, %add3A_624 : i32
        %get3A_626 = arith.index_cast %add3A_625 : i32 to index
        %get3A_627 = arith.constant 80 : index
        %get3A_628 = tpu.vector_load %arg8[%get3A_626, %get3A_627] {strides = array<i32>} : memref<200x128xf32, #tpu.memory_space<vmem>>, vector<1x16xf32>,
        %get3A_629 = vector.shape_cast %get3A_628 : vector<1x16xf32> to vector<16xf32>
        %add3A_630 = arith.addf %add3A_574, %get3A_629 : vector<16xf32>
        %add3A_631 = arith.constant 2 : i32
        %add3A_632 = arith.addi %mul3A_477, %add3A_631 : i32
        %get3A_633 = arith.index_cast %add3A_632 : i32 to index
        %get3A_634 = arith.constant 96 : index
        %get3A_635 = tpu.vector_load %arg8[%get3A_633, %get3A_634] {strides = array<i32>} : memref<200x128xf32, #tpu.memory_space<vmem>>, vector<1x16xf32>,
        %get3A_636 = vector.shape_cast %get3A_635 : vector<1x16xf32> to vector<16xf32>
        %add3A_637 = arith.addf %add3A_581, %get3A_636 : vector<16xf32>
        %add3A_638 = arith.constant 2 : i32
        %add3A_639 = arith.addi %mul3A_477, %add3A_638 : i32
        %get3A_640 = arith.index_cast %add3A_639 : i32 to index
        %get3A_641 = arith.constant 112 : index
        %get3A_642 = tpu.vector_load %arg8[%get3A_640, %get3A_641] {strides = array<i32>} : memref<200x128xf32, #tpu.memory_space<vmem>>, vector<1x16xf32>,
        %get3A_643 = vector.shape_cast %get3A_642 : vector<1x16xf32> to vector<16xf32>
        %add3A_644 = arith.addf %add3A_588, %get3A_643 : vector<16xf32>
        %add3A_645 = arith.constant 3 : i32
        %add3A_646 = arith.addi %mul3A_477, %add3A_645 : i32
        %get3A_647 = arith.index_cast %add3A_646 : i32 to index
        %get3A_648 = arith.constant 0 : index
        %get3A_649 = tpu.vector_load %arg8[%get3A_647, %get3A_648] {strides = array<i32>} : memref<200x128xf32, #tpu.memory_space<vmem>>, vector<1x16xf32>,
        %get3A_650 = vector.shape_cast %get3A_649 : vector<1x16xf32> to vector<16xf32>
        %add3A_651 = arith.addf %add3A_595, %get3A_650 : vector<16xf32>
        %add3A_652 = arith.constant 3 : i32
        %add3A_653 = arith.addi %mul3A_477, %add3A_652 : i32
        %get3A_654 = arith.index_cast %add3A_653 : i32 to index
        %get3A_655 = arith.constant 16 : index
        %get3A_656 = tpu.vector_load %arg8[%get3A_654, %get3A_655] {strides = array<i32>} : memref<200x128xf32, #tpu.memory_space<vmem>>, vector<1x16xf32>,
        %get3A_657 = vector.shape_cast %get3A_656 : vector<1x16xf32> to vector<16xf32>
        %add3A_658 = arith.addf %add3A_602, %get3A_657 : vector<16xf32>
        %add3A_659 = arith.constant 3 : i32
        %add3A_660 = arith.addi %mul3A_477, %add3A_659 : i32
        %get3A_661 = arith.index_cast %add3A_660 : i32 to index
        %get3A_662 = arith.constant 32 : index
        %get3A_663 = tpu.vector_load %arg8[%get3A_661, %get3A_662] {strides = array<i32>} : memref<200x128xf32, #tpu.memory_space<vmem>>, vector<1x16xf32>,
        %get3A_664 = vector.shape_cast %get3A_663 : vector<1x16xf32> to vector<16xf32>
        %add3A_665 = arith.addf %add3A_609, %get3A_664 : vector<16xf32>
        %add3A_666 = arith.constant 3 : i32
        %add3A_667 = arith.addi %mul3A_477, %add3A_666 : i32
        %get3A_668 = arith.index_cast %add3A_667 : i32 to index
        %get3A_669 = arith.constant 48 : index
        %get3A_670 = tpu.vector_load %arg8[%get3A_668, %get3A_669] {strides = array<i32>} : memref<200x128xf32, #tpu.memory_space<vmem>>, vector<1x16xf32>,
        %get3A_671 = vector.shape_cast %get3A_670 : vector<1x16xf32> to vector<16xf32>
        %add3A_672 = arith.addf %add3A_616, %get3A_671 : vector<16xf32>
        %add3A_673 = arith.constant 3 : i32
        %add3A_674 = arith.addi %mul3A_477, %add3A_673 : i32
        %get3A_675 = arith.index_cast %add3A_674 : i32 to index
        %get3A_676 = arith.constant 64 : index
        %get3A_677 = tpu.vector_load %arg8[%get3A_675, %get3A_676] {strides = array<i32>} : memref<200x128xf32, #tpu.memory_space<vmem>>, vector<1x16xf32>,
        %get3A_678 = vector.shape_cast %get3A_677 : vector<1x16xf32> to vector<16xf32>
        %add3A_679 = arith.addf %add3A_623, %get3A_678 : vector<16xf32>
        %add3A_680 = arith.constant 3 : i32
        %add3A_681 = arith.addi %mul3A_477, %add3A_680 : i32
        %get3A_682 = arith.index_cast %add3A_681 : i32 to index
        %get3A_683 = arith.constant 80 : index
        %get3A_684 = tpu.vector_load %arg8[%get3A_682, %get3A_683] {strides = array<i32>} : memref<200x128xf32, #tpu.memory_space<vmem>>, vector<1x16xf32>,
        %get3A_685 = vector.shape_cast %get3A_684 : vector<1x16xf32> to vector<16xf32>
        %add3A_686 = arith.addf %add3A_630, %get3A_685 : vector<16xf32>
        %add3A_687 = arith.constant 3 : i32
        %add3A_688 = arith.addi %mul3A_477, %add3A_687 : i32
        %get3A_689 = arith.index_cast %add3A_688 : i32 to index
        %get3A_690 = arith.constant 96 : index
        %get3A_691 = tpu.vector_load %arg8[%get3A_689, %get3A_690] {strides = array<i32>} : memref<200x128xf32, #tpu.memory_space<vmem>>, vector<1x16xf32>,
        %get3A_692 = vector.shape_cast %get3A_691 : vector<1x16xf32> to vector<16xf32>
        %add3A_693 = arith.addf %add3A_637, %get3A_692 : vector<16xf32>
        %add3A_694 = arith.constant 3 : i32
        %add3A_695 = arith.addi %mul3A_477, %add3A_694 : i32
        %get3A_696 = arith.index_cast %add3A_695 : i32 to index
        %get3A_697 = arith.constant 112 : index
        %get3A_698 = tpu.vector_load %arg8[%get3A_696, %get3A_697] {strides = array<i32>} : memref<200x128xf32, #tpu.memory_space<vmem>>, vector<1x16xf32>,
        %get3A_699 = vector.shape_cast %get3A_698 : vector<1x16xf32> to vector<16xf32>
        %add3A_700 = arith.addf %add3A_644, %get3A_699 : vector<16xf32>
        %add3A_701 = arith.constant 4 : i32
        %add3A_702 = arith.addi %mul3A_477, %add3A_701 : i32
        %get3A_703 = arith.index_cast %add3A_702 : i32 to index
        %get3A_704 = arith.constant 0 : index
        %get3A_705 = tpu.vector_load %arg8[%get3A_703, %get3A_704] {strides = array<i32>} : memref<200x128xf32, #tpu.memory_space<vmem>>, vector<1x16xf32>,
        %get3A_706 = vector.shape_cast %get3A_705 : vector<1x16xf32> to vector<16xf32>
        %add3A_707 = arith.addf %add3A_651, %get3A_706 : vector<16xf32>
        %add3A_708 = arith.constant 4 : i32
        %add3A_709 = arith.addi %mul3A_477, %add3A_708 : i32
        %get3A_710 = arith.index_cast %add3A_709 : i32 to index
        %get3A_711 = arith.constant 16 : index
        %get3A_712 = tpu.vector_load %arg8[%get3A_710, %get3A_711] {strides = array<i32>} : memref<200x128xf32, #tpu.memory_space<vmem>>, vector<1x16xf32>,
        %get3A_713 = vector.shape_cast %get3A_712 : vector<1x16xf32> to vector<16xf32>
        %add3A_714 = arith.addf %add3A_658, %get3A_713 : vector<16xf32>
        %add3A_715 = arith.constant 4 : i32
        %add3A_716 = arith.addi %mul3A_477, %add3A_715 : i32
        %get3A_717 = arith.index_cast %add3A_716 : i32 to index
        %get3A_718 = arith.constant 32 : index
        %get3A_719 = tpu.vector_load %arg8[%get3A_717, %get3A_718] {strides = array<i32>} : memref<200x128xf32, #tpu.memory_space<vmem>>, vector<1x16xf32>,
        %get3A_720 = vector.shape_cast %get3A_719 : vector<1x16xf32> to vector<16xf32>
        %add3A_721 = arith.addf %add3A_665, %get3A_720 : vector<16xf32>
        %add3A_722 = arith.constant 4 : i32
        %add3A_723 = arith.addi %mul3A_477, %add3A_722 : i32
        %get3A_724 = arith.index_cast %add3A_723 : i32 to index
        %get3A_725 = arith.constant 48 : index
        %get3A_726 = tpu.vector_load %arg8[%get3A_724, %get3A_725] {strides = array<i32>} : memref<200x128xf32, #tpu.memory_space<vmem>>, vector<1x16xf32>,
        %get3A_727 = vector.shape_cast %get3A_726 : vector<1x16xf32> to vector<16xf32>
        %add3A_728 = arith.addf %add3A_672, %get3A_727 : vector<16xf32>
        %add3A_729 = arith.constant 4 : i32
        %add3A_730 = arith.addi %mul3A_477, %add3A_729 : i32
        %get3A_731 = arith.index_cast %add3A_730 : i32 to index
        %get3A_732 = arith.constant 64 : index
        %get3A_733 = tpu.vector_load %arg8[%get3A_731, %get3A_732] {strides = array<i32>} : memref<200x128xf32, #tpu.memory_space<vmem>>, vector<1x16xf32>,
        %get3A_734 = vector.shape_cast %get3A_733 : vector<1x16xf32> to vector<16xf32>
        %add3A_735 = arith.addf %add3A_679, %get3A_734 : vector<16xf32>
        %add3A_736 = arith.constant 4 : i32
        %add3A_737 = arith.addi %mul3A_477, %add3A_736 : i32
        %get3A_738 = arith.index_cast %add3A_737 : i32 to index
        %get3A_739 = arith.constant 80 : index
        %get3A_740 = tpu.vector_load %arg8[%get3A_738, %get3A_739] {strides = array<i32>} : memref<200x128xf32, #tpu.memory_space<vmem>>, vector<1x16xf32>,
        %get3A_741 = vector.shape_cast %get3A_740 : vector<1x16xf32> to vector<16xf32>
        %add3A_742 = arith.addf %add3A_686, %get3A_741 : vector<16xf32>
        %add3A_743 = arith.constant 4 : i32
        %add3A_744 = arith.addi %mul3A_477, %add3A_743 : i32
        %get3A_745 = arith.index_cast %add3A_744 : i32 to index
        %get3A_746 = arith.constant 96 : index
        %get3A_747 = tpu.vector_load %arg8[%get3A_745, %get3A_746] {strides = array<i32>} : memref<200x128xf32, #tpu.memory_space<vmem>>, vector<1x16xf32>,
        %get3A_748 = vector.shape_cast %get3A_747 : vector<1x16xf32> to vector<16xf32>
        %add3A_749 = arith.addf %add3A_693, %get3A_748 : vector<16xf32>
        %add3A_750 = arith.constant 4 : i32
        %add3A_751 = arith.addi %mul3A_477, %add3A_750 : i32
        %get3A_752 = arith.index_cast %add3A_751 : i32 to index
        %get3A_753 = arith.constant 112 : index
        %get3A_754 = tpu.vector_load %arg8[%get3A_752, %get3A_753] {strides = array<i32>} : memref<200x128xf32, #tpu.memory_space<vmem>>, vector<1x16xf32>,
        %get3A_755 = vector.shape_cast %get3A_754 : vector<1x16xf32> to vector<16xf32>
        %add3A_756 = arith.addf %add3A_700, %get3A_755 : vector<16xf32>
        %add3A_757 = arith.constant 5 : i32
        %add3A_758 = arith.addi %mul3A_477, %add3A_757 : i32
        %get3A_759 = arith.index_cast %add3A_758 : i32 to index
        %get3A_760 = arith.constant 0 : index
        %get3A_761 = tpu.vector_load %arg8[%get3A_759, %get3A_760] {strides = array<i32>} : memref<200x128xf32, #tpu.memory_space<vmem>>, vector<1x16xf32>,
        %get3A_762 = vector.shape_cast %get3A_761 : vector<1x16xf32> to vector<16xf32>
        %add3A_763 = arith.addf %add3A_707, %get3A_762 : vector<16xf32>
        %add3A_764 = arith.constant 5 : i32
        %add3A_765 = arith.addi %mul3A_477, %add3A_764 : i32
        %get3A_766 = arith.index_cast %add3A_765 : i32 to index
        %get3A_767 = arith.constant 16 : index
        %get3A_768 = tpu.vector_load %arg8[%get3A_766, %get3A_767] {strides = array<i32>} : memref<200x128xf32, #tpu.memory_space<vmem>>, vector<1x16xf32>,
        %get3A_769 = vector.shape_cast %get3A_768 : vector<1x16xf32> to vector<16xf32>
        %add3A_770 = arith.addf %add3A_714, %get3A_769 : vector<16xf32>
        %add3A_771 = arith.constant 5 : i32
        %add3A_772 = arith.addi %mul3A_477, %add3A_771 : i32
        %get3A_773 = arith.index_cast %add3A_772 : i32 to index
        %get3A_774 = arith.constant 32 : index
        %get3A_775 = tpu.vector_load %arg8[%get3A_773, %get3A_774] {strides = array<i32>} : memref<200x128xf32, #tpu.memory_space<vmem>>, vector<1x16xf32>,
        %get3A_776 = vector.shape_cast %get3A_775 : vector<1x16xf32> to vector<16xf32>
        %add3A_777 = arith.addf %add3A_721, %get3A_776 : vector<16xf32>
        %add3A_778 = arith.constant 5 : i32
        %add3A_779 = arith.addi %mul3A_477, %add3A_778 : i32
        %get3A_780 = arith.index_cast %add3A_779 : i32 to index
        %get3A_781 = arith.constant 48 : index
        %get3A_782 = tpu.vector_load %arg8[%get3A_780, %get3A_781] {strides = array<i32>} : memref<200x128xf32, #tpu.memory_space<vmem>>, vector<1x16xf32>,
        %get3A_783 = vector.shape_cast %get3A_782 : vector<1x16xf32> to vector<16xf32>
        %add3A_784 = arith.addf %add3A_728, %get3A_783 : vector<16xf32>
        %add3A_785 = arith.constant 5 : i32
        %add3A_786 = arith.addi %mul3A_477, %add3A_785 : i32
        %get3A_787 = arith.index_cast %add3A_786 : i32 to index
        %get3A_788 = arith.constant 64 : index
        %get3A_789 = tpu.vector_load %arg8[%get3A_787, %get3A_788] {strides = array<i32>} : memref<200x128xf32, #tpu.memory_space<vmem>>, vector<1x16xf32>,
        %get3A_790 = vector.shape_cast %get3A_789 : vector<1x16xf32> to vector<16xf32>
        %add3A_791 = arith.addf %add3A_735, %get3A_790 : vector<16xf32>
        %add3A_792 = arith.constant 5 : i32
        %add3A_793 = arith.addi %mul3A_477, %add3A_792 : i32
        %get3A_794 = arith.index_cast %add3A_793 : i32 to index
        %get3A_795 = arith.constant 80 : index
        %get3A_796 = tpu.vector_load %arg8[%get3A_794, %get3A_795] {strides = array<i32>} : memref<200x128xf32, #tpu.memory_space<vmem>>, vector<1x16xf32>,
        %get3A_797 = vector.shape_cast %get3A_796 : vector<1x16xf32> to vector<16xf32>
        %add3A_798 = arith.addf %add3A_742, %get3A_797 : vector<16xf32>
        %add3A_799 = arith.constant 5 : i32
        %add3A_800 = arith.addi %mul3A_477, %add3A_799 : i32
        %get3A_801 = arith.index_cast %add3A_800 : i32 to index
        %get3A_802 = arith.constant 96 : index
        %get3A_803 = tpu.vector_load %arg8[%get3A_801, %get3A_802] {strides = array<i32>} : memref<200x128xf32, #tpu.memory_space<vmem>>, vector<1x16xf32>,
        %get3A_804 = vector.shape_cast %get3A_803 : vector<1x16xf32> to vector<16xf32>
        %add3A_805 = arith.addf %add3A_749, %get3A_804 : vector<16xf32>
        %add3A_806 = arith.constant 5 : i32
        %add3A_807 = arith.addi %mul3A_477, %add3A_806 : i32
        %get3A_808 = arith.index_cast %add3A_807 : i32 to index
        %get3A_809 = arith.constant 112 : index
        %get3A_810 = tpu.vector_load %arg8[%get3A_808, %get3A_809] {strides = array<i32>} : memref<200x128xf32, #tpu.memory_space<vmem>>, vector<1x16xf32>,
        %get3A_811 = vector.shape_cast %get3A_810 : vector<1x16xf32> to vector<16xf32>
        %add3A_812 = arith.addf %add3A_756, %get3A_811 : vector<16xf32>
        %add3A_813 = arith.constant 6 : i32
        %add3A_814 = arith.addi %mul3A_477, %add3A_813 : i32
        %get3A_815 = arith.index_cast %add3A_814 : i32 to index
        %get3A_816 = arith.constant 0 : index
        %get3A_817 = tpu.vector_load %arg8[%get3A_815, %get3A_816] {strides = array<i32>} : memref<200x128xf32, #tpu.memory_space<vmem>>, vector<1x16xf32>,
        %get3A_818 = vector.shape_cast %get3A_817 : vector<1x16xf32> to vector<16xf32>
        %add3A_819 = arith.addf %add3A_763, %get3A_818 : vector<16xf32>
        %add3A_820 = arith.constant 6 : i32
        %add3A_821 = arith.addi %mul3A_477, %add3A_820 : i32
        %get3A_822 = arith.index_cast %add3A_821 : i32 to index
        %get3A_823 = arith.constant 16 : index
        %get3A_824 = tpu.vector_load %arg8[%get3A_822, %get3A_823] {strides = array<i32>} : memref<200x128xf32, #tpu.memory_space<vmem>>, vector<1x16xf32>,
        %get3A_825 = vector.shape_cast %get3A_824 : vector<1x16xf32> to vector<16xf32>
        %add3A_826 = arith.addf %add3A_770, %get3A_825 : vector<16xf32>
        %add3A_827 = arith.constant 6 : i32
        %add3A_828 = arith.addi %mul3A_477, %add3A_827 : i32
        %get3A_829 = arith.index_cast %add3A_828 : i32 to index
        %get3A_830 = arith.constant 32 : index
        %get3A_831 = tpu.vector_load %arg8[%get3A_829, %get3A_830] {strides = array<i32>} : memref<200x128xf32, #tpu.memory_space<vmem>>, vector<1x16xf32>,
        %get3A_832 = vector.shape_cast %get3A_831 : vector<1x16xf32> to vector<16xf32>
        %add3A_833 = arith.addf %add3A_777, %get3A_832 : vector<16xf32>
        %add3A_834 = arith.constant 6 : i32
        %add3A_835 = arith.addi %mul3A_477, %add3A_834 : i32
        %get3A_836 = arith.index_cast %add3A_835 : i32 to index
        %get3A_837 = arith.constant 48 : index
        %get3A_838 = tpu.vector_load %arg8[%get3A_836, %get3A_837] {strides = array<i32>} : memref<200x128xf32, #tpu.memory_space<vmem>>, vector<1x16xf32>,
        %get3A_839 = vector.shape_cast %get3A_838 : vector<1x16xf32> to vector<16xf32>
        %add3A_840 = arith.addf %add3A_784, %get3A_839 : vector<16xf32>
        %add3A_841 = arith.constant 6 : i32
        %add3A_842 = arith.addi %mul3A_477, %add3A_841 : i32
        %get3A_843 = arith.index_cast %add3A_842 : i32 to index
        %get3A_844 = arith.constant 64 : index
        %get3A_845 = tpu.vector_load %arg8[%get3A_843, %get3A_844] {strides = array<i32>} : memref<200x128xf32, #tpu.memory_space<vmem>>, vector<1x16xf32>,
        %get3A_846 = vector.shape_cast %get3A_845 : vector<1x16xf32> to vector<16xf32>
        %add3A_847 = arith.addf %add3A_791, %get3A_846 : vector<16xf32>
        %add3A_848 = arith.constant 6 : i32
        %add3A_849 = arith.addi %mul3A_477, %add3A_848 : i32
        %get3A_850 = arith.index_cast %add3A_849 : i32 to index
        %get3A_851 = arith.constant 80 : index
        %get3A_852 = tpu.vector_load %arg8[%get3A_850, %get3A_851] {strides = array<i32>} : memref<200x128xf32, #tpu.memory_space<vmem>>, vector<1x16xf32>,
        %get3A_853 = vector.shape_cast %get3A_852 : vector<1x16xf32> to vector<16xf32>
        %add3A_854 = arith.addf %add3A_798, %get3A_853 : vector<16xf32>
        %add3A_855 = arith.constant 6 : i32
        %add3A_856 = arith.addi %mul3A_477, %add3A_855 : i32
        %get3A_857 = arith.index_cast %add3A_856 : i32 to index
        %get3A_858 = arith.constant 96 : index
        %get3A_859 = tpu.vector_load %arg8[%get3A_857, %get3A_858] {strides = array<i32>} : memref<200x128xf32, #tpu.memory_space<vmem>>, vector<1x16xf32>,
        %get3A_860 = vector.shape_cast %get3A_859 : vector<1x16xf32> to vector<16xf32>
        %add3A_861 = arith.addf %add3A_805, %get3A_860 : vector<16xf32>
        %add3A_862 = arith.constant 6 : i32
        %add3A_863 = arith.addi %mul3A_477, %add3A_862 : i32
        %get3A_864 = arith.index_cast %add3A_863 : i32 to index
        %get3A_865 = arith.constant 112 : index
        %get3A_866 = tpu.vector_load %arg8[%get3A_864, %get3A_865] {strides = array<i32>} : memref<200x128xf32, #tpu.memory_space<vmem>>, vector<1x16xf32>,
        %get3A_867 = vector.shape_cast %get3A_866 : vector<1x16xf32> to vector<16xf32>
        %add3A_868 = arith.addf %add3A_812, %get3A_867 : vector<16xf32>
        %add3A_869 = arith.constant 7 : i32
        %add3A_870 = arith.addi %mul3A_477, %add3A_869 : i32
        %get3A_871 = arith.index_cast %add3A_870 : i32 to index
        %get3A_872 = arith.constant 0 : index
        %get3A_873 = tpu.vector_load %arg8[%get3A_871, %get3A_872] {strides = array<i32>} : memref<200x128xf32, #tpu.memory_space<vmem>>, vector<1x16xf32>,
        %get3A_874 = vector.shape_cast %get3A_873 : vector<1x16xf32> to vector<16xf32>
        %add3A_875 = arith.addf %add3A_819, %get3A_874 : vector<16xf32>
        %add3A_876 = arith.constant 7 : i32
        %add3A_877 = arith.addi %mul3A_477, %add3A_876 : i32
        %get3A_878 = arith.index_cast %add3A_877 : i32 to index
        %get3A_879 = arith.constant 16 : index
        %get3A_880 = tpu.vector_load %arg8[%get3A_878, %get3A_879] {strides = array<i32>} : memref<200x128xf32, #tpu.memory_space<vmem>>, vector<1x16xf32>,
        %get3A_881 = vector.shape_cast %get3A_880 : vector<1x16xf32> to vector<16xf32>
        %add3A_882 = arith.addf %add3A_826, %get3A_881 : vector<16xf32>
        %add3A_883 = arith.constant 7 : i32
        %add3A_884 = arith.addi %mul3A_477, %add3A_883 : i32
        %get3A_885 = arith.index_cast %add3A_884 : i32 to index
        %get3A_886 = arith.constant 32 : index
        %get3A_887 = tpu.vector_load %arg8[%get3A_885, %get3A_886] {strides = array<i32>} : memref<200x128xf32, #tpu.memory_space<vmem>>, vector<1x16xf32>,
        %get3A_888 = vector.shape_cast %get3A_887 : vector<1x16xf32> to vector<16xf32>
        %add3A_889 = arith.addf %add3A_833, %get3A_888 : vector<16xf32>
        %add3A_890 = arith.constant 7 : i32
        %add3A_891 = arith.addi %mul3A_477, %add3A_890 : i32
        %get3A_892 = arith.index_cast %add3A_891 : i32 to index
        %get3A_893 = arith.constant 48 : index
        %get3A_894 = tpu.vector_load %arg8[%get3A_892, %get3A_893] {strides = array<i32>} : memref<200x128xf32, #tpu.memory_space<vmem>>, vector<1x16xf32>,
        %get3A_895 = vector.shape_cast %get3A_894 : vector<1x16xf32> to vector<16xf32>
        %add3A_896 = arith.addf %add3A_840, %get3A_895 : vector<16xf32>
        %add3A_897 = arith.constant 7 : i32
        %add3A_898 = arith.addi %mul3A_477, %add3A_897 : i32
        %get3A_899 = arith.index_cast %add3A_898 : i32 to index
        %get3A_900 = arith.constant 64 : index
        %get3A_901 = tpu.vector_load %arg8[%get3A_899, %get3A_900] {strides = array<i32>} : memref<200x128xf32, #tpu.memory_space<vmem>>, vector<1x16xf32>,
        %get3A_902 = vector.shape_cast %get3A_901 : vector<1x16xf32> to vector<16xf32>
        %add3A_903 = arith.addf %add3A_847, %get3A_902 : vector<16xf32>
        %add3A_904 = arith.constant 7 : i32
        %add3A_905 = arith.addi %mul3A_477, %add3A_904 : i32
        %get3A_906 = arith.index_cast %add3A_905 : i32 to index
        %get3A_907 = arith.constant 80 : index
        %get3A_908 = tpu.vector_load %arg8[%get3A_906, %get3A_907] {strides = array<i32>} : memref<200x128xf32, #tpu.memory_space<vmem>>, vector<1x16xf32>,
        %get3A_909 = vector.shape_cast %get3A_908 : vector<1x16xf32> to vector<16xf32>
        %add3A_910 = arith.addf %add3A_854, %get3A_909 : vector<16xf32>
        %add3A_911 = arith.constant 7 : i32
        %add3A_912 = arith.addi %mul3A_477, %add3A_911 : i32
        %get3A_913 = arith.index_cast %add3A_912 : i32 to index
        %get3A_914 = arith.constant 96 : index
        %get3A_915 = tpu.vector_load %arg8[%get3A_913, %get3A_914] {strides = array<i32>} : memref<200x128xf32, #tpu.memory_space<vmem>>, vector<1x16xf32>,
        %get3A_916 = vector.shape_cast %get3A_915 : vector<1x16xf32> to vector<16xf32>
        %add3A_917 = arith.addf %add3A_861, %get3A_916 : vector<16xf32>
        %add3A_918 = arith.constant 7 : i32
        %add3A_919 = arith.addi %mul3A_477, %add3A_918 : i32
        %get3A_920 = arith.index_cast %add3A_919 : i32 to index
        %get3A_921 = arith.constant 112 : index
        %get3A_922 = tpu.vector_load %arg8[%get3A_920, %get3A_921] {strides = array<i32>} : memref<200x128xf32, #tpu.memory_space<vmem>>, vector<1x16xf32>,
        %get3A_923 = vector.shape_cast %get3A_922 : vector<1x16xf32> to vector<16xf32>
        %add3A_924 = arith.addf %add3A_868, %get3A_923 : vector<16xf32>
        scf.yield %add3A_875, %add3A_882, %add3A_889, %add3A_896, %add3A_903, %add3A_910, %add3A_917, %add3A_924 : vector<16xf32>, vector<16xf32>, vector<16xf32>, vector<16xf32>, vector<16xf32>, vector<16xf32>, vector<16xf32>, vector<16xf32>
      }
      %scan3A_426 = arith.constant 25 : i32
      %swap3A_427 = arith.index_cast %add3A_404 : i32 to index
      %swap3A_428 = arith.constant 0 : index
      %swap3A_429 = tpu.vector_load %arg9[%swap3A_427, %swap3A_428] {strides = array<i32>} : memref<128x128xf32, #tpu.memory_space<vmem>>, vector<1x16xf32>,
      %swap3A_430 = vector.shape_cast %swap3A_429 : vector<1x16xf32> to vector<16xf32>
      %swap3A_431 = vector.shape_cast %scan3A_425#0 : vector<16xf32> to vector<1x16xf32>
      tpu.vector_store %arg9[%swap3A_427, %swap3A_428], %swap3A_431 {strides = array<i32>} : memref<128x128xf32, #tpu.memory_space<vmem>>, vector<1x16xf32>,
      %swap3A_432 = arith.index_cast %add3A_404 : i32 to index
      %swap3A_433 = arith.constant 16 : index
      %swap3A_434 = tpu.vector_load %arg9[%swap3A_432, %swap3A_433] {strides = array<i32>} : memref<128x128xf32, #tpu.memory_space<vmem>>, vector<1x16xf32>,
      %swap3A_435 = vector.shape_cast %swap3A_434 : vector<1x16xf32> to vector<16xf32>
      %swap3A_436 = vector.shape_cast %scan3A_425#1 : vector<16xf32> to vector<1x16xf32>
      tpu.vector_store %arg9[%swap3A_432, %swap3A_433], %swap3A_436 {strides = array<i32>} : memref<128x128xf32, #tpu.memory_space<vmem>>, vector<1x16xf32>,
      %swap3A_437 = arith.index_cast %add3A_404 : i32 to index
      %swap3A_438 = arith.constant 32 : index
      %swap3A_439 = tpu.vector_load %arg9[%swap3A_437, %swap3A_438] {strides = array<i32>} : memref<128x128xf32, #tpu.memory_space<vmem>>, vector<1x16xf32>,
      %swap3A_440 = vector.shape_cast %swap3A_439 : vector<1x16xf32> to vector<16xf32>
      %swap3A_441 = vector.shape_cast %scan3A_425#2 : vector<16xf32> to vector<1x16xf32>
      tpu.vector_store %arg9[%swap3A_437, %swap3A_438], %swap3A_441 {strides = array<i32>} : memref<128x128xf32, #tpu.memory_space<vmem>>, vector<1x16xf32>,
      %swap3A_442 = arith.index_cast %add3A_404 : i32 to index
      %swap3A_443 = arith.constant 48 : index
      %swap3A_444 = tpu.vector_load %arg9[%swap3A_442, %swap3A_443] {strides = array<i32>} : memref<128x128xf32, #tpu.memory_space<vmem>>, vector<1x16xf32>,
      %swap3A_445 = vector.shape_cast %swap3A_444 : vector<1x16xf32> to vector<16xf32>
      %swap3A_446 = vector.shape_cast %scan3A_425#3 : vector<16xf32> to vector<1x16xf32>
      tpu.vector_store %arg9[%swap3A_442, %swap3A_443], %swap3A_446 {strides = array<i32>} : memref<128x128xf32, #tpu.memory_space<vmem>>, vector<1x16xf32>,
      %swap3A_447 = arith.index_cast %add3A_404 : i32 to index
      %swap3A_448 = arith.constant 64 : index
      %swap3A_449 = tpu.vector_load %arg9[%swap3A_447, %swap3A_448] {strides = array<i32>} : memref<128x128xf32, #tpu.memory_space<vmem>>, vector<1x16xf32>,
      %swap3A_450 = vector.shape_cast %swap3A_449 : vector<1x16xf32> to vector<16xf32>
      %swap3A_451 = vector.shape_cast %scan3A_425#4 : vector<16xf32> to vector<1x16xf32>
      tpu.vector_store %arg9[%swap3A_447, %swap3A_448], %swap3A_451 {strides = array<i32>} : memref<128x128xf32, #tpu.memory_space<vmem>>, vector<1x16xf32>,
      %swap3A_452 = arith.index_cast %add3A_404 : i32 to index
      %swap3A_453 = arith.constant 80 : index
      %swap3A_454 = tpu.vector_load %arg9[%swap3A_452, %swap3A_453] {strides = array<i32>} : memref<128x128xf32, #tpu.memory_space<vmem>>, vector<1x16xf32>,
      %swap3A_455 = vector.shape_cast %swap3A_454 : vector<1x16xf32> to vector<16xf32>
      %swap3A_456 = vector.shape_cast %scan3A_425#5 : vector<16xf32> to vector<1x16xf32>
      tpu.vector_store %arg9[%swap3A_452, %swap3A_453], %swap3A_456 {strides = array<i32>} : memref<128x128xf32, #tpu.memory_space<vmem>>, vector<1x16xf32>,
      %swap3A_457 = arith.index_cast %add3A_404 : i32 to index
      %swap3A_458 = arith.constant 96 : index
      %swap3A_459 = tpu.vector_load %arg9[%swap3A_457, %swap3A_458] {strides = array<i32>} : memref<128x128xf32, #tpu.memory_space<vmem>>, vector<1x16xf32>,
      %swap3A_460 = vector.shape_cast %swap3A_459 : vector<1x16xf32> to vector<16xf32>
      %swap3A_461 = vector.shape_cast %scan3A_425#6 : vector<16xf32> to vector<1x16xf32>
      tpu.vector_store %arg9[%swap3A_457, %swap3A_458], %swap3A_461 {strides = array<i32>} : memref<128x128xf32, #tpu.memory_space<vmem>>, vector<1x16xf32>,
      %swap3A_462 = arith.index_cast %add3A_404 : i32 to index
      %swap3A_463 = arith.constant 112 : index
      %swap3A_464 = tpu.vector_load %arg9[%swap3A_462, %swap3A_463] {strides = array<i32>} : memref<128x128xf32, #tpu.memory_space<vmem>>, vector<1x16xf32>,
      %swap3A_465 = vector.shape_cast %swap3A_464 : vector<1x16xf32> to vector<16xf32>
      %swap3A_466 = vector.shape_cast %scan3A_425#7 : vector<16xf32> to vector<1x16xf32>
      tpu.vector_store %arg9[%swap3A_462, %swap3A_463], %swap3A_466 {strides = array<i32>} : memref<128x128xf32, #tpu.memory_space<vmem>>, vector<1x16xf32>,
    }
    %scan3A_46 = arith.constant 42 : i32
    %dma_wait3A = arith.constant 0 : i32
    %dma_wait3A_47 = arith.constant 0 : i32
    %dma_wait3A_48 = tpu.memref_slice %arg2[%dma_wait3A, %dma_wait3A_47] : memref<1000000x128xf32, #tpu.memory_space<hbm>> -> memref<200x128xf32, #tpu.memory_space<hbm>>
    %dma_wait3A_49 = arith.constant 0 : i32
    %dma_wait3A_50 = arith.constant 0 : i32
    %dma_wait3A_51 = tpu.memref_slice %arg2[%dma_wait3A_49, %dma_wait3A_50] : memref<1000000x128xf32, #tpu.memory_space<hbm>> -> memref<200x128xf32, #tpu.memory_space<hbm>>
    tpu.wait_dma2 semaphore(%arg10 : memref<!tpu.dma_semaphore, #tpu.memory_space<semaphore_mem>>) src(%dma_wait3A_51 : memref<200x128xf32, #tpu.memory_space<hbm>>) dst(%arg6 : memref<200x128xf32, #tpu.memory_space<vmem>>)
    %broadcast_in_dim3A = arith.constant 0.000000e+00 : f32
    %broadcast_in_dim3A_52 = vector.broadcast %broadcast_in_dim3A : f32 to vector<16xf32>
    %broadcast_in_dim3A_53 = arith.constant 0.000000e+00 : f32
    %broadcast_in_dim3A_54 = vector.broadcast %broadcast_in_dim3A_53 : f32 to vector<16xf32>
    %broadcast_in_dim3A_55 = arith.constant 0.000000e+00 : f32
    %broadcast_in_dim3A_56 = vector.broadcast %broadcast_in_dim3A_55 : f32 to vector<16xf32>
    %broadcast_in_dim3A_57 = arith.constant 0.000000e+00 : f32
    %broadcast_in_dim3A_58 = vector.broadcast %broadcast_in_dim3A_57 : f32 to vector<16xf32>
    %broadcast_in_dim3A_59 = arith.constant 0.000000e+00 : f32
    %broadcast_in_dim3A_60 = vector.broadcast %broadcast_in_dim3A_59 : f32 to vector<16xf32>
    %broadcast_in_dim3A_61 = arith.constant 0.000000e+00 : f32
    %broadcast_in_dim3A_62 = vector.broadcast %broadcast_in_dim3A_61 : f32 to vector<16xf32>
    %broadcast_in_dim3A_63 = arith.constant 0.000000e+00 : f32
    %broadcast_in_dim3A_64 = vector.broadcast %broadcast_in_dim3A_63 : f32 to vector<16xf32>
    %broadcast_in_dim3A_65 = arith.constant 0.000000e+00 : f32
    %broadcast_in_dim3A_66 = vector.broadcast %broadcast_in_dim3A_65 : f32 to vector<16xf32>
    %scan3A_67 = arith.constant 0 : i32
    %scan3A_68 = arith.constant 25 : i32
    %scan3A_69 = arith.addi %scan3A_67, %scan3A_68 : i32
    %scan3A_70 = arith.constant 1 : i32
    %scan3A_71:8 = scf.for %scan3A_196 = %scan3A_67 to %scan3A_69 step %scan3A_70 iter_args(%scan3A_197 = %broadcast_in_dim3A_52, %scan3A_198 = %broadcast_in_dim3A_54, %scan3A_199 = %broadcast_in_dim3A_56, %scan3A_200 = %broadcast_in_dim3A_58, %scan3A_201 = %broadcast_in_dim3A_60, %scan3A_202 = %broadcast_in_dim3A_62, %scan3A_203 = %broadcast_in_dim3A_64, %scan3A_204 = %broadcast_in_dim3A_66) -> (vector<16xf32>, vector<16xf32>, vector<16xf32>, vector<16xf32>, vector<16xf32>, vector<16xf32>, vector<16xf32>, vector<16xf32>)  : i32 {
      %mul3A_205 = arith.constant 8 : i32
      %mul3A_206 = arith.muli %mul3A_205, %scan3A_196 : i32
      %add3A_207 = arith.constant 0 : i32
      %add3A_208 = arith.addi %mul3A_206, %add3A_207 : i32
      %get3A = arith.index_cast %add3A_208 : i32 to index
      %get3A_209 = arith.constant 0 : index
      %get3A_210 = tpu.vector_load %arg6[%get3A, %get3A_209] {strides = array<i32>} : memref<200x128xf32, #tpu.memory_space<vmem>>, vector<1x16xf32>,
      %get3A_211 = vector.shape_cast %get3A_210 : vector<1x16xf32> to vector<16xf32>
      %add3A_212 = arith.addf %scan3A_197, %get3A_211 : vector<16xf32>
      %add3A_213 = arith.constant 0 : i32
      %add3A_214 = arith.addi %mul3A_206, %add3A_213 : i32
      %get3A_215 = arith.index_cast %add3A_214 : i32 to index
      %get3A_216 = arith.constant 16 : index
      %get3A_217 = tpu.vector_load %arg6[%get3A_215, %get3A_216] {strides = array<i32>} : memref<200x128xf32, #tpu.memory_space<vmem>>, vector<1x16xf32>,
      %get3A_218 = vector.shape_cast %get3A_217 : vector<1x16xf32> to vector<16xf32>
      %add3A_219 = arith.addf %scan3A_198, %get3A_218 : vector<16xf32>
      %add3A_220 = arith.constant 0 : i32
      %add3A_221 = arith.addi %mul3A_206, %add3A_220 : i32
      %get3A_222 = arith.index_cast %add3A_221 : i32 to index
      %get3A_223 = arith.constant 32 : index
      %get3A_224 = tpu.vector_load %arg6[%get3A_222, %get3A_223] {strides = array<i32>} : memref<200x128xf32, #tpu.memory_space<vmem>>, vector<1x16xf32>,
      %get3A_225 = vector.shape_cast %get3A_224 : vector<1x16xf32> to vector<16xf32>
      %add3A_226 = arith.addf %scan3A_199, %get3A_225 : vector<16xf32>
      %add3A_227 = arith.constant 0 : i32
      %add3A_228 = arith.addi %mul3A_206, %add3A_227 : i32
      %get3A_229 = arith.index_cast %add3A_228 : i32 to index
      %get3A_230 = arith.constant 48 : index
      %get3A_231 = tpu.vector_load %arg6[%get3A_229, %get3A_230] {strides = array<i32>} : memref<200x128xf32, #tpu.memory_space<vmem>>, vector<1x16xf32>,
      %get3A_232 = vector.shape_cast %get3A_231 : vector<1x16xf32> to vector<16xf32>
      %add3A_233 = arith.addf %scan3A_200, %get3A_232 : vector<16xf32>
      %add3A_234 = arith.constant 0 : i32
      %add3A_235 = arith.addi %mul3A_206, %add3A_234 : i32
      %get3A_236 = arith.index_cast %add3A_235 : i32 to index
      %get3A_237 = arith.constant 64 : index
      %get3A_238 = tpu.vector_load %arg6[%get3A_236, %get3A_237] {strides = array<i32>} : memref<200x128xf32, #tpu.memory_space<vmem>>, vector<1x16xf32>,
      %get3A_239 = vector.shape_cast %get3A_238 : vector<1x16xf32> to vector<16xf32>
      %add3A_240 = arith.addf %scan3A_201, %get3A_239 : vector<16xf32>
      %add3A_241 = arith.constant 0 : i32
      %add3A_242 = arith.addi %mul3A_206, %add3A_241 : i32
      %get3A_243 = arith.index_cast %add3A_242 : i32 to index
      %get3A_244 = arith.constant 80 : index
      %get3A_245 = tpu.vector_load %arg6[%get3A_243, %get3A_244] {strides = array<i32>} : memref<200x128xf32, #tpu.memory_space<vmem>>, vector<1x16xf32>,
      %get3A_246 = vector.shape_cast %get3A_245 : vector<1x16xf32> to vector<16xf32>
      %add3A_247 = arith.addf %scan3A_202, %get3A_246 : vector<16xf32>
      %add3A_248 = arith.constant 0 : i32
      %add3A_249 = arith.addi %mul3A_206, %add3A_248 : i32
      %get3A_250 = arith.index_cast %add3A_249 : i32 to index
      %get3A_251 = arith.constant 96 : index
      %get3A_252 = tpu.vector_load %arg6[%get3A_250, %get3A_251] {strides = array<i32>} : memref<200x128xf32, #tpu.memory_space<vmem>>, vector<1x16xf32>,
      %get3A_253 = vector.shape_cast %get3A_252 : vector<1x16xf32> to vector<16xf32>
      %add3A_254 = arith.addf %scan3A_203, %get3A_253 : vector<16xf32>
      %add3A_255 = arith.constant 0 : i32
      %add3A_256 = arith.addi %mul3A_206, %add3A_255 : i32
      %get3A_257 = arith.index_cast %add3A_256 : i32 to index
      %get3A_258 = arith.constant 112 : index
      %get3A_259 = tpu.vector_load %arg6[%get3A_257, %get3A_258] {strides = array<i32>} : memref<200x128xf32, #tpu.memory_space<vmem>>, vector<1x16xf32>,
      %get3A_260 = vector.shape_cast %get3A_259 : vector<1x16xf32> to vector<16xf32>
      %add3A_261 = arith.addf %scan3A_204, %get3A_260 : vector<16xf32>
      %add3A_262 = arith.constant 1 : i32
      %add3A_263 = arith.addi %mul3A_206, %add3A_262 : i32
      %get3A_264 = arith.index_cast %add3A_263 : i32 to index
      %get3A_265 = arith.constant 0 : index
      %get3A_266 = tpu.vector_load %arg6[%get3A_264, %get3A_265] {strides = array<i32>} : memref<200x128xf32, #tpu.memory_space<vmem>>, vector<1x16xf32>,
      %get3A_267 = vector.shape_cast %get3A_266 : vector<1x16xf32> to vector<16xf32>
      %add3A_268 = arith.addf %add3A_212, %get3A_267 : vector<16xf32>
      %add3A_269 = arith.constant 1 : i32
      %add3A_270 = arith.addi %mul3A_206, %add3A_269 : i32
      %get3A_271 = arith.index_cast %add3A_270 : i32 to index
      %get3A_272 = arith.constant 16 : index
      %get3A_273 = tpu.vector_load %arg6[%get3A_271, %get3A_272] {strides = array<i32>} : memref<200x128xf32, #tpu.memory_space<vmem>>, vector<1x16xf32>,
      %get3A_274 = vector.shape_cast %get3A_273 : vector<1x16xf32> to vector<16xf32>
      %add3A_275 = arith.addf %add3A_219, %get3A_274 : vector<16xf32>
      %add3A_276 = arith.constant 1 : i32
      %add3A_277 = arith.addi %mul3A_206, %add3A_276 : i32
      %get3A_278 = arith.index_cast %add3A_277 : i32 to index
      %get3A_279 = arith.constant 32 : index
      %get3A_280 = tpu.vector_load %arg6[%get3A_278, %get3A_279] {strides = array<i32>} : memref<200x128xf32, #tpu.memory_space<vmem>>, vector<1x16xf32>,
      %get3A_281 = vector.shape_cast %get3A_280 : vector<1x16xf32> to vector<16xf32>
      %add3A_282 = arith.addf %add3A_226, %get3A_281 : vector<16xf32>
      %add3A_283 = arith.constant 1 : i32
      %add3A_284 = arith.addi %mul3A_206, %add3A_283 : i32
      %get3A_285 = arith.index_cast %add3A_284 : i32 to index
      %get3A_286 = arith.constant 48 : index
      %get3A_287 = tpu.vector_load %arg6[%get3A_285, %get3A_286] {strides = array<i32>} : memref<200x128xf32, #tpu.memory_space<vmem>>, vector<1x16xf32>,
      %get3A_288 = vector.shape_cast %get3A_287 : vector<1x16xf32> to vector<16xf32>
      %add3A_289 = arith.addf %add3A_233, %get3A_288 : vector<16xf32>
      %add3A_290 = arith.constant 1 : i32
      %add3A_291 = arith.addi %mul3A_206, %add3A_290 : i32
      %get3A_292 = arith.index_cast %add3A_291 : i32 to index
      %get3A_293 = arith.constant 64 : index
      %get3A_294 = tpu.vector_load %arg6[%get3A_292, %get3A_293] {strides = array<i32>} : memref<200x128xf32, #tpu.memory_space<vmem>>, vector<1x16xf32>,
      %get3A_295 = vector.shape_cast %get3A_294 : vector<1x16xf32> to vector<16xf32>
      %add3A_296 = arith.addf %add3A_240, %get3A_295 : vector<16xf32>
      %add3A_297 = arith.constant 1 : i32
      %add3A_298 = arith.addi %mul3A_206, %add3A_297 : i32
      %get3A_299 = arith.index_cast %add3A_298 : i32 to index
      %get3A_300 = arith.constant 80 : index
      %get3A_301 = tpu.vector_load %arg6[%get3A_299, %get3A_300] {strides = array<i32>} : memref<200x128xf32, #tpu.memory_space<vmem>>, vector<1x16xf32>,
      %get3A_302 = vector.shape_cast %get3A_301 : vector<1x16xf32> to vector<16xf32>
      %add3A_303 = arith.addf %add3A_247, %get3A_302 : vector<16xf32>
      %add3A_304 = arith.constant 1 : i32
      %add3A_305 = arith.addi %mul3A_206, %add3A_304 : i32
      %get3A_306 = arith.index_cast %add3A_305 : i32 to index
      %get3A_307 = arith.constant 96 : index
      %get3A_308 = tpu.vector_load %arg6[%get3A_306, %get3A_307] {strides = array<i32>} : memref<200x128xf32, #tpu.memory_space<vmem>>, vector<1x16xf32>,
      %get3A_309 = vector.shape_cast %get3A_308 : vector<1x16xf32> to vector<16xf32>
      %add3A_310 = arith.addf %add3A_254, %get3A_309 : vector<16xf32>
      %add3A_311 = arith.constant 1 : i32
      %add3A_312 = arith.addi %mul3A_206, %add3A_311 : i32
      %get3A_313 = arith.index_cast %add3A_312 : i32 to index
      %get3A_314 = arith.constant 112 : index
      %get3A_315 = tpu.vector_load %arg6[%get3A_313, %get3A_314] {strides = array<i32>} : memref<200x128xf32, #tpu.memory_space<vmem>>, vector<1x16xf32>,
      %get3A_316 = vector.shape_cast %get3A_315 : vector<1x16xf32> to vector<16xf32>
      %add3A_317 = arith.addf %add3A_261, %get3A_316 : vector<16xf32>
      %add3A_318 = arith.constant 2 : i32
      %add3A_319 = arith.addi %mul3A_206, %add3A_318 : i32
      %get3A_320 = arith.index_cast %add3A_319 : i32 to index
      %get3A_321 = arith.constant 0 : index
      %get3A_322 = tpu.vector_load %arg6[%get3A_320, %get3A_321] {strides = array<i32>} : memref<200x128xf32, #tpu.memory_space<vmem>>, vector<1x16xf32>,
      %get3A_323 = vector.shape_cast %get3A_322 : vector<1x16xf32> to vector<16xf32>
      %add3A_324 = arith.addf %add3A_268, %get3A_323 : vector<16xf32>
      %add3A_325 = arith.constant 2 : i32
      %add3A_326 = arith.addi %mul3A_206, %add3A_325 : i32
      %get3A_327 = arith.index_cast %add3A_326 : i32 to index
      %get3A_328 = arith.constant 16 : index
      %get3A_329 = tpu.vector_load %arg6[%get3A_327, %get3A_328] {strides = array<i32>} : memref<200x128xf32, #tpu.memory_space<vmem>>, vector<1x16xf32>,
      %get3A_330 = vector.shape_cast %get3A_329 : vector<1x16xf32> to vector<16xf32>
      %add3A_331 = arith.addf %add3A_275, %get3A_330 : vector<16xf32>
      %add3A_332 = arith.constant 2 : i32
      %add3A_333 = arith.addi %mul3A_206, %add3A_332 : i32
      %get3A_334 = arith.index_cast %add3A_333 : i32 to index
      %get3A_335 = arith.constant 32 : index
      %get3A_336 = tpu.vector_load %arg6[%get3A_334, %get3A_335] {strides = array<i32>} : memref<200x128xf32, #tpu.memory_space<vmem>>, vector<1x16xf32>,
      %get3A_337 = vector.shape_cast %get3A_336 : vector<1x16xf32> to vector<16xf32>
      %add3A_338 = arith.addf %add3A_282, %get3A_337 : vector<16xf32>
      %add3A_339 = arith.constant 2 : i32
      %add3A_340 = arith.addi %mul3A_206, %add3A_339 : i32
      %get3A_341 = arith.index_cast %add3A_340 : i32 to index
      %get3A_342 = arith.constant 48 : index
      %get3A_343 = tpu.vector_load %arg6[%get3A_341, %get3A_342] {strides = array<i32>} : memref<200x128xf32, #tpu.memory_space<vmem>>, vector<1x16xf32>,
      %get3A_344 = vector.shape_cast %get3A_343 : vector<1x16xf32> to vector<16xf32>
      %add3A_345 = arith.addf %add3A_289, %get3A_344 : vector<16xf32>
      %add3A_346 = arith.constant 2 : i32
      %add3A_347 = arith.addi %mul3A_206, %add3A_346 : i32
      %get3A_348 = arith.index_cast %add3A_347 : i32 to index
      %get3A_349 = arith.constant 64 : index
      %get3A_350 = tpu.vector_load %arg6[%get3A_348, %get3A_349] {strides = array<i32>} : memref<200x128xf32, #tpu.memory_space<vmem>>, vector<1x16xf32>,
      %get3A_351 = vector.shape_cast %get3A_350 : vector<1x16xf32> to vector<16xf32>
      %add3A_352 = arith.addf %add3A_296, %get3A_351 : vector<16xf32>
      %add3A_353 = arith.constant 2 : i32
      %add3A_354 = arith.addi %mul3A_206, %add3A_353 : i32
      %get3A_355 = arith.index_cast %add3A_354 : i32 to index
      %get3A_356 = arith.constant 80 : index
      %get3A_357 = tpu.vector_load %arg6[%get3A_355, %get3A_356] {strides = array<i32>} : memref<200x128xf32, #tpu.memory_space<vmem>>, vector<1x16xf32>,
      %get3A_358 = vector.shape_cast %get3A_357 : vector<1x16xf32> to vector<16xf32>
      %add3A_359 = arith.addf %add3A_303, %get3A_358 : vector<16xf32>
      %add3A_360 = arith.constant 2 : i32
      %add3A_361 = arith.addi %mul3A_206, %add3A_360 : i32
      %get3A_362 = arith.index_cast %add3A_361 : i32 to index
      %get3A_363 = arith.constant 96 : index
      %get3A_364 = tpu.vector_load %arg6[%get3A_362, %get3A_363] {strides = array<i32>} : memref<200x128xf32, #tpu.memory_space<vmem>>, vector<1x16xf32>,
      %get3A_365 = vector.shape_cast %get3A_364 : vector<1x16xf32> to vector<16xf32>
      %add3A_366 = arith.addf %add3A_310, %get3A_365 : vector<16xf32>
      %add3A_367 = arith.constant 2 : i32
      %add3A_368 = arith.addi %mul3A_206, %add3A_367 : i32
      %get3A_369 = arith.index_cast %add3A_368 : i32 to index
      %get3A_370 = arith.constant 112 : index
      %get3A_371 = tpu.vector_load %arg6[%get3A_369, %get3A_370] {strides = array<i32>} : memref<200x128xf32, #tpu.memory_space<vmem>>, vector<1x16xf32>,
      %get3A_372 = vector.shape_cast %get3A_371 : vector<1x16xf32> to vector<16xf32>
      %add3A_373 = arith.addf %add3A_317, %get3A_372 : vector<16xf32>
      %add3A_374 = arith.constant 3 : i32
      %add3A_375 = arith.addi %mul3A_206, %add3A_374 : i32
      %get3A_376 = arith.index_cast %add3A_375 : i32 to index
      %get3A_377 = arith.constant 0 : index
      %get3A_378 = tpu.vector_load %arg6[%get3A_376, %get3A_377] {strides = array<i32>} : memref<200x128xf32, #tpu.memory_space<vmem>>, vector<1x16xf32>,
      %get3A_379 = vector.shape_cast %get3A_378 : vector<1x16xf32> to vector<16xf32>
      %add3A_380 = arith.addf %add3A_324, %get3A_379 : vector<16xf32>
      %add3A_381 = arith.constant 3 : i32
      %add3A_382 = arith.addi %mul3A_206, %add3A_381 : i32
      %get3A_383 = arith.index_cast %add3A_382 : i32 to index
      %get3A_384 = arith.constant 16 : index
      %get3A_385 = tpu.vector_load %arg6[%get3A_383, %get3A_384] {strides = array<i32>} : memref<200x128xf32, #tpu.memory_space<vmem>>, vector<1x16xf32>,
      %get3A_386 = vector.shape_cast %get3A_385 : vector<1x16xf32> to vector<16xf32>
      %add3A_387 = arith.addf %add3A_331, %get3A_386 : vector<16xf32>
      %add3A_388 = arith.constant 3 : i32
      %add3A_389 = arith.addi %mul3A_206, %add3A_388 : i32
      %get3A_390 = arith.index_cast %add3A_389 : i32 to index
      %get3A_391 = arith.constant 32 : index
      %get3A_392 = tpu.vector_load %arg6[%get3A_390, %get3A_391] {strides = array<i32>} : memref<200x128xf32, #tpu.memory_space<vmem>>, vector<1x16xf32>,
      %get3A_393 = vector.shape_cast %get3A_392 : vector<1x16xf32> to vector<16xf32>
      %add3A_394 = arith.addf %add3A_338, %get3A_393 : vector<16xf32>
      %add3A_395 = arith.constant 3 : i32
      %add3A_396 = arith.addi %mul3A_206, %add3A_395 : i32
      %get3A_397 = arith.index_cast %add3A_396 : i32 to index
      %get3A_398 = arith.constant 48 : index
      %get3A_399 = tpu.vector_load %arg6[%get3A_397, %get3A_398] {strides = array<i32>} : memref<200x128xf32, #tpu.memory_space<vmem>>, vector<1x16xf32>,
      %get3A_400 = vector.shape_cast %get3A_399 : vector<1x16xf32> to vector<16xf32>
      %add3A_401 = arith.addf %add3A_345, %get3A_400 : vector<16xf32>
      %add3A_402 = arith.constant 3 : i32
      %add3A_403 = arith.addi %mul3A_206, %add3A_402 : i32
      %get3A_404 = arith.index_cast %add3A_403 : i32 to index
      %get3A_405 = arith.constant 64 : index
      %get3A_406 = tpu.vector_load %arg6[%get3A_404, %get3A_405] {strides = array<i32>} : memref<200x128xf32, #tpu.memory_space<vmem>>, vector<1x16xf32>,
      %get3A_407 = vector.shape_cast %get3A_406 : vector<1x16xf32> to vector<16xf32>
      %add3A_408 = arith.addf %add3A_352, %get3A_407 : vector<16xf32>
      %add3A_409 = arith.constant 3 : i32
      %add3A_410 = arith.addi %mul3A_206, %add3A_409 : i32
      %get3A_411 = arith.index_cast %add3A_410 : i32 to index
      %get3A_412 = arith.constant 80 : index
      %get3A_413 = tpu.vector_load %arg6[%get3A_411, %get3A_412] {strides = array<i32>} : memref<200x128xf32, #tpu.memory_space<vmem>>, vector<1x16xf32>,
      %get3A_414 = vector.shape_cast %get3A_413 : vector<1x16xf32> to vector<16xf32>
      %add3A_415 = arith.addf %add3A_359, %get3A_414 : vector<16xf32>
      %add3A_416 = arith.constant 3 : i32
      %add3A_417 = arith.addi %mul3A_206, %add3A_416 : i32
      %get3A_418 = arith.index_cast %add3A_417 : i32 to index
      %get3A_419 = arith.constant 96 : index
      %get3A_420 = tpu.vector_load %arg6[%get3A_418, %get3A_419] {strides = array<i32>} : memref<200x128xf32, #tpu.memory_space<vmem>>, vector<1x16xf32>,
      %get3A_421 = vector.shape_cast %get3A_420 : vector<1x16xf32> to vector<16xf32>
      %add3A_422 = arith.addf %add3A_366, %get3A_421 : vector<16xf32>
      %add3A_423 = arith.constant 3 : i32
      %add3A_424 = arith.addi %mul3A_206, %add3A_423 : i32
      %get3A_425 = arith.index_cast %add3A_424 : i32 to index
      %get3A_426 = arith.constant 112 : index
      %get3A_427 = tpu.vector_load %arg6[%get3A_425, %get3A_426] {strides = array<i32>} : memref<200x128xf32, #tpu.memory_space<vmem>>, vector<1x16xf32>,
      %get3A_428 = vector.shape_cast %get3A_427 : vector<1x16xf32> to vector<16xf32>
      %add3A_429 = arith.addf %add3A_373, %get3A_428 : vector<16xf32>
      %add3A_430 = arith.constant 4 : i32
      %add3A_431 = arith.addi %mul3A_206, %add3A_430 : i32
      %get3A_432 = arith.index_cast %add3A_431 : i32 to index
      %get3A_433 = arith.constant 0 : index
      %get3A_434 = tpu.vector_load %arg6[%get3A_432, %get3A_433] {strides = array<i32>} : memref<200x128xf32, #tpu.memory_space<vmem>>, vector<1x16xf32>,
      %get3A_435 = vector.shape_cast %get3A_434 : vector<1x16xf32> to vector<16xf32>
      %add3A_436 = arith.addf %add3A_380, %get3A_435 : vector<16xf32>
      %add3A_437 = arith.constant 4 : i32
      %add3A_438 = arith.addi %mul3A_206, %add3A_437 : i32
      %get3A_439 = arith.index_cast %add3A_438 : i32 to index
      %get3A_440 = arith.constant 16 : index
      %get3A_441 = tpu.vector_load %arg6[%get3A_439, %get3A_440] {strides = array<i32>} : memref<200x128xf32, #tpu.memory_space<vmem>>, vector<1x16xf32>,
      %get3A_442 = vector.shape_cast %get3A_441 : vector<1x16xf32> to vector<16xf32>
      %add3A_443 = arith.addf %add3A_387, %get3A_442 : vector<16xf32>
      %add3A_444 = arith.constant 4 : i32
      %add3A_445 = arith.addi %mul3A_206, %add3A_444 : i32
      %get3A_446 = arith.index_cast %add3A_445 : i32 to index
      %get3A_447 = arith.constant 32 : index
      %get3A_448 = tpu.vector_load %arg6[%get3A_446, %get3A_447] {strides = array<i32>} : memref<200x128xf32, #tpu.memory_space<vmem>>, vector<1x16xf32>,
      %get3A_449 = vector.shape_cast %get3A_448 : vector<1x16xf32> to vector<16xf32>
      %add3A_450 = arith.addf %add3A_394, %get3A_449 : vector<16xf32>
      %add3A_451 = arith.constant 4 : i32
      %add3A_452 = arith.addi %mul3A_206, %add3A_451 : i32
      %get3A_453 = arith.index_cast %add3A_452 : i32 to index
      %get3A_454 = arith.constant 48 : index
      %get3A_455 = tpu.vector_load %arg6[%get3A_453, %get3A_454] {strides = array<i32>} : memref<200x128xf32, #tpu.memory_space<vmem>>, vector<1x16xf32>,
      %get3A_456 = vector.shape_cast %get3A_455 : vector<1x16xf32> to vector<16xf32>
      %add3A_457 = arith.addf %add3A_401, %get3A_456 : vector<16xf32>
      %add3A_458 = arith.constant 4 : i32
      %add3A_459 = arith.addi %mul3A_206, %add3A_458 : i32
      %get3A_460 = arith.index_cast %add3A_459 : i32 to index
      %get3A_461 = arith.constant 64 : index
      %get3A_462 = tpu.vector_load %arg6[%get3A_460, %get3A_461] {strides = array<i32>} : memref<200x128xf32, #tpu.memory_space<vmem>>, vector<1x16xf32>,
      %get3A_463 = vector.shape_cast %get3A_462 : vector<1x16xf32> to vector<16xf32>
      %add3A_464 = arith.addf %add3A_408, %get3A_463 : vector<16xf32>
      %add3A_465 = arith.constant 4 : i32
      %add3A_466 = arith.addi %mul3A_206, %add3A_465 : i32
      %get3A_467 = arith.index_cast %add3A_466 : i32 to index
      %get3A_468 = arith.constant 80 : index
      %get3A_469 = tpu.vector_load %arg6[%get3A_467, %get3A_468] {strides = array<i32>} : memref<200x128xf32, #tpu.memory_space<vmem>>, vector<1x16xf32>,
      %get3A_470 = vector.shape_cast %get3A_469 : vector<1x16xf32> to vector<16xf32>
      %add3A_471 = arith.addf %add3A_415, %get3A_470 : vector<16xf32>
      %add3A_472 = arith.constant 4 : i32
      %add3A_473 = arith.addi %mul3A_206, %add3A_472 : i32
      %get3A_474 = arith.index_cast %add3A_473 : i32 to index
      %get3A_475 = arith.constant 96 : index
      %get3A_476 = tpu.vector_load %arg6[%get3A_474, %get3A_475] {strides = array<i32>} : memref<200x128xf32, #tpu.memory_space<vmem>>, vector<1x16xf32>,
      %get3A_477 = vector.shape_cast %get3A_476 : vector<1x16xf32> to vector<16xf32>
      %add3A_478 = arith.addf %add3A_422, %get3A_477 : vector<16xf32>
      %add3A_479 = arith.constant 4 : i32
      %add3A_480 = arith.addi %mul3A_206, %add3A_479 : i32
      %get3A_481 = arith.index_cast %add3A_480 : i32 to index
      %get3A_482 = arith.constant 112 : index
      %get3A_483 = tpu.vector_load %arg6[%get3A_481, %get3A_482] {strides = array<i32>} : memref<200x128xf32, #tpu.memory_space<vmem>>, vector<1x16xf32>,
      %get3A_484 = vector.shape_cast %get3A_483 : vector<1x16xf32> to vector<16xf32>
      %add3A_485 = arith.addf %add3A_429, %get3A_484 : vector<16xf32>
      %add3A_486 = arith.constant 5 : i32
      %add3A_487 = arith.addi %mul3A_206, %add3A_486 : i32
      %get3A_488 = arith.index_cast %add3A_487 : i32 to index
      %get3A_489 = arith.constant 0 : index
      %get3A_490 = tpu.vector_load %arg6[%get3A_488, %get3A_489] {strides = array<i32>} : memref<200x128xf32, #tpu.memory_space<vmem>>, vector<1x16xf32>,
      %get3A_491 = vector.shape_cast %get3A_490 : vector<1x16xf32> to vector<16xf32>
      %add3A_492 = arith.addf %add3A_436, %get3A_491 : vector<16xf32>
      %add3A_493 = arith.constant 5 : i32
      %add3A_494 = arith.addi %mul3A_206, %add3A_493 : i32
      %get3A_495 = arith.index_cast %add3A_494 : i32 to index
      %get3A_496 = arith.constant 16 : index
      %get3A_497 = tpu.vector_load %arg6[%get3A_495, %get3A_496] {strides = array<i32>} : memref<200x128xf32, #tpu.memory_space<vmem>>, vector<1x16xf32>,
      %get3A_498 = vector.shape_cast %get3A_497 : vector<1x16xf32> to vector<16xf32>
      %add3A_499 = arith.addf %add3A_443, %get3A_498 : vector<16xf32>
      %add3A_500 = arith.constant 5 : i32
      %add3A_501 = arith.addi %mul3A_206, %add3A_500 : i32
      %get3A_502 = arith.index_cast %add3A_501 : i32 to index
      %get3A_503 = arith.constant 32 : index
      %get3A_504 = tpu.vector_load %arg6[%get3A_502, %get3A_503] {strides = array<i32>} : memref<200x128xf32, #tpu.memory_space<vmem>>, vector<1x16xf32>,
      %get3A_505 = vector.shape_cast %get3A_504 : vector<1x16xf32> to vector<16xf32>
      %add3A_506 = arith.addf %add3A_450, %get3A_505 : vector<16xf32>
      %add3A_507 = arith.constant 5 : i32
      %add3A_508 = arith.addi %mul3A_206, %add3A_507 : i32
      %get3A_509 = arith.index_cast %add3A_508 : i32 to index
      %get3A_510 = arith.constant 48 : index
      %get3A_511 = tpu.vector_load %arg6[%get3A_509, %get3A_510] {strides = array<i32>} : memref<200x128xf32, #tpu.memory_space<vmem>>, vector<1x16xf32>,
      %get3A_512 = vector.shape_cast %get3A_511 : vector<1x16xf32> to vector<16xf32>
      %add3A_513 = arith.addf %add3A_457, %get3A_512 : vector<16xf32>
      %add3A_514 = arith.constant 5 : i32
      %add3A_515 = arith.addi %mul3A_206, %add3A_514 : i32
      %get3A_516 = arith.index_cast %add3A_515 : i32 to index
      %get3A_517 = arith.constant 64 : index
      %get3A_518 = tpu.vector_load %arg6[%get3A_516, %get3A_517] {strides = array<i32>} : memref<200x128xf32, #tpu.memory_space<vmem>>, vector<1x16xf32>,
      %get3A_519 = vector.shape_cast %get3A_518 : vector<1x16xf32> to vector<16xf32>
      %add3A_520 = arith.addf %add3A_464, %get3A_519 : vector<16xf32>
      %add3A_521 = arith.constant 5 : i32
      %add3A_522 = arith.addi %mul3A_206, %add3A_521 : i32
      %get3A_523 = arith.index_cast %add3A_522 : i32 to index
      %get3A_524 = arith.constant 80 : index
      %get3A_525 = tpu.vector_load %arg6[%get3A_523, %get3A_524] {strides = array<i32>} : memref<200x128xf32, #tpu.memory_space<vmem>>, vector<1x16xf32>,
      %get3A_526 = vector.shape_cast %get3A_525 : vector<1x16xf32> to vector<16xf32>
      %add3A_527 = arith.addf %add3A_471, %get3A_526 : vector<16xf32>
      %add3A_528 = arith.constant 5 : i32
      %add3A_529 = arith.addi %mul3A_206, %add3A_528 : i32
      %get3A_530 = arith.index_cast %add3A_529 : i32 to index
      %get3A_531 = arith.constant 96 : index
      %get3A_532 = tpu.vector_load %arg6[%get3A_530, %get3A_531] {strides = array<i32>} : memref<200x128xf32, #tpu.memory_space<vmem>>, vector<1x16xf32>,
      %get3A_533 = vector.shape_cast %get3A_532 : vector<1x16xf32> to vector<16xf32>
      %add3A_534 = arith.addf %add3A_478, %get3A_533 : vector<16xf32>
      %add3A_535 = arith.constant 5 : i32
      %add3A_536 = arith.addi %mul3A_206, %add3A_535 : i32
      %get3A_537 = arith.index_cast %add3A_536 : i32 to index
      %get3A_538 = arith.constant 112 : index
      %get3A_539 = tpu.vector_load %arg6[%get3A_537, %get3A_538] {strides = array<i32>} : memref<200x128xf32, #tpu.memory_space<vmem>>, vector<1x16xf32>,
      %get3A_540 = vector.shape_cast %get3A_539 : vector<1x16xf32> to vector<16xf32>
      %add3A_541 = arith.addf %add3A_485, %get3A_540 : vector<16xf32>
      %add3A_542 = arith.constant 6 : i32
      %add3A_543 = arith.addi %mul3A_206, %add3A_542 : i32
      %get3A_544 = arith.index_cast %add3A_543 : i32 to index
      %get3A_545 = arith.constant 0 : index
      %get3A_546 = tpu.vector_load %arg6[%get3A_544, %get3A_545] {strides = array<i32>} : memref<200x128xf32, #tpu.memory_space<vmem>>, vector<1x16xf32>,
      %get3A_547 = vector.shape_cast %get3A_546 : vector<1x16xf32> to vector<16xf32>
      %add3A_548 = arith.addf %add3A_492, %get3A_547 : vector<16xf32>
      %add3A_549 = arith.constant 6 : i32
      %add3A_550 = arith.addi %mul3A_206, %add3A_549 : i32
      %get3A_551 = arith.index_cast %add3A_550 : i32 to index
      %get3A_552 = arith.constant 16 : index
      %get3A_553 = tpu.vector_load %arg6[%get3A_551, %get3A_552] {strides = array<i32>} : memref<200x128xf32, #tpu.memory_space<vmem>>, vector<1x16xf32>,
      %get3A_554 = vector.shape_cast %get3A_553 : vector<1x16xf32> to vector<16xf32>
      %add3A_555 = arith.addf %add3A_499, %get3A_554 : vector<16xf32>
      %add3A_556 = arith.constant 6 : i32
      %add3A_557 = arith.addi %mul3A_206, %add3A_556 : i32
      %get3A_558 = arith.index_cast %add3A_557 : i32 to index
      %get3A_559 = arith.constant 32 : index
      %get3A_560 = tpu.vector_load %arg6[%get3A_558, %get3A_559] {strides = array<i32>} : memref<200x128xf32, #tpu.memory_space<vmem>>, vector<1x16xf32>,
      %get3A_561 = vector.shape_cast %get3A_560 : vector<1x16xf32> to vector<16xf32>
      %add3A_562 = arith.addf %add3A_506, %get3A_561 : vector<16xf32>
      %add3A_563 = arith.constant 6 : i32
      %add3A_564 = arith.addi %mul3A_206, %add3A_563 : i32
      %get3A_565 = arith.index_cast %add3A_564 : i32 to index
      %get3A_566 = arith.constant 48 : index
      %get3A_567 = tpu.vector_load %arg6[%get3A_565, %get3A_566] {strides = array<i32>} : memref<200x128xf32, #tpu.memory_space<vmem>>, vector<1x16xf32>,
      %get3A_568 = vector.shape_cast %get3A_567 : vector<1x16xf32> to vector<16xf32>
      %add3A_569 = arith.addf %add3A_513, %get3A_568 : vector<16xf32>
      %add3A_570 = arith.constant 6 : i32
      %add3A_571 = arith.addi %mul3A_206, %add3A_570 : i32
      %get3A_572 = arith.index_cast %add3A_571 : i32 to index
      %get3A_573 = arith.constant 64 : index
      %get3A_574 = tpu.vector_load %arg6[%get3A_572, %get3A_573] {strides = array<i32>} : memref<200x128xf32, #tpu.memory_space<vmem>>, vector<1x16xf32>,
      %get3A_575 = vector.shape_cast %get3A_574 : vector<1x16xf32> to vector<16xf32>
      %add3A_576 = arith.addf %add3A_520, %get3A_575 : vector<16xf32>
      %add3A_577 = arith.constant 6 : i32
      %add3A_578 = arith.addi %mul3A_206, %add3A_577 : i32
      %get3A_579 = arith.index_cast %add3A_578 : i32 to index
      %get3A_580 = arith.constant 80 : index
      %get3A_581 = tpu.vector_load %arg6[%get3A_579, %get3A_580] {strides = array<i32>} : memref<200x128xf32, #tpu.memory_space<vmem>>, vector<1x16xf32>,
      %get3A_582 = vector.shape_cast %get3A_581 : vector<1x16xf32> to vector<16xf32>
      %add3A_583 = arith.addf %add3A_527, %get3A_582 : vector<16xf32>
      %add3A_584 = arith.constant 6 : i32
      %add3A_585 = arith.addi %mul3A_206, %add3A_584 : i32
      %get3A_586 = arith.index_cast %add3A_585 : i32 to index
      %get3A_587 = arith.constant 96 : index
      %get3A_588 = tpu.vector_load %arg6[%get3A_586, %get3A_587] {strides = array<i32>} : memref<200x128xf32, #tpu.memory_space<vmem>>, vector<1x16xf32>,
      %get3A_589 = vector.shape_cast %get3A_588 : vector<1x16xf32> to vector<16xf32>
      %add3A_590 = arith.addf %add3A_534, %get3A_589 : vector<16xf32>
      %add3A_591 = arith.constant 6 : i32
      %add3A_592 = arith.addi %mul3A_206, %add3A_591 : i32
      %get3A_593 = arith.index_cast %add3A_592 : i32 to index
      %get3A_594 = arith.constant 112 : index
      %get3A_595 = tpu.vector_load %arg6[%get3A_593, %get3A_594] {strides = array<i32>} : memref<200x128xf32, #tpu.memory_space<vmem>>, vector<1x16xf32>,
      %get3A_596 = vector.shape_cast %get3A_595 : vector<1x16xf32> to vector<16xf32>
      %add3A_597 = arith.addf %add3A_541, %get3A_596 : vector<16xf32>
      %add3A_598 = arith.constant 7 : i32
      %add3A_599 = arith.addi %mul3A_206, %add3A_598 : i32
      %get3A_600 = arith.index_cast %add3A_599 : i32 to index
      %get3A_601 = arith.constant 0 : index
      %get3A_602 = tpu.vector_load %arg6[%get3A_600, %get3A_601] {strides = array<i32>} : memref<200x128xf32, #tpu.memory_space<vmem>>, vector<1x16xf32>,
      %get3A_603 = vector.shape_cast %get3A_602 : vector<1x16xf32> to vector<16xf32>
      %add3A_604 = arith.addf %add3A_548, %get3A_603 : vector<16xf32>
      %add3A_605 = arith.constant 7 : i32
      %add3A_606 = arith.addi %mul3A_206, %add3A_605 : i32
      %get3A_607 = arith.index_cast %add3A_606 : i32 to index
      %get3A_608 = arith.constant 16 : index
      %get3A_609 = tpu.vector_load %arg6[%get3A_607, %get3A_608] {strides = array<i32>} : memref<200x128xf32, #tpu.memory_space<vmem>>, vector<1x16xf32>,
      %get3A_610 = vector.shape_cast %get3A_609 : vector<1x16xf32> to vector<16xf32>
      %add3A_611 = arith.addf %add3A_555, %get3A_610 : vector<16xf32>
      %add3A_612 = arith.constant 7 : i32
      %add3A_613 = arith.addi %mul3A_206, %add3A_612 : i32
      %get3A_614 = arith.index_cast %add3A_613 : i32 to index
      %get3A_615 = arith.constant 32 : index
      %get3A_616 = tpu.vector_load %arg6[%get3A_614, %get3A_615] {strides = array<i32>} : memref<200x128xf32, #tpu.memory_space<vmem>>, vector<1x16xf32>,
      %get3A_617 = vector.shape_cast %get3A_616 : vector<1x16xf32> to vector<16xf32>
      %add3A_618 = arith.addf %add3A_562, %get3A_617 : vector<16xf32>
      %add3A_619 = arith.constant 7 : i32
      %add3A_620 = arith.addi %mul3A_206, %add3A_619 : i32
      %get3A_621 = arith.index_cast %add3A_620 : i32 to index
      %get3A_622 = arith.constant 48 : index
      %get3A_623 = tpu.vector_load %arg6[%get3A_621, %get3A_622] {strides = array<i32>} : memref<200x128xf32, #tpu.memory_space<vmem>>, vector<1x16xf32>,
      %get3A_624 = vector.shape_cast %get3A_623 : vector<1x16xf32> to vector<16xf32>
      %add3A_625 = arith.addf %add3A_569, %get3A_624 : vector<16xf32>
      %add3A_626 = arith.constant 7 : i32
      %add3A_627 = arith.addi %mul3A_206, %add3A_626 : i32
      %get3A_628 = arith.index_cast %add3A_627 : i32 to index
      %get3A_629 = arith.constant 64 : index
      %get3A_630 = tpu.vector_load %arg6[%get3A_628, %get3A_629] {strides = array<i32>} : memref<200x128xf32, #tpu.memory_space<vmem>>, vector<1x16xf32>,
      %get3A_631 = vector.shape_cast %get3A_630 : vector<1x16xf32> to vector<16xf32>
      %add3A_632 = arith.addf %add3A_576, %get3A_631 : vector<16xf32>
      %add3A_633 = arith.constant 7 : i32
      %add3A_634 = arith.addi %mul3A_206, %add3A_633 : i32
      %get3A_635 = arith.index_cast %add3A_634 : i32 to index
      %get3A_636 = arith.constant 80 : index
      %get3A_637 = tpu.vector_load %arg6[%get3A_635, %get3A_636] {strides = array<i32>} : memref<200x128xf32, #tpu.memory_space<vmem>>, vector<1x16xf32>,
      %get3A_638 = vector.shape_cast %get3A_637 : vector<1x16xf32> to vector<16xf32>
      %add3A_639 = arith.addf %add3A_583, %get3A_638 : vector<16xf32>
      %add3A_640 = arith.constant 7 : i32
      %add3A_641 = arith.addi %mul3A_206, %add3A_640 : i32
      %get3A_642 = arith.index_cast %add3A_641 : i32 to index
      %get3A_643 = arith.constant 96 : index
      %get3A_644 = tpu.vector_load %arg6[%get3A_642, %get3A_643] {strides = array<i32>} : memref<200x128xf32, #tpu.memory_space<vmem>>, vector<1x16xf32>,
      %get3A_645 = vector.shape_cast %get3A_644 : vector<1x16xf32> to vector<16xf32>
      %add3A_646 = arith.addf %add3A_590, %get3A_645 : vector<16xf32>
      %add3A_647 = arith.constant 7 : i32
      %add3A_648 = arith.addi %mul3A_206, %add3A_647 : i32
      %get3A_649 = arith.index_cast %add3A_648 : i32 to index
      %get3A_650 = arith.constant 112 : index
      %get3A_651 = tpu.vector_load %arg6[%get3A_649, %get3A_650] {strides = array<i32>} : memref<200x128xf32, #tpu.memory_space<vmem>>, vector<1x16xf32>,
      %get3A_652 = vector.shape_cast %get3A_651 : vector<1x16xf32> to vector<16xf32>
      %add3A_653 = arith.addf %add3A_597, %get3A_652 : vector<16xf32>
      scf.yield %add3A_604, %add3A_611, %add3A_618, %add3A_625, %add3A_632, %add3A_639, %add3A_646, %add3A_653 : vector<16xf32>, vector<16xf32>, vector<16xf32>, vector<16xf32>, vector<16xf32>, vector<16xf32>, vector<16xf32>, vector<16xf32>
    }
    %scan3A_72 = arith.constant 25 : i32
    %swap3A = arith.constant 126 : i32
    %swap3A_73 = arith.index_cast %swap3A : i32 to index
    %swap3A_74 = arith.constant 0 : index
    %swap3A_75 = tpu.vector_load %arg9[%swap3A_73, %swap3A_74] {strides = array<i32>} : memref<128x128xf32, #tpu.memory_space<vmem>>, vector<1x16xf32>,
    %swap3A_76 = vector.shape_cast %swap3A_75 : vector<1x16xf32> to vector<16xf32>
    %swap3A_77 = vector.shape_cast %scan3A_71#0 : vector<16xf32> to vector<1x16xf32>
    tpu.vector_store %arg9[%swap3A_73, %swap3A_74], %swap3A_77 {strides = array<i32>} : memref<128x128xf32, #tpu.memory_space<vmem>>, vector<1x16xf32>,
    %swap3A_78 = arith.constant 126 : i32
    %swap3A_79 = arith.index_cast %swap3A_78 : i32 to index
    %swap3A_80 = arith.constant 16 : index
    %swap3A_81 = tpu.vector_load %arg9[%swap3A_79, %swap3A_80] {strides = array<i32>} : memref<128x128xf32, #tpu.memory_space<vmem>>, vector<1x16xf32>,
    %swap3A_82 = vector.shape_cast %swap3A_81 : vector<1x16xf32> to vector<16xf32>
    %swap3A_83 = vector.shape_cast %scan3A_71#1 : vector<16xf32> to vector<1x16xf32>
    tpu.vector_store %arg9[%swap3A_79, %swap3A_80], %swap3A_83 {strides = array<i32>} : memref<128x128xf32, #tpu.memory_space<vmem>>, vector<1x16xf32>,
    %swap3A_84 = arith.constant 126 : i32
    %swap3A_85 = arith.index_cast %swap3A_84 : i32 to index
    %swap3A_86 = arith.constant 32 : index
    %swap3A_87 = tpu.vector_load %arg9[%swap3A_85, %swap3A_86] {strides = array<i32>} : memref<128x128xf32, #tpu.memory_space<vmem>>, vector<1x16xf32>,
    %swap3A_88 = vector.shape_cast %swap3A_87 : vector<1x16xf32> to vector<16xf32>
    %swap3A_89 = vector.shape_cast %scan3A_71#2 : vector<16xf32> to vector<1x16xf32>
    tpu.vector_store %arg9[%swap3A_85, %swap3A_86], %swap3A_89 {strides = array<i32>} : memref<128x128xf32, #tpu.memory_space<vmem>>, vector<1x16xf32>,
    %swap3A_90 = arith.constant 126 : i32
    %swap3A_91 = arith.index_cast %swap3A_90 : i32 to index
    %swap3A_92 = arith.constant 48 : index
    %swap3A_93 = tpu.vector_load %arg9[%swap3A_91, %swap3A_92] {strides = array<i32>} : memref<128x128xf32, #tpu.memory_space<vmem>>, vector<1x16xf32>,
    %swap3A_94 = vector.shape_cast %swap3A_93 : vector<1x16xf32> to vector<16xf32>
    %swap3A_95 = vector.shape_cast %scan3A_71#3 : vector<16xf32> to vector<1x16xf32>
    tpu.vector_store %arg9[%swap3A_91, %swap3A_92], %swap3A_95 {strides = array<i32>} : memref<128x128xf32, #tpu.memory_space<vmem>>, vector<1x16xf32>,
    %swap3A_96 = arith.constant 126 : i32
    %swap3A_97 = arith.index_cast %swap3A_96 : i32 to index
    %swap3A_98 = arith.constant 64 : index
    %swap3A_99 = tpu.vector_load %arg9[%swap3A_97, %swap3A_98] {strides = array<i32>} : memref<128x128xf32, #tpu.memory_space<vmem>>, vector<1x16xf32>,
    %swap3A_100 = vector.shape_cast %swap3A_99 : vector<1x16xf32> to vector<16xf32>
    %swap3A_101 = vector.shape_cast %scan3A_71#4 : vector<16xf32> to vector<1x16xf32>
    tpu.vector_store %arg9[%swap3A_97, %swap3A_98], %swap3A_101 {strides = array<i32>} : memref<128x128xf32, #tpu.memory_space<vmem>>, vector<1x16xf32>,
    %swap3A_102 = arith.constant 126 : i32
    %swap3A_103 = arith.index_cast %swap3A_102 : i32 to index
    %swap3A_104 = arith.constant 80 : index
    %swap3A_105 = tpu.vector_load %arg9[%swap3A_103, %swap3A_104] {strides = array<i32>} : memref<128x128xf32, #tpu.memory_space<vmem>>, vector<1x16xf32>,
    %swap3A_106 = vector.shape_cast %swap3A_105 : vector<1x16xf32> to vector<16xf32>
    %swap3A_107 = vector.shape_cast %scan3A_71#5 : vector<16xf32> to vector<1x16xf32>
    tpu.vector_store %arg9[%swap3A_103, %swap3A_104], %swap3A_107 {strides = array<i32>} : memref<128x128xf32, #tpu.memory_space<vmem>>, vector<1x16xf32>,
    %swap3A_108 = arith.constant 126 : i32
    %swap3A_109 = arith.index_cast %swap3A_108 : i32 to index
    %swap3A_110 = arith.constant 96 : index
    %swap3A_111 = tpu.vector_load %arg9[%swap3A_109, %swap3A_110] {strides = array<i32>} : memref<128x128xf32, #tpu.memory_space<vmem>>, vector<1x16xf32>,
    %swap3A_112 = vector.shape_cast %swap3A_111 : vector<1x16xf32> to vector<16xf32>
    %swap3A_113 = vector.shape_cast %scan3A_71#6 : vector<16xf32> to vector<1x16xf32>
    tpu.vector_store %arg9[%swap3A_109, %swap3A_110], %swap3A_113 {strides = array<i32>} : memref<128x128xf32, #tpu.memory_space<vmem>>, vector<1x16xf32>,
    %swap3A_114 = arith.constant 126 : i32
    %swap3A_115 = arith.index_cast %swap3A_114 : i32 to index
    %swap3A_116 = arith.constant 112 : index
    %swap3A_117 = tpu.vector_load %arg9[%swap3A_115, %swap3A_116] {strides = array<i32>} : memref<128x128xf32, #tpu.memory_space<vmem>>, vector<1x16xf32>,
    %swap3A_118 = vector.shape_cast %swap3A_117 : vector<1x16xf32> to vector<16xf32>
    %swap3A_119 = vector.shape_cast %scan3A_71#7 : vector<16xf32> to vector<1x16xf32>
    tpu.vector_store %arg9[%swap3A_115, %swap3A_116], %swap3A_119 {strides = array<i32>} : memref<128x128xf32, #tpu.memory_space<vmem>>, vector<1x16xf32>,
    %dma_wait3A_120 = arith.constant 0 : i32
    %dma_wait3A_121 = arith.constant 0 : i32
    %dma_wait3A_122 = tpu.memref_slice %arg2[%dma_wait3A_120, %dma_wait3A_121] : memref<1000000x128xf32, #tpu.memory_space<hbm>> -> memref<200x128xf32, #tpu.memory_space<hbm>>
    %dma_wait3A_123 = arith.constant 0 : i32
    %dma_wait3A_124 = arith.constant 0 : i32
    %dma_wait3A_125 = tpu.memref_slice %arg2[%dma_wait3A_123, %dma_wait3A_124] : memref<1000000x128xf32, #tpu.memory_space<hbm>> -> memref<200x128xf32, #tpu.memory_space<hbm>>
    tpu.wait_dma2 semaphore(%arg11 : memref<!tpu.dma_semaphore, #tpu.memory_space<semaphore_mem>>) src(%dma_wait3A_125 : memref<200x128xf32, #tpu.memory_space<hbm>>) dst(%arg7 : memref<200x128xf32, #tpu.memory_space<vmem>>)
    %broadcast_in_dim3A_126 = arith.constant 0.000000e+00 : f32
    %broadcast_in_dim3A_127 = vector.broadcast %broadcast_in_dim3A_126 : f32 to vector<16xf32>
    %broadcast_in_dim3A_128 = arith.constant 0.000000e+00 : f32
    %broadcast_in_dim3A_129 = vector.broadcast %broadcast_in_dim3A_128 : f32 to vector<16xf32>
    %broadcast_in_dim3A_130 = arith.constant 0.000000e+00 : f32
    %broadcast_in_dim3A_131 = vector.broadcast %broadcast_in_dim3A_130 : f32 to vector<16xf32>
    %broadcast_in_dim3A_132 = arith.constant 0.000000e+00 : f32
    %broadcast_in_dim3A_133 = vector.broadcast %broadcast_in_dim3A_132 : f32 to vector<16xf32>
    %broadcast_in_dim3A_134 = arith.constant 0.000000e+00 : f32
    %broadcast_in_dim3A_135 = vector.broadcast %broadcast_in_dim3A_134 : f32 to vector<16xf32>
    %broadcast_in_dim3A_136 = arith.constant 0.000000e+00 : f32
    %broadcast_in_dim3A_137 = vector.broadcast %broadcast_in_dim3A_136 : f32 to vector<16xf32>
    %broadcast_in_dim3A_138 = arith.constant 0.000000e+00 : f32
    %broadcast_in_dim3A_139 = vector.broadcast %broadcast_in_dim3A_138 : f32 to vector<16xf32>
    %broadcast_in_dim3A_140 = arith.constant 0.000000e+00 : f32
    %broadcast_in_dim3A_141 = vector.broadcast %broadcast_in_dim3A_140 : f32 to vector<16xf32>
    %scan3A_142 = arith.constant 0 : i32
    %scan3A_143 = arith.constant 25 : i32
    %scan3A_144 = arith.addi %scan3A_142, %scan3A_143 : i32
    %scan3A_145 = arith.constant 1 : i32
    %scan3A_146:8 = scf.for %scan3A_196 = %scan3A_142 to %scan3A_144 step %scan3A_145 iter_args(%scan3A_197 = %broadcast_in_dim3A_127, %scan3A_198 = %broadcast_in_dim3A_129, %scan3A_199 = %broadcast_in_dim3A_131, %scan3A_200 = %broadcast_in_dim3A_133, %scan3A_201 = %broadcast_in_dim3A_135, %scan3A_202 = %broadcast_in_dim3A_137, %scan3A_203 = %broadcast_in_dim3A_139, %scan3A_204 = %broadcast_in_dim3A_141) -> (vector<16xf32>, vector<16xf32>, vector<16xf32>, vector<16xf32>, vector<16xf32>, vector<16xf32>, vector<16xf32>, vector<16xf32>)  : i32 {
      %mul3A_205 = arith.constant 8 : i32
      %mul3A_206 = arith.muli %mul3A_205, %scan3A_196 : i32
      %add3A_207 = arith.constant 0 : i32
      %add3A_208 = arith.addi %mul3A_206, %add3A_207 : i32
      %get3A = arith.index_cast %add3A_208 : i32 to index
      %get3A_209 = arith.constant 0 : index
      %get3A_210 = tpu.vector_load %arg7[%get3A, %get3A_209] {strides = array<i32>} : memref<200x128xf32, #tpu.memory_space<vmem>>, vector<1x16xf32>,
      %get3A_211 = vector.shape_cast %get3A_210 : vector<1x16xf32> to vector<16xf32>
      %add3A_212 = arith.addf %scan3A_197, %get3A_211 : vector<16xf32>
      %add3A_213 = arith.constant 0 : i32
      %add3A_214 = arith.addi %mul3A_206, %add3A_213 : i32
      %get3A_215 = arith.index_cast %add3A_214 : i32 to index
      %get3A_216 = arith.constant 16 : index
      %get3A_217 = tpu.vector_load %arg7[%get3A_215, %get3A_216] {strides = array<i32>} : memref<200x128xf32, #tpu.memory_space<vmem>>, vector<1x16xf32>,
      %get3A_218 = vector.shape_cast %get3A_217 : vector<1x16xf32> to vector<16xf32>
      %add3A_219 = arith.addf %scan3A_198, %get3A_218 : vector<16xf32>
      %add3A_220 = arith.constant 0 : i32
      %add3A_221 = arith.addi %mul3A_206, %add3A_220 : i32
      %get3A_222 = arith.index_cast %add3A_221 : i32 to index
      %get3A_223 = arith.constant 32 : index
      %get3A_224 = tpu.vector_load %arg7[%get3A_222, %get3A_223] {strides = array<i32>} : memref<200x128xf32, #tpu.memory_space<vmem>>, vector<1x16xf32>,
      %get3A_225 = vector.shape_cast %get3A_224 : vector<1x16xf32> to vector<16xf32>
      %add3A_226 = arith.addf %scan3A_199, %get3A_225 : vector<16xf32>
      %add3A_227 = arith.constant 0 : i32
      %add3A_228 = arith.addi %mul3A_206, %add3A_227 : i32
      %get3A_229 = arith.index_cast %add3A_228 : i32 to index
      %get3A_230 = arith.constant 48 : index
      %get3A_231 = tpu.vector_load %arg7[%get3A_229, %get3A_230] {strides = array<i32>} : memref<200x128xf32, #tpu.memory_space<vmem>>, vector<1x16xf32>,
      %get3A_232 = vector.shape_cast %get3A_231 : vector<1x16xf32> to vector<16xf32>
      %add3A_233 = arith.addf %scan3A_200, %get3A_232 : vector<16xf32>
      %add3A_234 = arith.constant 0 : i32
      %add3A_235 = arith.addi %mul3A_206, %add3A_234 : i32
      %get3A_236 = arith.index_cast %add3A_235 : i32 to index
      %get3A_237 = arith.constant 64 : index
      %get3A_238 = tpu.vector_load %arg7[%get3A_236, %get3A_237] {strides = array<i32>} : memref<200x128xf32, #tpu.memory_space<vmem>>, vector<1x16xf32>,
      %get3A_239 = vector.shape_cast %get3A_238 : vector<1x16xf32> to vector<16xf32>
      %add3A_240 = arith.addf %scan3A_201, %get3A_239 : vector<16xf32>
      %add3A_241 = arith.constant 0 : i32
      %add3A_242 = arith.addi %mul3A_206, %add3A_241 : i32
      %get3A_243 = arith.index_cast %add3A_242 : i32 to index
      %get3A_244 = arith.constant 80 : index
      %get3A_245 = tpu.vector_load %arg7[%get3A_243, %get3A_244] {strides = array<i32>} : memref<200x128xf32, #tpu.memory_space<vmem>>, vector<1x16xf32>,
      %get3A_246 = vector.shape_cast %get3A_245 : vector<1x16xf32> to vector<16xf32>
      %add3A_247 = arith.addf %scan3A_202, %get3A_246 : vector<16xf32>
      %add3A_248 = arith.constant 0 : i32
      %add3A_249 = arith.addi %mul3A_206, %add3A_248 : i32
      %get3A_250 = arith.index_cast %add3A_249 : i32 to index
      %get3A_251 = arith.constant 96 : index
      %get3A_252 = tpu.vector_load %arg7[%get3A_250, %get3A_251] {strides = array<i32>} : memref<200x128xf32, #tpu.memory_space<vmem>>, vector<1x16xf32>,
      %get3A_253 = vector.shape_cast %get3A_252 : vector<1x16xf32> to vector<16xf32>
      %add3A_254 = arith.addf %scan3A_203, %get3A_253 : vector<16xf32>
      %add3A_255 = arith.constant 0 : i32
      %add3A_256 = arith.addi %mul3A_206, %add3A_255 : i32
      %get3A_257 = arith.index_cast %add3A_256 : i32 to index
      %get3A_258 = arith.constant 112 : index
      %get3A_259 = tpu.vector_load %arg7[%get3A_257, %get3A_258] {strides = array<i32>} : memref<200x128xf32, #tpu.memory_space<vmem>>, vector<1x16xf32>,
      %get3A_260 = vector.shape_cast %get3A_259 : vector<1x16xf32> to vector<16xf32>
      %add3A_261 = arith.addf %scan3A_204, %get3A_260 : vector<16xf32>
      %add3A_262 = arith.constant 1 : i32
      %add3A_263 = arith.addi %mul3A_206, %add3A_262 : i32
      %get3A_264 = arith.index_cast %add3A_263 : i32 to index
      %get3A_265 = arith.constant 0 : index
      %get3A_266 = tpu.vector_load %arg7[%get3A_264, %get3A_265] {strides = array<i32>} : memref<200x128xf32, #tpu.memory_space<vmem>>, vector<1x16xf32>,
      %get3A_267 = vector.shape_cast %get3A_266 : vector<1x16xf32> to vector<16xf32>
      %add3A_268 = arith.addf %add3A_212, %get3A_267 : vector<16xf32>
      %add3A_269 = arith.constant 1 : i32
      %add3A_270 = arith.addi %mul3A_206, %add3A_269 : i32
      %get3A_271 = arith.index_cast %add3A_270 : i32 to index
      %get3A_272 = arith.constant 16 : index
      %get3A_273 = tpu.vector_load %arg7[%get3A_271, %get3A_272] {strides = array<i32>} : memref<200x128xf32, #tpu.memory_space<vmem>>, vector<1x16xf32>,
      %get3A_274 = vector.shape_cast %get3A_273 : vector<1x16xf32> to vector<16xf32>
      %add3A_275 = arith.addf %add3A_219, %get3A_274 : vector<16xf32>
      %add3A_276 = arith.constant 1 : i32
      %add3A_277 = arith.addi %mul3A_206, %add3A_276 : i32
      %get3A_278 = arith.index_cast %add3A_277 : i32 to index
      %get3A_279 = arith.constant 32 : index
      %get3A_280 = tpu.vector_load %arg7[%get3A_278, %get3A_279] {strides = array<i32>} : memref<200x128xf32, #tpu.memory_space<vmem>>, vector<1x16xf32>,
      %get3A_281 = vector.shape_cast %get3A_280 : vector<1x16xf32> to vector<16xf32>
      %add3A_282 = arith.addf %add3A_226, %get3A_281 : vector<16xf32>
      %add3A_283 = arith.constant 1 : i32
      %add3A_284 = arith.addi %mul3A_206, %add3A_283 : i32
      %get3A_285 = arith.index_cast %add3A_284 : i32 to index
      %get3A_286 = arith.constant 48 : index
      %get3A_287 = tpu.vector_load %arg7[%get3A_285, %get3A_286] {strides = array<i32>} : memref<200x128xf32, #tpu.memory_space<vmem>>, vector<1x16xf32>,
      %get3A_288 = vector.shape_cast %get3A_287 : vector<1x16xf32> to vector<16xf32>
      %add3A_289 = arith.addf %add3A_233, %get3A_288 : vector<16xf32>
      %add3A_290 = arith.constant 1 : i32
      %add3A_291 = arith.addi %mul3A_206, %add3A_290 : i32
      %get3A_292 = arith.index_cast %add3A_291 : i32 to index
      %get3A_293 = arith.constant 64 : index
      %get3A_294 = tpu.vector_load %arg7[%get3A_292, %get3A_293] {strides = array<i32>} : memref<200x128xf32, #tpu.memory_space<vmem>>, vector<1x16xf32>,
      %get3A_295 = vector.shape_cast %get3A_294 : vector<1x16xf32> to vector<16xf32>
      %add3A_296 = arith.addf %add3A_240, %get3A_295 : vector<16xf32>
      %add3A_297 = arith.constant 1 : i32
      %add3A_298 = arith.addi %mul3A_206, %add3A_297 : i32
      %get3A_299 = arith.index_cast %add3A_298 : i32 to index
      %get3A_300 = arith.constant 80 : index
      %get3A_301 = tpu.vector_load %arg7[%get3A_299, %get3A_300] {strides = array<i32>} : memref<200x128xf32, #tpu.memory_space<vmem>>, vector<1x16xf32>,
      %get3A_302 = vector.shape_cast %get3A_301 : vector<1x16xf32> to vector<16xf32>
      %add3A_303 = arith.addf %add3A_247, %get3A_302 : vector<16xf32>
      %add3A_304 = arith.constant 1 : i32
      %add3A_305 = arith.addi %mul3A_206, %add3A_304 : i32
      %get3A_306 = arith.index_cast %add3A_305 : i32 to index
      %get3A_307 = arith.constant 96 : index
      %get3A_308 = tpu.vector_load %arg7[%get3A_306, %get3A_307] {strides = array<i32>} : memref<200x128xf32, #tpu.memory_space<vmem>>, vector<1x16xf32>,
      %get3A_309 = vector.shape_cast %get3A_308 : vector<1x16xf32> to vector<16xf32>
      %add3A_310 = arith.addf %add3A_254, %get3A_309 : vector<16xf32>
      %add3A_311 = arith.constant 1 : i32
      %add3A_312 = arith.addi %mul3A_206, %add3A_311 : i32
      %get3A_313 = arith.index_cast %add3A_312 : i32 to index
      %get3A_314 = arith.constant 112 : index
      %get3A_315 = tpu.vector_load %arg7[%get3A_313, %get3A_314] {strides = array<i32>} : memref<200x128xf32, #tpu.memory_space<vmem>>, vector<1x16xf32>,
      %get3A_316 = vector.shape_cast %get3A_315 : vector<1x16xf32> to vector<16xf32>
      %add3A_317 = arith.addf %add3A_261, %get3A_316 : vector<16xf32>
      %add3A_318 = arith.constant 2 : i32
      %add3A_319 = arith.addi %mul3A_206, %add3A_318 : i32
      %get3A_320 = arith.index_cast %add3A_319 : i32 to index
      %get3A_321 = arith.constant 0 : index
      %get3A_322 = tpu.vector_load %arg7[%get3A_320, %get3A_321] {strides = array<i32>} : memref<200x128xf32, #tpu.memory_space<vmem>>, vector<1x16xf32>,
      %get3A_323 = vector.shape_cast %get3A_322 : vector<1x16xf32> to vector<16xf32>
      %add3A_324 = arith.addf %add3A_268, %get3A_323 : vector<16xf32>
      %add3A_325 = arith.constant 2 : i32
      %add3A_326 = arith.addi %mul3A_206, %add3A_325 : i32
      %get3A_327 = arith.index_cast %add3A_326 : i32 to index
      %get3A_328 = arith.constant 16 : index
      %get3A_329 = tpu.vector_load %arg7[%get3A_327, %get3A_328] {strides = array<i32>} : memref<200x128xf32, #tpu.memory_space<vmem>>, vector<1x16xf32>,
      %get3A_330 = vector.shape_cast %get3A_329 : vector<1x16xf32> to vector<16xf32>
      %add3A_331 = arith.addf %add3A_275, %get3A_330 : vector<16xf32>
      %add3A_332 = arith.constant 2 : i32
      %add3A_333 = arith.addi %mul3A_206, %add3A_332 : i32
      %get3A_334 = arith.index_cast %add3A_333 : i32 to index
      %get3A_335 = arith.constant 32 : index
      %get3A_336 = tpu.vector_load %arg7[%get3A_334, %get3A_335] {strides = array<i32>} : memref<200x128xf32, #tpu.memory_space<vmem>>, vector<1x16xf32>,
      %get3A_337 = vector.shape_cast %get3A_336 : vector<1x16xf32> to vector<16xf32>
      %add3A_338 = arith.addf %add3A_282, %get3A_337 : vector<16xf32>
      %add3A_339 = arith.constant 2 : i32
      %add3A_340 = arith.addi %mul3A_206, %add3A_339 : i32
      %get3A_341 = arith.index_cast %add3A_340 : i32 to index
      %get3A_342 = arith.constant 48 : index
      %get3A_343 = tpu.vector_load %arg7[%get3A_341, %get3A_342] {strides = array<i32>} : memref<200x128xf32, #tpu.memory_space<vmem>>, vector<1x16xf32>,
      %get3A_344 = vector.shape_cast %get3A_343 : vector<1x16xf32> to vector<16xf32>
      %add3A_345 = arith.addf %add3A_289, %get3A_344 : vector<16xf32>
      %add3A_346 = arith.constant 2 : i32
      %add3A_347 = arith.addi %mul3A_206, %add3A_346 : i32
      %get3A_348 = arith.index_cast %add3A_347 : i32 to index
      %get3A_349 = arith.constant 64 : index
      %get3A_350 = tpu.vector_load %arg7[%get3A_348, %get3A_349] {strides = array<i32>} : memref<200x128xf32, #tpu.memory_space<vmem>>, vector<1x16xf32>,
      %get3A_351 = vector.shape_cast %get3A_350 : vector<1x16xf32> to vector<16xf32>
      %add3A_352 = arith.addf %add3A_296, %get3A_351 : vector<16xf32>
      %add3A_353 = arith.constant 2 : i32
      %add3A_354 = arith.addi %mul3A_206, %add3A_353 : i32
      %get3A_355 = arith.index_cast %add3A_354 : i32 to index
      %get3A_356 = arith.constant 80 : index
      %get3A_357 = tpu.vector_load %arg7[%get3A_355, %get3A_356] {strides = array<i32>} : memref<200x128xf32, #tpu.memory_space<vmem>>, vector<1x16xf32>,
      %get3A_358 = vector.shape_cast %get3A_357 : vector<1x16xf32> to vector<16xf32>
      %add3A_359 = arith.addf %add3A_303, %get3A_358 : vector<16xf32>
      %add3A_360 = arith.constant 2 : i32
      %add3A_361 = arith.addi %mul3A_206, %add3A_360 : i32
      %get3A_362 = arith.index_cast %add3A_361 : i32 to index
      %get3A_363 = arith.constant 96 : index
      %get3A_364 = tpu.vector_load %arg7[%get3A_362, %get3A_363] {strides = array<i32>} : memref<200x128xf32, #tpu.memory_space<vmem>>, vector<1x16xf32>,
      %get3A_365 = vector.shape_cast %get3A_364 : vector<1x16xf32> to vector<16xf32>
      %add3A_366 = arith.addf %add3A_310, %get3A_365 : vector<16xf32>
      %add3A_367 = arith.constant 2 : i32
      %add3A_368 = arith.addi %mul3A_206, %add3A_367 : i32
      %get3A_369 = arith.index_cast %add3A_368 : i32 to index
      %get3A_370 = arith.constant 112 : index
      %get3A_371 = tpu.vector_load %arg7[%get3A_369, %get3A_370] {strides = array<i32>} : memref<200x128xf32, #tpu.memory_space<vmem>>, vector<1x16xf32>,
      %get3A_372 = vector.shape_cast %get3A_371 : vector<1x16xf32> to vector<16xf32>
      %add3A_373 = arith.addf %add3A_317, %get3A_372 : vector<16xf32>
      %add3A_374 = arith.constant 3 : i32
      %add3A_375 = arith.addi %mul3A_206, %add3A_374 : i32
      %get3A_376 = arith.index_cast %add3A_375 : i32 to index
      %get3A_377 = arith.constant 0 : index
      %get3A_378 = tpu.vector_load %arg7[%get3A_376, %get3A_377] {strides = array<i32>} : memref<200x128xf32, #tpu.memory_space<vmem>>, vector<1x16xf32>,
      %get3A_379 = vector.shape_cast %get3A_378 : vector<1x16xf32> to vector<16xf32>
      %add3A_380 = arith.addf %add3A_324, %get3A_379 : vector<16xf32>
      %add3A_381 = arith.constant 3 : i32
      %add3A_382 = arith.addi %mul3A_206, %add3A_381 : i32
      %get3A_383 = arith.index_cast %add3A_382 : i32 to index
      %get3A_384 = arith.constant 16 : index
      %get3A_385 = tpu.vector_load %arg7[%get3A_383, %get3A_384] {strides = array<i32>} : memref<200x128xf32, #tpu.memory_space<vmem>>, vector<1x16xf32>,
      %get3A_386 = vector.shape_cast %get3A_385 : vector<1x16xf32> to vector<16xf32>
      %add3A_387 = arith.addf %add3A_331, %get3A_386 : vector<16xf32>
      %add3A_388 = arith.constant 3 : i32
      %add3A_389 = arith.addi %mul3A_206, %add3A_388 : i32
      %get3A_390 = arith.index_cast %add3A_389 : i32 to index
      %get3A_391 = arith.constant 32 : index
      %get3A_392 = tpu.vector_load %arg7[%get3A_390, %get3A_391] {strides = array<i32>} : memref<200x128xf32, #tpu.memory_space<vmem>>, vector<1x16xf32>,
      %get3A_393 = vector.shape_cast %get3A_392 : vector<1x16xf32> to vector<16xf32>
      %add3A_394 = arith.addf %add3A_338, %get3A_393 : vector<16xf32>
      %add3A_395 = arith.constant 3 : i32
      %add3A_396 = arith.addi %mul3A_206, %add3A_395 : i32
      %get3A_397 = arith.index_cast %add3A_396 : i32 to index
      %get3A_398 = arith.constant 48 : index
      %get3A_399 = tpu.vector_load %arg7[%get3A_397, %get3A_398] {strides = array<i32>} : memref<200x128xf32, #tpu.memory_space<vmem>>, vector<1x16xf32>,
      %get3A_400 = vector.shape_cast %get3A_399 : vector<1x16xf32> to vector<16xf32>
      %add3A_401 = arith.addf %add3A_345, %get3A_400 : vector<16xf32>
      %add3A_402 = arith.constant 3 : i32
      %add3A_403 = arith.addi %mul3A_206, %add3A_402 : i32
      %get3A_404 = arith.index_cast %add3A_403 : i32 to index
      %get3A_405 = arith.constant 64 : index
      %get3A_406 = tpu.vector_load %arg7[%get3A_404, %get3A_405] {strides = array<i32>} : memref<200x128xf32, #tpu.memory_space<vmem>>, vector<1x16xf32>,
      %get3A_407 = vector.shape_cast %get3A_406 : vector<1x16xf32> to vector<16xf32>
      %add3A_408 = arith.addf %add3A_352, %get3A_407 : vector<16xf32>
      %add3A_409 = arith.constant 3 : i32
      %add3A_410 = arith.addi %mul3A_206, %add3A_409 : i32
      %get3A_411 = arith.index_cast %add3A_410 : i32 to index
      %get3A_412 = arith.constant 80 : index
      %get3A_413 = tpu.vector_load %arg7[%get3A_411, %get3A_412] {strides = array<i32>} : memref<200x128xf32, #tpu.memory_space<vmem>>, vector<1x16xf32>,
      %get3A_414 = vector.shape_cast %get3A_413 : vector<1x16xf32> to vector<16xf32>
      %add3A_415 = arith.addf %add3A_359, %get3A_414 : vector<16xf32>
      %add3A_416 = arith.constant 3 : i32
      %add3A_417 = arith.addi %mul3A_206, %add3A_416 : i32
      %get3A_418 = arith.index_cast %add3A_417 : i32 to index
      %get3A_419 = arith.constant 96 : index
      %get3A_420 = tpu.vector_load %arg7[%get3A_418, %get3A_419] {strides = array<i32>} : memref<200x128xf32, #tpu.memory_space<vmem>>, vector<1x16xf32>,
      %get3A_421 = vector.shape_cast %get3A_420 : vector<1x16xf32> to vector<16xf32>
      %add3A_422 = arith.addf %add3A_366, %get3A_421 : vector<16xf32>
      %add3A_423 = arith.constant 3 : i32
      %add3A_424 = arith.addi %mul3A_206, %add3A_423 : i32
      %get3A_425 = arith.index_cast %add3A_424 : i32 to index
      %get3A_426 = arith.constant 112 : index
      %get3A_427 = tpu.vector_load %arg7[%get3A_425, %get3A_426] {strides = array<i32>} : memref<200x128xf32, #tpu.memory_space<vmem>>, vector<1x16xf32>,
      %get3A_428 = vector.shape_cast %get3A_427 : vector<1x16xf32> to vector<16xf32>
      %add3A_429 = arith.addf %add3A_373, %get3A_428 : vector<16xf32>
      %add3A_430 = arith.constant 4 : i32
      %add3A_431 = arith.addi %mul3A_206, %add3A_430 : i32
      %get3A_432 = arith.index_cast %add3A_431 : i32 to index
      %get3A_433 = arith.constant 0 : index
      %get3A_434 = tpu.vector_load %arg7[%get3A_432, %get3A_433] {strides = array<i32>} : memref<200x128xf32, #tpu.memory_space<vmem>>, vector<1x16xf32>,
      %get3A_435 = vector.shape_cast %get3A_434 : vector<1x16xf32> to vector<16xf32>
      %add3A_436 = arith.addf %add3A_380, %get3A_435 : vector<16xf32>
      %add3A_437 = arith.constant 4 : i32
      %add3A_438 = arith.addi %mul3A_206, %add3A_437 : i32
      %get3A_439 = arith.index_cast %add3A_438 : i32 to index
      %get3A_440 = arith.constant 16 : index
      %get3A_441 = tpu.vector_load %arg7[%get3A_439, %get3A_440] {strides = array<i32>} : memref<200x128xf32, #tpu.memory_space<vmem>>, vector<1x16xf32>,
      %get3A_442 = vector.shape_cast %get3A_441 : vector<1x16xf32> to vector<16xf32>
      %add3A_443 = arith.addf %add3A_387, %get3A_442 : vector<16xf32>
      %add3A_444 = arith.constant 4 : i32
      %add3A_445 = arith.addi %mul3A_206, %add3A_444 : i32
      %get3A_446 = arith.index_cast %add3A_445 : i32 to index
      %get3A_447 = arith.constant 32 : index
      %get3A_448 = tpu.vector_load %arg7[%get3A_446, %get3A_447] {strides = array<i32>} : memref<200x128xf32, #tpu.memory_space<vmem>>, vector<1x16xf32>,
      %get3A_449 = vector.shape_cast %get3A_448 : vector<1x16xf32> to vector<16xf32>
      %add3A_450 = arith.addf %add3A_394, %get3A_449 : vector<16xf32>
      %add3A_451 = arith.constant 4 : i32
      %add3A_452 = arith.addi %mul3A_206, %add3A_451 : i32
      %get3A_453 = arith.index_cast %add3A_452 : i32 to index
      %get3A_454 = arith.constant 48 : index
      %get3A_455 = tpu.vector_load %arg7[%get3A_453, %get3A_454] {strides = array<i32>} : memref<200x128xf32, #tpu.memory_space<vmem>>, vector<1x16xf32>,
      %get3A_456 = vector.shape_cast %get3A_455 : vector<1x16xf32> to vector<16xf32>
      %add3A_457 = arith.addf %add3A_401, %get3A_456 : vector<16xf32>
      %add3A_458 = arith.constant 4 : i32
      %add3A_459 = arith.addi %mul3A_206, %add3A_458 : i32
      %get3A_460 = arith.index_cast %add3A_459 : i32 to index
      %get3A_461 = arith.constant 64 : index
      %get3A_462 = tpu.vector_load %arg7[%get3A_460, %get3A_461] {strides = array<i32>} : memref<200x128xf32, #tpu.memory_space<vmem>>, vector<1x16xf32>,
      %get3A_463 = vector.shape_cast %get3A_462 : vector<1x16xf32> to vector<16xf32>
      %add3A_464 = arith.addf %add3A_408, %get3A_463 : vector<16xf32>
      %add3A_465 = arith.constant 4 : i32
      %add3A_466 = arith.addi %mul3A_206, %add3A_465 : i32
      %get3A_467 = arith.index_cast %add3A_466 : i32 to index
      %get3A_468 = arith.constant 80 : index
      %get3A_469 = tpu.vector_load %arg7[%get3A_467, %get3A_468] {strides = array<i32>} : memref<200x128xf32, #tpu.memory_space<vmem>>, vector<1x16xf32>,
      %get3A_470 = vector.shape_cast %get3A_469 : vector<1x16xf32> to vector<16xf32>
      %add3A_471 = arith.addf %add3A_415, %get3A_470 : vector<16xf32>
      %add3A_472 = arith.constant 4 : i32
      %add3A_473 = arith.addi %mul3A_206, %add3A_472 : i32
      %get3A_474 = arith.index_cast %add3A_473 : i32 to index
      %get3A_475 = arith.constant 96 : index
      %get3A_476 = tpu.vector_load %arg7[%get3A_474, %get3A_475] {strides = array<i32>} : memref<200x128xf32, #tpu.memory_space<vmem>>, vector<1x16xf32>,
      %get3A_477 = vector.shape_cast %get3A_476 : vector<1x16xf32> to vector<16xf32>
      %add3A_478 = arith.addf %add3A_422, %get3A_477 : vector<16xf32>
      %add3A_479 = arith.constant 4 : i32
      %add3A_480 = arith.addi %mul3A_206, %add3A_479 : i32
      %get3A_481 = arith.index_cast %add3A_480 : i32 to index
      %get3A_482 = arith.constant 112 : index
      %get3A_483 = tpu.vector_load %arg7[%get3A_481, %get3A_482] {strides = array<i32>} : memref<200x128xf32, #tpu.memory_space<vmem>>, vector<1x16xf32>,
      %get3A_484 = vector.shape_cast %get3A_483 : vector<1x16xf32> to vector<16xf32>
      %add3A_485 = arith.addf %add3A_429, %get3A_484 : vector<16xf32>
      %add3A_486 = arith.constant 5 : i32
      %add3A_487 = arith.addi %mul3A_206, %add3A_486 : i32
      %get3A_488 = arith.index_cast %add3A_487 : i32 to index
      %get3A_489 = arith.constant 0 : index
      %get3A_490 = tpu.vector_load %arg7[%get3A_488, %get3A_489] {strides = array<i32>} : memref<200x128xf32, #tpu.memory_space<vmem>>, vector<1x16xf32>,
      %get3A_491 = vector.shape_cast %get3A_490 : vector<1x16xf32> to vector<16xf32>
      %add3A_492 = arith.addf %add3A_436, %get3A_491 : vector<16xf32>
      %add3A_493 = arith.constant 5 : i32
      %add3A_494 = arith.addi %mul3A_206, %add3A_493 : i32
      %get3A_495 = arith.index_cast %add3A_494 : i32 to index
      %get3A_496 = arith.constant 16 : index
      %get3A_497 = tpu.vector_load %arg7[%get3A_495, %get3A_496] {strides = array<i32>} : memref<200x128xf32, #tpu.memory_space<vmem>>, vector<1x16xf32>,
      %get3A_498 = vector.shape_cast %get3A_497 : vector<1x16xf32> to vector<16xf32>
      %add3A_499 = arith.addf %add3A_443, %get3A_498 : vector<16xf32>
      %add3A_500 = arith.constant 5 : i32
      %add3A_501 = arith.addi %mul3A_206, %add3A_500 : i32
      %get3A_502 = arith.index_cast %add3A_501 : i32 to index
      %get3A_503 = arith.constant 32 : index
      %get3A_504 = tpu.vector_load %arg7[%get3A_502, %get3A_503] {strides = array<i32>} : memref<200x128xf32, #tpu.memory_space<vmem>>, vector<1x16xf32>,
      %get3A_505 = vector.shape_cast %get3A_504 : vector<1x16xf32> to vector<16xf32>
      %add3A_506 = arith.addf %add3A_450, %get3A_505 : vector<16xf32>
      %add3A_507 = arith.constant 5 : i32
      %add3A_508 = arith.addi %mul3A_206, %add3A_507 : i32
      %get3A_509 = arith.index_cast %add3A_508 : i32 to index
      %get3A_510 = arith.constant 48 : index
      %get3A_511 = tpu.vector_load %arg7[%get3A_509, %get3A_510] {strides = array<i32>} : memref<200x128xf32, #tpu.memory_space<vmem>>, vector<1x16xf32>,
      %get3A_512 = vector.shape_cast %get3A_511 : vector<1x16xf32> to vector<16xf32>
      %add3A_513 = arith.addf %add3A_457, %get3A_512 : vector<16xf32>
      %add3A_514 = arith.constant 5 : i32
      %add3A_515 = arith.addi %mul3A_206, %add3A_514 : i32
      %get3A_516 = arith.index_cast %add3A_515 : i32 to index
      %get3A_517 = arith.constant 64 : index
      %get3A_518 = tpu.vector_load %arg7[%get3A_516, %get3A_517] {strides = array<i32>} : memref<200x128xf32, #tpu.memory_space<vmem>>, vector<1x16xf32>,
      %get3A_519 = vector.shape_cast %get3A_518 : vector<1x16xf32> to vector<16xf32>
      %add3A_520 = arith.addf %add3A_464, %get3A_519 : vector<16xf32>
      %add3A_521 = arith.constant 5 : i32
      %add3A_522 = arith.addi %mul3A_206, %add3A_521 : i32
      %get3A_523 = arith.index_cast %add3A_522 : i32 to index
      %get3A_524 = arith.constant 80 : index
      %get3A_525 = tpu.vector_load %arg7[%get3A_523, %get3A_524] {strides = array<i32>} : memref<200x128xf32, #tpu.memory_space<vmem>>, vector<1x16xf32>,
      %get3A_526 = vector.shape_cast %get3A_525 : vector<1x16xf32> to vector<16xf32>
      %add3A_527 = arith.addf %add3A_471, %get3A_526 : vector<16xf32>
      %add3A_528 = arith.constant 5 : i32
      %add3A_529 = arith.addi %mul3A_206, %add3A_528 : i32
      %get3A_530 = arith.index_cast %add3A_529 : i32 to index
      %get3A_531 = arith.constant 96 : index
      %get3A_532 = tpu.vector_load %arg7[%get3A_530, %get3A_531] {strides = array<i32>} : memref<200x128xf32, #tpu.memory_space<vmem>>, vector<1x16xf32>,
      %get3A_533 = vector.shape_cast %get3A_532 : vector<1x16xf32> to vector<16xf32>
      %add3A_534 = arith.addf %add3A_478, %get3A_533 : vector<16xf32>
      %add3A_535 = arith.constant 5 : i32
      %add3A_536 = arith.addi %mul3A_206, %add3A_535 : i32
      %get3A_537 = arith.index_cast %add3A_536 : i32 to index
      %get3A_538 = arith.constant 112 : index
      %get3A_539 = tpu.vector_load %arg7[%get3A_537, %get3A_538] {strides = array<i32>} : memref<200x128xf32, #tpu.memory_space<vmem>>, vector<1x16xf32>,
      %get3A_540 = vector.shape_cast %get3A_539 : vector<1x16xf32> to vector<16xf32>
      %add3A_541 = arith.addf %add3A_485, %get3A_540 : vector<16xf32>
      %add3A_542 = arith.constant 6 : i32
      %add3A_543 = arith.addi %mul3A_206, %add3A_542 : i32
      %get3A_544 = arith.index_cast %add3A_543 : i32 to index
      %get3A_545 = arith.constant 0 : index
      %get3A_546 = tpu.vector_load %arg7[%get3A_544, %get3A_545] {strides = array<i32>} : memref<200x128xf32, #tpu.memory_space<vmem>>, vector<1x16xf32>,
      %get3A_547 = vector.shape_cast %get3A_546 : vector<1x16xf32> to vector<16xf32>
      %add3A_548 = arith.addf %add3A_492, %get3A_547 : vector<16xf32>
      %add3A_549 = arith.constant 6 : i32
      %add3A_550 = arith.addi %mul3A_206, %add3A_549 : i32
      %get3A_551 = arith.index_cast %add3A_550 : i32 to index
      %get3A_552 = arith.constant 16 : index
      %get3A_553 = tpu.vector_load %arg7[%get3A_551, %get3A_552] {strides = array<i32>} : memref<200x128xf32, #tpu.memory_space<vmem>>, vector<1x16xf32>,
      %get3A_554 = vector.shape_cast %get3A_553 : vector<1x16xf32> to vector<16xf32>
      %add3A_555 = arith.addf %add3A_499, %get3A_554 : vector<16xf32>
      %add3A_556 = arith.constant 6 : i32
      %add3A_557 = arith.addi %mul3A_206, %add3A_556 : i32
      %get3A_558 = arith.index_cast %add3A_557 : i32 to index
      %get3A_559 = arith.constant 32 : index
      %get3A_560 = tpu.vector_load %arg7[%get3A_558, %get3A_559] {strides = array<i32>} : memref<200x128xf32, #tpu.memory_space<vmem>>, vector<1x16xf32>,
      %get3A_561 = vector.shape_cast %get3A_560 : vector<1x16xf32> to vector<16xf32>
      %add3A_562 = arith.addf %add3A_506, %get3A_561 : vector<16xf32>
      %add3A_563 = arith.constant 6 : i32
      %add3A_564 = arith.addi %mul3A_206, %add3A_563 : i32
      %get3A_565 = arith.index_cast %add3A_564 : i32 to index
      %get3A_566 = arith.constant 48 : index
      %get3A_567 = tpu.vector_load %arg7[%get3A_565, %get3A_566] {strides = array<i32>} : memref<200x128xf32, #tpu.memory_space<vmem>>, vector<1x16xf32>,
      %get3A_568 = vector.shape_cast %get3A_567 : vector<1x16xf32> to vector<16xf32>
      %add3A_569 = arith.addf %add3A_513, %get3A_568 : vector<16xf32>
      %add3A_570 = arith.constant 6 : i32
      %add3A_571 = arith.addi %mul3A_206, %add3A_570 : i32
      %get3A_572 = arith.index_cast %add3A_571 : i32 to index
      %get3A_573 = arith.constant 64 : index
      %get3A_574 = tpu.vector_load %arg7[%get3A_572, %get3A_573] {strides = array<i32>} : memref<200x128xf32, #tpu.memory_space<vmem>>, vector<1x16xf32>,
      %get3A_575 = vector.shape_cast %get3A_574 : vector<1x16xf32> to vector<16xf32>
      %add3A_576 = arith.addf %add3A_520, %get3A_575 : vector<16xf32>
      %add3A_577 = arith.constant 6 : i32
      %add3A_578 = arith.addi %mul3A_206, %add3A_577 : i32
      %get3A_579 = arith.index_cast %add3A_578 : i32 to index
      %get3A_580 = arith.constant 80 : index
      %get3A_581 = tpu.vector_load %arg7[%get3A_579, %get3A_580] {strides = array<i32>} : memref<200x128xf32, #tpu.memory_space<vmem>>, vector<1x16xf32>,
      %get3A_582 = vector.shape_cast %get3A_581 : vector<1x16xf32> to vector<16xf32>
      %add3A_583 = arith.addf %add3A_527, %get3A_582 : vector<16xf32>
      %add3A_584 = arith.constant 6 : i32
      %add3A_585 = arith.addi %mul3A_206, %add3A_584 : i32
      %get3A_586 = arith.index_cast %add3A_585 : i32 to index
      %get3A_587 = arith.constant 96 : index
      %get3A_588 = tpu.vector_load %arg7[%get3A_586, %get3A_587] {strides = array<i32>} : memref<200x128xf32, #tpu.memory_space<vmem>>, vector<1x16xf32>,
      %get3A_589 = vector.shape_cast %get3A_588 : vector<1x16xf32> to vector<16xf32>
      %add3A_590 = arith.addf %add3A_534, %get3A_589 : vector<16xf32>
      %add3A_591 = arith.constant 6 : i32
      %add3A_592 = arith.addi %mul3A_206, %add3A_591 : i32
      %get3A_593 = arith.index_cast %add3A_592 : i32 to index
      %get3A_594 = arith.constant 112 : index
      %get3A_595 = tpu.vector_load %arg7[%get3A_593, %get3A_594] {strides = array<i32>} : memref<200x128xf32, #tpu.memory_space<vmem>>, vector<1x16xf32>,
      %get3A_596 = vector.shape_cast %get3A_595 : vector<1x16xf32> to vector<16xf32>
      %add3A_597 = arith.addf %add3A_541, %get3A_596 : vector<16xf32>
      %add3A_598 = arith.constant 7 : i32
      %add3A_599 = arith.addi %mul3A_206, %add3A_598 : i32
      %get3A_600 = arith.index_cast %add3A_599 : i32 to index
      %get3A_601 = arith.constant 0 : index
      %get3A_602 = tpu.vector_load %arg7[%get3A_600, %get3A_601] {strides = array<i32>} : memref<200x128xf32, #tpu.memory_space<vmem>>, vector<1x16xf32>,
      %get3A_603 = vector.shape_cast %get3A_602 : vector<1x16xf32> to vector<16xf32>
      %add3A_604 = arith.addf %add3A_548, %get3A_603 : vector<16xf32>
      %add3A_605 = arith.constant 7 : i32
      %add3A_606 = arith.addi %mul3A_206, %add3A_605 : i32
      %get3A_607 = arith.index_cast %add3A_606 : i32 to index
      %get3A_608 = arith.constant 16 : index
      %get3A_609 = tpu.vector_load %arg7[%get3A_607, %get3A_608] {strides = array<i32>} : memref<200x128xf32, #tpu.memory_space<vmem>>, vector<1x16xf32>,
      %get3A_610 = vector.shape_cast %get3A_609 : vector<1x16xf32> to vector<16xf32>
      %add3A_611 = arith.addf %add3A_555, %get3A_610 : vector<16xf32>
      %add3A_612 = arith.constant 7 : i32
      %add3A_613 = arith.addi %mul3A_206, %add3A_612 : i32
      %get3A_614 = arith.index_cast %add3A_613 : i32 to index
      %get3A_615 = arith.constant 32 : index
      %get3A_616 = tpu.vector_load %arg7[%get3A_614, %get3A_615] {strides = array<i32>} : memref<200x128xf32, #tpu.memory_space<vmem>>, vector<1x16xf32>,
      %get3A_617 = vector.shape_cast %get3A_616 : vector<1x16xf32> to vector<16xf32>
      %add3A_618 = arith.addf %add3A_562, %get3A_617 : vector<16xf32>
      %add3A_619 = arith.constant 7 : i32
      %add3A_620 = arith.addi %mul3A_206, %add3A_619 : i32
      %get3A_621 = arith.index_cast %add3A_620 : i32 to index
      %get3A_622 = arith.constant 48 : index
      %get3A_623 = tpu.vector_load %arg7[%get3A_621, %get3A_622] {strides = array<i32>} : memref<200x128xf32, #tpu.memory_space<vmem>>, vector<1x16xf32>,
      %get3A_624 = vector.shape_cast %get3A_623 : vector<1x16xf32> to vector<16xf32>
      %add3A_625 = arith.addf %add3A_569, %get3A_624 : vector<16xf32>
      %add3A_626 = arith.constant 7 : i32
      %add3A_627 = arith.addi %mul3A_206, %add3A_626 : i32
      %get3A_628 = arith.index_cast %add3A_627 : i32 to index
      %get3A_629 = arith.constant 64 : index
      %get3A_630 = tpu.vector_load %arg7[%get3A_628, %get3A_629] {strides = array<i32>} : memref<200x128xf32, #tpu.memory_space<vmem>>, vector<1x16xf32>,
      %get3A_631 = vector.shape_cast %get3A_630 : vector<1x16xf32> to vector<16xf32>
      %add3A_632 = arith.addf %add3A_576, %get3A_631 : vector<16xf32>
      %add3A_633 = arith.constant 7 : i32
      %add3A_634 = arith.addi %mul3A_206, %add3A_633 : i32
      %get3A_635 = arith.index_cast %add3A_634 : i32 to index
      %get3A_636 = arith.constant 80 : index
      %get3A_637 = tpu.vector_load %arg7[%get3A_635, %get3A_636] {strides = array<i32>} : memref<200x128xf32, #tpu.memory_space<vmem>>, vector<1x16xf32>,
      %get3A_638 = vector.shape_cast %get3A_637 : vector<1x16xf32> to vector<16xf32>
      %add3A_639 = arith.addf %add3A_583, %get3A_638 : vector<16xf32>
      %add3A_640 = arith.constant 7 : i32
      %add3A_641 = arith.addi %mul3A_206, %add3A_640 : i32
      %get3A_642 = arith.index_cast %add3A_641 : i32 to index
      %get3A_643 = arith.constant 96 : index
      %get3A_644 = tpu.vector_load %arg7[%get3A_642, %get3A_643] {strides = array<i32>} : memref<200x128xf32, #tpu.memory_space<vmem>>, vector<1x16xf32>,
      %get3A_645 = vector.shape_cast %get3A_644 : vector<1x16xf32> to vector<16xf32>
      %add3A_646 = arith.addf %add3A_590, %get3A_645 : vector<16xf32>
      %add3A_647 = arith.constant 7 : i32
      %add3A_648 = arith.addi %mul3A_206, %add3A_647 : i32
      %get3A_649 = arith.index_cast %add3A_648 : i32 to index
      %get3A_650 = arith.constant 112 : index
      %get3A_651 = tpu.vector_load %arg7[%get3A_649, %get3A_650] {strides = array<i32>} : memref<200x128xf32, #tpu.memory_space<vmem>>, vector<1x16xf32>,
      %get3A_652 = vector.shape_cast %get3A_651 : vector<1x16xf32> to vector<16xf32>
      %add3A_653 = arith.addf %add3A_597, %get3A_652 : vector<16xf32>
      scf.yield %add3A_604, %add3A_611, %add3A_618, %add3A_625, %add3A_632, %add3A_639, %add3A_646, %add3A_653 : vector<16xf32>, vector<16xf32>, vector<16xf32>, vector<16xf32>, vector<16xf32>, vector<16xf32>, vector<16xf32>, vector<16xf32>
    }
    %scan3A_147 = arith.constant 25 : i32
    %swap3A_148 = arith.constant 127 : i32
    %swap3A_149 = arith.index_cast %swap3A_148 : i32 to index
    %swap3A_150 = arith.constant 0 : index
    %swap3A_151 = tpu.vector_load %arg9[%swap3A_149, %swap3A_150] {strides = array<i32>} : memref<128x128xf32, #tpu.memory_space<vmem>>, vector<1x16xf32>,
    %swap3A_152 = vector.shape_cast %swap3A_151 : vector<1x16xf32> to vector<16xf32>
    %swap3A_153 = vector.shape_cast %scan3A_146#0 : vector<16xf32> to vector<1x16xf32>
    tpu.vector_store %arg9[%swap3A_149, %swap3A_150], %swap3A_153 {strides = array<i32>} : memref<128x128xf32, #tpu.memory_space<vmem>>, vector<1x16xf32>,
    %swap3A_154 = arith.constant 127 : i32
    %swap3A_155 = arith.index_cast %swap3A_154 : i32 to index
    %swap3A_156 = arith.constant 16 : index
    %swap3A_157 = tpu.vector_load %arg9[%swap3A_155, %swap3A_156] {strides = array<i32>} : memref<128x128xf32, #tpu.memory_space<vmem>>, vector<1x16xf32>,
    %swap3A_158 = vector.shape_cast %swap3A_157 : vector<1x16xf32> to vector<16xf32>
    %swap3A_159 = vector.shape_cast %scan3A_146#1 : vector<16xf32> to vector<1x16xf32>
    tpu.vector_store %arg9[%swap3A_155, %swap3A_156], %swap3A_159 {strides = array<i32>} : memref<128x128xf32, #tpu.memory_space<vmem>>, vector<1x16xf32>,
    %swap3A_160 = arith.constant 127 : i32
    %swap3A_161 = arith.index_cast %swap3A_160 : i32 to index
    %swap3A_162 = arith.constant 32 : index
    %swap3A_163 = tpu.vector_load %arg9[%swap3A_161, %swap3A_162] {strides = array<i32>} : memref<128x128xf32, #tpu.memory_space<vmem>>, vector<1x16xf32>,
    %swap3A_164 = vector.shape_cast %swap3A_163 : vector<1x16xf32> to vector<16xf32>
    %swap3A_165 = vector.shape_cast %scan3A_146#2 : vector<16xf32> to vector<1x16xf32>
    tpu.vector_store %arg9[%swap3A_161, %swap3A_162], %swap3A_165 {strides = array<i32>} : memref<128x128xf32, #tpu.memory_space<vmem>>, vector<1x16xf32>,
    %swap3A_166 = arith.constant 127 : i32
    %swap3A_167 = arith.index_cast %swap3A_166 : i32 to index
    %swap3A_168 = arith.constant 48 : index
    %swap3A_169 = tpu.vector_load %arg9[%swap3A_167, %swap3A_168] {strides = array<i32>} : memref<128x128xf32, #tpu.memory_space<vmem>>, vector<1x16xf32>,
    %swap3A_170 = vector.shape_cast %swap3A_169 : vector<1x16xf32> to vector<16xf32>
    %swap3A_171 = vector.shape_cast %scan3A_146#3 : vector<16xf32> to vector<1x16xf32>
    tpu.vector_store %arg9[%swap3A_167, %swap3A_168], %swap3A_171 {strides = array<i32>} : memref<128x128xf32, #tpu.memory_space<vmem>>, vector<1x16xf32>,
    %swap3A_172 = arith.constant 127 : i32
    %swap3A_173 = arith.index_cast %swap3A_172 : i32 to index
    %swap3A_174 = arith.constant 64 : index
    %swap3A_175 = tpu.vector_load %arg9[%swap3A_173, %swap3A_174] {strides = array<i32>} : memref<128x128xf32, #tpu.memory_space<vmem>>, vector<1x16xf32>,
    %swap3A_176 = vector.shape_cast %swap3A_175 : vector<1x16xf32> to vector<16xf32>
    %swap3A_177 = vector.shape_cast %scan3A_146#4 : vector<16xf32> to vector<1x16xf32>
    tpu.vector_store %arg9[%swap3A_173, %swap3A_174], %swap3A_177 {strides = array<i32>} : memref<128x128xf32, #tpu.memory_space<vmem>>, vector<1x16xf32>,
    %swap3A_178 = arith.constant 127 : i32
    %swap3A_179 = arith.index_cast %swap3A_178 : i32 to index
    %swap3A_180 = arith.constant 80 : index
    %swap3A_181 = tpu.vector_load %arg9[%swap3A_179, %swap3A_180] {strides = array<i32>} : memref<128x128xf32, #tpu.memory_space<vmem>>, vector<1x16xf32>,
    %swap3A_182 = vector.shape_cast %swap3A_181 : vector<1x16xf32> to vector<16xf32>
    %swap3A_183 = vector.shape_cast %scan3A_146#5 : vector<16xf32> to vector<1x16xf32>
    tpu.vector_store %arg9[%swap3A_179, %swap3A_180], %swap3A_183 {strides = array<i32>} : memref<128x128xf32, #tpu.memory_space<vmem>>, vector<1x16xf32>,
    %swap3A_184 = arith.constant 127 : i32
    %swap3A_185 = arith.index_cast %swap3A_184 : i32 to index
    %swap3A_186 = arith.constant 96 : index
    %swap3A_187 = tpu.vector_load %arg9[%swap3A_185, %swap3A_186] {strides = array<i32>} : memref<128x128xf32, #tpu.memory_space<vmem>>, vector<1x16xf32>,
    %swap3A_188 = vector.shape_cast %swap3A_187 : vector<1x16xf32> to vector<16xf32>
    %swap3A_189 = vector.shape_cast %scan3A_146#6 : vector<16xf32> to vector<1x16xf32>
    tpu.vector_store %arg9[%swap3A_185, %swap3A_186], %swap3A_189 {strides = array<i32>} : memref<128x128xf32, #tpu.memory_space<vmem>>, vector<1x16xf32>,
    %swap3A_190 = arith.constant 127 : i32
    %swap3A_191 = arith.index_cast %swap3A_190 : i32 to index
    %swap3A_192 = arith.constant 112 : index
    %swap3A_193 = tpu.vector_load %arg9[%swap3A_191, %swap3A_192] {strides = array<i32>} : memref<128x128xf32, #tpu.memory_space<vmem>>, vector<1x16xf32>,
    %swap3A_194 = vector.shape_cast %swap3A_193 : vector<1x16xf32> to vector<16xf32>
    %swap3A_195 = vector.shape_cast %scan3A_146#7 : vector<16xf32> to vector<1x16xf32>
    tpu.vector_store %arg9[%swap3A_191, %swap3A_192], %swap3A_195 {strides = array<i32>} : memref<128x128xf32, #tpu.memory_space<vmem>>, vector<1x16xf32>,
    "tpu.region"() ({
      %run_scoped3A = tpu.sem_alloc : memref<!tpu.dma_semaphore, #tpu.memory_space<semaphore_mem>>
      %dma_start3A_196 = arith.constant 0 : i32
      %dma_start3A_197 = tpu.memref_slice %arg4[%mul3A_2, %dma_start3A_196] : memref<4096x128xf32, #tpu.memory_space<hbm>> -> memref<128x128xf32, #tpu.memory_space<hbm>>
      %dma_start3A_198 = arith.constant 0 : i32
      %dma_start3A_199 = tpu.memref_slice %arg4[%mul3A_2, %dma_start3A_198] : memref<4096x128xf32, #tpu.memory_space<hbm>> -> memref<128x128xf32, #tpu.memory_space<hbm>>
      tpu.enqueue_dma source(%arg9 : memref<128x128xf32, #tpu.memory_space<vmem>>) target(%dma_start3A_199 : memref<128x128xf32, #tpu.memory_space<hbm>>) target_semaphore(%run_scoped3A : memref<!tpu.dma_semaphore, #tpu.memory_space<semaphore_mem>>)
      %dma_wait3A_200 = arith.constant 0 : i32
      %dma_wait3A_201 = tpu.memref_slice %arg4[%mul3A_2, %dma_wait3A_200] : memref<4096x128xf32, #tpu.memory_space<hbm>> -> memref<128x128xf32, #tpu.memory_space<hbm>>
      %dma_wait3A_202 = arith.constant 0 : i32
      %dma_wait3A_203 = tpu.memref_slice %arg4[%mul3A_2, %dma_wait3A_202] : memref<4096x128xf32, #tpu.memory_space<hbm>> -> memref<128x128xf32, #tpu.memory_space<hbm>>
      tpu.wait_dma2 semaphore(%run_scoped3A : memref<!tpu.dma_semaphore, #tpu.memory_space<semaphore_mem>>) src(%arg9 : memref<128x128xf32, #tpu.memory_space<vmem>>) dst(%dma_wait3A_203 : memref<128x128xf32, #tpu.memory_space<hbm>>)
      tpu.yield
    }) : () -> ()
    return
  }
}

module attributes {stable_mosaic.version = 14 : i64} {
  func.func @_mlp_body(%arg0: i32, %arg1: memref<4096x128xf32, #tpu.memory_space<vmem>>, %arg2: memref<128x128xf32, #tpu.memory_space<vmem>>, %arg3: memref<1x128xf32, #tpu.memory_space<vmem>>, %arg4: memref<128x128xf32, #tpu.memory_space<vmem>>, %arg5: memref<1x128xf32, #tpu.memory_space<vmem>>, %arg6: memref<128x128xf32, #tpu.memory_space<vmem>>, %arg7: memref<1x128xf32, #tpu.memory_space<vmem>>, %arg8: memref<4096x1xi32, #tpu.memory_space<vmem>>, %arg9: memref<4096x128xf32, #tpu.memory_space<vmem>>, %arg10: memref<1x1xf32, #tpu.memory_space<vmem>>) attributes {dimension_semantics = [#tpu.dimension_semantics<arbitrary>], iteration_bounds = array<i64: 1>, scalar_prefetch = 0 : i64, scratch_operands = 0 : i64, tpu.core_type = #tpu.core_type<tc>, window_params = [{transform_indices = @transform_0, window_bounds = array<i64: 4096, 128>}, {pipeline_mode = #tpu.pipeline_mode<synchronous>, transform_indices = @transform_1, window_bounds = array<i64: 128, 128>}, {pipeline_mode = #tpu.pipeline_mode<synchronous>, transform_indices = @transform_2, window_bounds = array<i64: 1, 128>}, {pipeline_mode = #tpu.pipeline_mode<synchronous>, transform_indices = @transform_3, window_bounds = array<i64: 128, 128>}, {pipeline_mode = #tpu.pipeline_mode<synchronous>, transform_indices = @transform_4, window_bounds = array<i64: 1, 128>}, {pipeline_mode = #tpu.pipeline_mode<synchronous>, transform_indices = @transform_5, window_bounds = array<i64: 128, 128>}, {pipeline_mode = #tpu.pipeline_mode<synchronous>, transform_indices = @transform_6, window_bounds = array<i64: 1, 128>}, {transform_indices = @transform_7, window_bounds = array<i64: 4096, 1>}, {transform_indices = @transform_8, window_bounds = array<i64: 4096, 128>}, {pipeline_mode = #tpu.pipeline_mode<synchronous>, transform_indices = @transform_9, window_bounds = array<i64: 1, 1>}]} {
    %get3A = arith.constant 0 : index
    %get3A_0 = arith.constant 0 : index
    %get3A_1 = vector.load %arg1[%get3A, %get3A_0] : memref<4096x128xf32, #tpu.memory_space<vmem>>, vector<4096x128xf32>
    %get3A_2 = arith.constant 0 : index
    %get3A_3 = arith.constant 0 : index
    %get3A_4 = vector.load %arg2[%get3A_2, %get3A_3] : memref<128x128xf32, #tpu.memory_space<vmem>>, vector<128x128xf32>
    %dot_general3A = arith.constant dense<0.000000e+00> : vector<4096x128xf32>
    %dot_general3A_5 = tpu.matmul %get3A_1, %get3A_4, %dot_general3A {dimension_numbers = #tpu.dot_dimension_numbers<[1], [0], [0], [1], [0, 0, 1, 1], [], []>, transpose_lhs_hint = false} : vector<4096x128xf32>, vector<128x128xf32>, vector<4096x128xf32> -> vector<4096x128xf32>
    %get3A_6 = arith.constant 0 : index
    %get3A_7 = arith.constant 0 : index
    %get3A_8 = vector.load %arg3[%get3A_6, %get3A_7] : memref<1x128xf32, #tpu.memory_space<vmem>>, vector<1x128xf32>
    %add3A = vector.broadcast %get3A_8 : vector<1x128xf32> to vector<4096x128xf32>
    %add3A_9 = arith.addf %dot_general3A_5, %add3A : vector<4096x128xf32>
    %max3A = arith.constant 0.000000e+00 : f32
    %max3A_10 = vector.broadcast %max3A : f32 to vector<4096x128xf32>
    %max3A_11 = arith.maximumf %add3A_9, %max3A_10 : vector<4096x128xf32>
    %get3A_12 = arith.constant 0 : index
    %get3A_13 = arith.constant 0 : index
    %get3A_14 = vector.load %arg4[%get3A_12, %get3A_13] : memref<128x128xf32, #tpu.memory_space<vmem>>, vector<128x128xf32>
    %dot_general3A_15 = arith.constant dense<0.000000e+00> : vector<4096x128xf32>
    %dot_general3A_16 = tpu.matmul %max3A_11, %get3A_14, %dot_general3A_15 {dimension_numbers = #tpu.dot_dimension_numbers<[1], [0], [0], [1], [0, 0, 1, 1], [], []>, transpose_lhs_hint = false} : vector<4096x128xf32>, vector<128x128xf32>, vector<4096x128xf32> -> vector<4096x128xf32>
    %get3A_17 = arith.constant 0 : index
    %get3A_18 = arith.constant 0 : index
    %get3A_19 = vector.load %arg5[%get3A_17, %get3A_18] : memref<1x128xf32, #tpu.memory_space<vmem>>, vector<1x128xf32>
    %add3A_20 = vector.broadcast %get3A_19 : vector<1x128xf32> to vector<4096x128xf32>
    %add3A_21 = arith.addf %dot_general3A_16, %add3A_20 : vector<4096x128xf32>
    %max3A_22 = arith.constant 0.000000e+00 : f32
    %max3A_23 = vector.broadcast %max3A_22 : f32 to vector<4096x128xf32>
    %max3A_24 = arith.maximumf %add3A_21, %max3A_23 : vector<4096x128xf32>
    %get3A_25 = arith.constant 0 : index
    %get3A_26 = arith.constant 0 : index
    %get3A_27 = vector.load %arg6[%get3A_25, %get3A_26] : memref<128x128xf32, #tpu.memory_space<vmem>>, vector<128x128xf32>
    %dot_general3A_28 = arith.constant dense<0.000000e+00> : vector<4096x128xf32>
    %dot_general3A_29 = tpu.matmul %max3A_24, %get3A_27, %dot_general3A_28 {dimension_numbers = #tpu.dot_dimension_numbers<[1], [0], [0], [1], [0, 0, 1, 1], [], []>, transpose_lhs_hint = false} : vector<4096x128xf32>, vector<128x128xf32>, vector<4096x128xf32> -> vector<4096x128xf32>
    %get3A_30 = arith.constant 0 : index
    %get3A_31 = arith.constant 0 : index
    %get3A_32 = vector.load %arg7[%get3A_30, %get3A_31] : memref<1x128xf32, #tpu.memory_space<vmem>>, vector<1x128xf32>
    %add3A_33 = vector.broadcast %get3A_32 : vector<1x128xf32> to vector<4096x128xf32>
    %add3A_34 = arith.addf %dot_general3A_29, %add3A_33 : vector<4096x128xf32>
    %reduce_max3A = arith.constant dense<0xFF800000> : vector<4096xf32>
    %reduce_max3A_35 = vector.multi_reduction <maximumf>, %add3A_34, %reduce_max3A [1] : vector<4096x128xf32> to vector<4096xf32>
    %broadcast_in_dim3A = vector.shape_cast %reduce_max3A_35 : vector<4096xf32> to vector<4096x1xf32>
    %sub3A = vector.broadcast %broadcast_in_dim3A : vector<4096x1xf32> to vector<4096x128xf32>
    %sub3A_36 = arith.subf %add3A_34, %sub3A : vector<4096x128xf32>
    %exp3A = math.exp %sub3A_36 : vector<4096x128xf32>
    %reduce_sum3A = arith.constant dense<0.000000e+00> : vector<4096xf32>
    %reduce_sum3A_37 = vector.multi_reduction <add>, %exp3A, %reduce_sum3A [1] : vector<4096x128xf32> to vector<4096xf32>
    %broadcast_in_dim3A_38 = vector.shape_cast %reduce_sum3A_37 : vector<4096xf32> to vector<4096x1xf32>
    %log3A = math.log %broadcast_in_dim3A_38 : vector<4096x1xf32>
    %add3A_39 = arith.addf %log3A, %broadcast_in_dim3A : vector<4096x1xf32>
    %sub3A_40 = vector.broadcast %add3A_39 : vector<4096x1xf32> to vector<4096x128xf32>
    %sub3A_41 = arith.subf %add3A_34, %sub3A_40 : vector<4096x128xf32>
    %swap3A = arith.constant 0 : index
    %swap3A_42 = arith.constant 0 : index
    %swap3A_43 = vector.load %arg9[%swap3A, %swap3A_42] : memref<4096x128xf32, #tpu.memory_space<vmem>>, vector<4096x128xf32>
    tpu.vector_store %arg9[%swap3A, %swap3A_42], %sub3A_41 {strides = array<i32>} : memref<4096x128xf32, #tpu.memory_space<vmem>>, vector<4096x128xf32>,
    %iota3A = tpu.iota {dimensions = array<i32: 1>} : vector<4096x128xi32>
    %get3A_44 = arith.constant 0 : index
    %get3A_45 = arith.constant 0 : index
    %get3A_46 = vector.load %arg8[%get3A_44, %get3A_45] : memref<4096x1xi32, #tpu.memory_space<vmem>>, vector<4096x1xi32>
    %eq3A = vector.broadcast %get3A_46 : vector<4096x1xi32> to vector<4096x128xi32>
    %eq3A_47 = arith.cmpi eq, %iota3A, %eq3A : vector<4096x128xi32>
    %jit3A = arith.constant 0.000000e+00 : f32
    %broadcast_in_dim3A_48 = vector.broadcast %jit3A : f32 to vector<4096x128xf32>
    %select_n3A = arith.select %eq3A_47, %sub3A_41, %broadcast_in_dim3A_48 : vector<4096x128xi1>, vector<4096x128xf32>
    %reduce_sum3A_49 = vector.shape_cast %select_n3A : vector<4096x128xf32> to vector<1x4096x128xf32>
    %reduce_sum3A_50 = arith.constant dense<0.000000e+00> : vector<1xf32>
    %reduce_sum3A_51 = vector.multi_reduction <add>, %reduce_sum3A_49, %reduce_sum3A_50 [1, 2] : vector<1x4096x128xf32> to vector<1xf32>
    %reduce_sum3A_52 = vector.shape_cast %reduce_sum3A_51 : vector<1xf32> to vector<1x1x1xf32>
    %reduce_sum3A_53 = vector.extract %reduce_sum3A_52[0, 0, 0] : f32 from vector<1x1x1xf32>
    %neg3A = arith.constant 0.000000e+00 : f32
    %neg3A_54 = arith.subf %neg3A, %reduce_sum3A_53 : f32
    %eq3A_55 = arith.constant 0 : i32
    %eq3A_56 = arith.cmpi eq, %arg0, %eq3A_55 : i32
    %convert_element_type3A = arith.extui %eq3A_56 : i1 to i32
    %cond3A = arith.constant 0 : i32
    %cond3A_57 = arith.cmpi ne, %convert_element_type3A, %cond3A : i32
    scf.if %cond3A_57 {
      %broadcast_in_dim3A_66 = arith.constant 0.000000e+00 : f32
      %broadcast_in_dim3A_67 = vector.broadcast %broadcast_in_dim3A_66 : f32 to vector<1x1xf32>
      %swap3A_68 = arith.constant 0 : index
      %swap3A_69 = arith.constant 0 : index
      %swap3A_70 = vector.load %arg10[%swap3A_68, %swap3A_69] : memref<1x1xf32, #tpu.memory_space<vmem>>, vector<1x1xf32>
      tpu.vector_store %arg10[%swap3A_68, %swap3A_69], %broadcast_in_dim3A_67 {strides = array<i32>} : memref<1x1xf32, #tpu.memory_space<vmem>>, vector<1x1xf32>,
    } else {
    }
    %get3A_58 = arith.constant 0 : index
    %get3A_59 = arith.constant 0 : index
    %get3A_60 = vector.load %arg10[%get3A_58, %get3A_59] : memref<1x1xf32, #tpu.memory_space<vmem>>, vector<1x1xf32>
    %mul3A = arith.constant 2.44140625E-4 : f32
    %mul3A_61 = arith.mulf %neg3A_54, %mul3A : f32
    %reshape3A = vector.broadcast %mul3A_61 : f32 to vector<1x1xf32>
    %add3A_62 = arith.addf %get3A_60, %reshape3A : vector<1x1xf32>
    %swap3A_63 = arith.constant 0 : index
    %swap3A_64 = arith.constant 0 : index
    %swap3A_65 = vector.load %arg10[%swap3A_63, %swap3A_64] : memref<1x1xf32, #tpu.memory_space<vmem>>, vector<1x1xf32>
    tpu.vector_store %arg10[%swap3A_63, %swap3A_64], %add3A_62 {strides = array<i32>} : memref<1x1xf32, #tpu.memory_space<vmem>>, vector<1x1xf32>,
    return
  }
  func.func @transform_0(%arg0: i32) -> (i32, i32) {
    %c0_i32 = arith.constant 0 : i32
    %c0_i32_0 = arith.constant 0 : i32
    return %arg0, %c0_i32 : i32, i32
  }
  func.func @transform_1(%arg0: i32) -> (i32, i32) {
    %c0_i32 = arith.constant 0 : i32
    %c0_i32_0 = arith.constant 0 : i32
    %c0_i32_1 = arith.constant 0 : i32
    return %c0_i32, %c0_i32_0 : i32, i32
  }
  func.func @transform_2(%arg0: i32) -> (i32, i32) {
    %c0_i32 = arith.constant 0 : i32
    %c0_i32_0 = arith.constant 0 : i32
    %c0_i32_1 = arith.constant 0 : i32
    return %c0_i32, %c0_i32_0 : i32, i32
  }
  func.func @transform_3(%arg0: i32) -> (i32, i32) {
    %c0_i32 = arith.constant 0 : i32
    %c0_i32_0 = arith.constant 0 : i32
    %c0_i32_1 = arith.constant 0 : i32
    return %c0_i32, %c0_i32_0 : i32, i32
  }
  func.func @transform_4(%arg0: i32) -> (i32, i32) {
    %c0_i32 = arith.constant 0 : i32
    %c0_i32_0 = arith.constant 0 : i32
    %c0_i32_1 = arith.constant 0 : i32
    return %c0_i32, %c0_i32_0 : i32, i32
  }
  func.func @transform_5(%arg0: i32) -> (i32, i32) {
    %c0_i32 = arith.constant 0 : i32
    %c0_i32_0 = arith.constant 0 : i32
    %c0_i32_1 = arith.constant 0 : i32
    return %c0_i32, %c0_i32_0 : i32, i32
  }
  func.func @transform_6(%arg0: i32) -> (i32, i32) {
    %c0_i32 = arith.constant 0 : i32
    %c0_i32_0 = arith.constant 0 : i32
    %c0_i32_1 = arith.constant 0 : i32
    return %c0_i32, %c0_i32_0 : i32, i32
  }
  func.func @transform_7(%arg0: i32) -> (i32, i32) {
    %c0_i32 = arith.constant 0 : i32
    %c0_i32_0 = arith.constant 0 : i32
    return %arg0, %c0_i32 : i32, i32
  }
  func.func @transform_8(%arg0: i32) -> (i32, i32) {
    %c0_i32 = arith.constant 0 : i32
    %c0_i32_0 = arith.constant 0 : i32
    return %arg0, %c0_i32 : i32, i32
  }
  func.func @transform_9(%arg0: i32) -> (i32, i32) {
    %c0_i32 = arith.constant 0 : i32
    %c0_i32_0 = arith.constant 0 : i32
    %c0_i32_1 = arith.constant 0 : i32
    return %c0_i32, %c0_i32_0 : i32, i32
  }
}

</mosaic_0001>

<sc_bundles>
// kernel: kernel.4.cloned.1.call-start
scs
__scs_entry_jumppad:
0x0: {  	(pc) =	sbr.rel $0x88, $3  }
0x1: {  	(tag) =	ssettag $0x0;
	lr =	simm.s32 $0x1  }
0x2: {  	[smem:$0x3F98] =	sst lr;
	_ =	strace $0xD0000000  }
0x3: {  	_ = 	snop  }
0x4: {  	_ = 	snop  }
0x5: {  	_ = 	snop  }
0x6: {  	_ = 	snop  }
0x7: {  	_ = 	snop  }
__scs_overlays_trampoline_lowered:
0x8: {  	[smem:$0x3FA7] =	sst s0  }
0x9: {  	[smem:$0x3FA8] =	sst s1  }
0xa: {  	[smem:$0x3FA9] =	sst s2  }
0xb: {  	[smem:$0x3FAA] =	sst s3  }
0xc: {  	[smem:$0x3FAB] =	sst s4  }
0xd: {  	[smem:$0x3FAC] =	sst s5  }
0xe: {  	[smem:$0x3FAD] =	sst s6  }
0xf: {  	[smem:$0x3FAE] =	sst s7  }
0x10: {  	[smem:$0x3FAF] =	sst s8  }
0x11: {  	[smem:$0x3FB0] =	sst s9;
	s0 =	simm.s32 @!p0 $0x0  }
0x12: {  	s1 =	sld [smem:$0x3F96];
	s0 =	simm.s32 @p0 $0x1  }
0x13: {  	[smem:$0x3FB1] =	sst s0;
	s0 =	simm.s32 @!p1 $0x0  }
0x14: {  	s2 =	sld [smem:$0x3F95];
	s0 =	simm.s32 @p1 $0x1  }
0x15: {  	[smem:$0x3FB2] =	sst s0;
	s0 =	simm.s32 @!p2 $0x0  }
0x16: {  	s3 =	sld [smem:$0x3FDB];
	s0 =	simm.s32 @p2 $0x1  }
0x17: {  	s4 =	simm.s32 $0x1BF5;
	[smem:$0x3FB4] =	sst s0  }
0x18: {  	s0 =	sld [smem:$0x3F97];
	_ =	swait.ge [sflag:s4], $0x0  }
0x19: {  	s7 =	sld [smem:$0x3F98]  }
0x1a: {  	s8 =	sadd.s32 $0xFFFFE003, lr  }
0x1b: {  	s9 =	sadd.s32 $0xFFFFFEF7, lr;
	s5 =	simm.s32 $0xFFFFFFFF;
	p2 =	slt.u32 s8, $0xFFFFF086  }
0x1c: {  	p1 =	slt.u32 s9, $0xF7A;
	s5 =	simm.s32 @!p2 $0x0  }
0x1d: {  	s5 =	simm.s32 @p1 $0x1;
	p0 =	seq.s32 s7, s2  }
0x1e: {  	s7 =	smul.u32 @!p0 $0xF7A, s2;
	p2 =	seq.s32 @!p0 s5, $0x0  }
0x1f: {  	s9 =	smul.u32 $0xF7A, s1;
	s8 =	simm.s32 @!p0 $0x1BF5;
	p2 =	por !p2, p0  }
0x20: {  	[sflag:s8] =	ssyncset.s32 @!p0 $0xFFFFF086;
	s6 =	sadd.s32 @!p0 s3, s7;
	s7 =	simm.s32 @!p0 $0x108  }
0x21: {  	s3 =	sadd.s32 s3, s9;
	s6 =	sadd.s32 @!p0 $0x88, s6;
	s7 =	simm.s32 @p2 $0x1082  }
0x22: {  	[simem:s7], [sflag:s8] =	dma.local @!p0 [hbm:s6], $0xF7A  }
0x23: {  	s9 =	sor.u32 $0xD0000000, s2;
	s6 =	simm.s32 $0x108;
	_ =	swait.ge @!p0 [sflag:s8], $0x0  }
0x24: {  	s3 =	sadd.s32 $0x88, s3;
	s6 =	simm.s32 @!p1 $0x1082;
	[sflag:s4] =	ssyncset.s32 $0xFFFFF086  }
0x25: {  	[simem:s6], [sflag:s4] =	dma.local [hbm:s3], $0xF7A  }
0x26: {  	[smem:$0x3F98] =	sst s1;
	(tag) =	ssettag s2;
	_ =	strace s9  }
0x27: {  	s1 =	sld [smem:$0x3FA8]  }
0x28: {  	s2 =	sld [smem:$0x3FA9]  }
0x29: {  	s4 =	sld [smem:$0x3FAB]  }
0x2a: {  	p0 =	seq.s32 s5, $0x0;
	s5 =	sld [smem:$0x3FAC]  }
0x2b: {  	s6 =	sld [smem:$0x3FAD]  }
0x2c: {  	s7 =	sld [smem:$0x3FAE]  }
0x2d: {  	s3 =	simm.s32 $0x108;
	s8 =	sld [smem:$0x3FAF]  }
0x2e: {  	s3 =	simm.s32 @!p0 $0x1082;
	s9 =	sld [smem:$0x3FB0]  }
0x2f: {  	lr =	sadd.s32 s0, s3;
	s0 =	sld [smem:$0x3FA7]  }
0x30: {  	s3 =	sld [smem:$0x3FAA]  }
0x31: {  	[smem:$0x3FB3] =	sst s10  }
0x32: {  	s10 =	sld [smem:$0x3FB1];
	_ =	sdelay $0x3  }
0x33: {  	p0 =	seq.s32 s10, $0x1;
	s10 =	sld [smem:$0x3FB3];
	_ =	sdelay $0x3  }
0x34: {  	[smem:$0x3FB3] =	sst s10  }
0x35: {  	s10 =	sld [smem:$0x3FB2];
	_ =	sdelay $0x3  }
0x36: {  	p1 =	seq.s32 s10, $0x1;
	s10 =	sld [smem:$0x3FB3];
	_ =	sdelay $0x3  }
0x37: {  	[smem:$0x3FB3] =	sst s10  }
0x38: {  	s10 =	sld [smem:$0x3FB4]  }
0x39: {  	_ = 	snop;
	(pc) =	sbr.ind lr, $3  }
0x3a: {  	_ = 	snop  }
0x3b: {  	_ = 	snop  }
0x3c: {  	p2 =	seq.s32 s10, $0x1;
	s10 =	sld [smem:$0x3FB3]  }
0x3d: {  	_ =	shalt  }
0x3e: {  	_ =	shalt  }
0x3f: {  	_ =	shalt  }
0x40: {  	_ =	shalt  }
0x41: {  	_ =	shalt  }
0x42: {  	_ =	shalt  }
0x43: {  	_ =	shalt  }
0x44: {  	_ =	shalt  }
0x45: {  	_ =	shalt  }
0x46: {  	_ =	shalt  }
0x47: {  	_ =	shalt  }
0x48: {  	_ =	shalt  }
0x49: {  	_ =	shalt  }
0x4a: {  	_ =	shalt  }
0x4b: {  	_ =	shalt  }
0x4c: {  	_ =	shalt  }
0x4d: {  	_ =	shalt  }
0x4e: {  	_ =	shalt  }
0x4f: {  	_ =	shalt  }
0x50: {  	_ =	shalt  }
0x51: {  	_ =	shalt  }
0x52: {  	_ =	shalt  }
0x53: {  	_ =	shalt  }
0x54: {  	_ =	shalt  }
0x55: {  	_ =	shalt  }
0x56: {  	_ =	shalt  }
0x57: {  	_ =	shalt  }
0x58: {  	_ =	shalt  }
0x59: {  	_ =	shalt  }
0x5a: {  	_ =	shalt  }
0x5b: {  	_ =	shalt  }
0x5c: {  	_ =	shalt  }
0x5d: {  	_ =	shalt  }
0x5e: {  	_ =	shalt  }
0x5f: {  	_ =	shalt  }
0x60: {  	_ =	shalt  }
0x61: {  	_ =	shalt  }
0x62: {  	_ =	shalt  }
0x63: {  	_ =	shalt  }
0x64: {  	_ =	shalt  }
0x65: {  	_ =	shalt  }
0x66: {  	_ =	shalt  }
0x67: {  	_ =	shalt  }
0x68: {  	_ =	shalt  }
0x69: {  	_ =	shalt  }
0x6a: {  	_ =	shalt  }
0x6b: {  	_ =	shalt  }
0x6c: {  	_ =	shalt  }
0x6d: {  	_ =	shalt  }
0x6e: {  	_ =	shalt  }
0x6f: {  	_ =	shalt  }
0x70: {  	_ =	shalt  }
0x71: {  	_ =	shalt  }
0x72: {  	_ =	shalt  }
0x73: {  	_ =	shalt  }
0x74: {  	_ =	shalt  }
0x75: {  	_ =	shalt  }
0x76: {  	_ =	shalt  }
0x77: {  	_ =	shalt  }
0x78: {  	_ =	shalt  }
0x79: {  	_ =	shalt  }
0x7a: {  	_ =	shalt  }
0x7b: {  	_ =	shalt  }
0x7c: {  	_ =	shalt  }
0x7d: {  	_ =	shalt  }
0x7e: {  	_ =	shalt  }
0x7f: {  	_ =	shalt  }
0x80: {  	_ =	shalt  }
0x81: {  	_ =	shalt  }
0x82: {  	_ =	shalt  }
0x83: {  	_ =	shalt  }
0x84: {  	_ =	shalt  }
0x85: {  	_ =	shalt  }
0x86: {  	_ =	shalt  }
0x87: {  	_ =	shalt  }
.Lfunc_end0:
.L_simem_size_0:
called_computation_lowered:
.L_overlay_start_0:
0x88: {  	s2 =	sld [smem:$0x3FD9]  }
0x89: {  	s3 =	sld [smem:$0x3FFE];
	_ =	sdelay $0x1  }
0x8a: {  	s1 =	srdreg.scid  }
0x8b: {  	s0 =	sand.u32 $0x1, s1  }
0x8c: {  	s17 =	sshll.u32 s0, $0xA;
	s2 =	sadd.s32 s3, s2  }
0x8d: {  	s2 =	sadd.s32 s2, s17  }
0x8e: {  	[smem:$0x3FBF] =	sst s2  }
0x8f: {  	_ = 	snop  }
0x90: {  	s2 =	sld [smem:$0x3FC7];
	(tm) =	ssettm $0x1  }
0x91: {  	s18 =	sld [smem:$0x3FFB];
	_ =	sdelay $0x3  }
0x92: {  	_ =	strace s18  }
0x93: {  	s3 =	sld [smem:$0x3FFC];
	_ =	sdelay $0x3  }
0x94: {  	_ =	strace s3  }
0x95: {  	s3 =	sld [smem:$0x3FFD];
	_ =	sdelay $0x3  }
0x96: {  	_ =	strace s3  }
0x97: {  	_ =	strace $0x8FFFFFFF  }
0x98: {  	s19 =	sld [smem:$0x3FDB];
	_ =	sdelay $0x1  }
0x99: {  	s4 =	simm.s32 $_scs_section_size  }
0x9a: {  	s5 =	simm.s32 $_size__tile_overlayer_lowered;
	s6 =	simm.s32 $_tile_overlayer_lowered  }
0x9b: {  	s22 =	simm.s32 $0x1BFF;
	s21 =	sshll.u32 s6, $0x1;
	s3 =	sadd.s32 s4, s19  }
0x9c: {  	s7 =	simm.s32 $0x0;
	s20 =	sshll.u32 s5, $0x1;
	s5 =	sadd.s32 s21, s3  }
0x9d: {  	[timem:s7], [sflag:s22] =	dma.local [hbm:s5], s20  }
0x9e: {  	_ =	swait.ge [sflag:s22], s20  }
0x9f: {  	s4 =	ssub.s32 $0x0, s20;
	[sflag:s22] =	ssyncset.done $0x0  }
0xa0: {  	[sflag:s22] =	ssyncadd.s32 s4;
	_ =	sdelay $0x1  }
0xa1: {  	s23 =	simm.s32 $0x1B8B  }
0xa2: {  	_ =	swait.ge [sflag:s23], $0x1  }
0xa3: {  	[sflag:s23] =	ssyncset.done $0x0  }
0xa4: {  	s25 =	simm.s32 $0x1B8E;
	s24 =	sld [smem:$0x3FFE];
	[sflag:s23] =	ssyncadd.s32 $0xFFFFFFFF  }
0xa5: {  	s26 =	simm.s32 $execute0_lowered;
	[smem:$0x3FD2] =	sst s25  }
0xa6: {  	s5 =	sshll.u32 s26, $0x1;
	_ =	strace $0x80000046;
	[dreg:$0x1] =	wrdreg $0xFFFFFFFF  }
0xa7: {  	s28 =	simm.s32 $_size_execute0_lowered;
	s3 =	sadd.s32 s3, s5;
	[dreg:$0x0] =	wrdreg $0x0  }
0xa8: {  	s5 =	sshll.u32 s28, $0x1;
	[dreg:$0x2] =	wrdreg s3  }
0xa9: {  	[dreg:$0x3] =	wrdreg s5  }
0xaa: {  	[dreg:$0x4] =	wrdreg $0xC0  }
0xab: {  	_ =	task [dreg:s7], $0x5FFFF  }
0xac: {  	[dreg:$0x1] =	wrdreg $0xFFFFFFFF  }
0xad: {  	[dreg:$0x0] =	wrdreg $0x60  }
0xae: {  	[dreg:$0x2] =	wrdreg s2  }
0xaf: {  	[dreg:$0x3] =	wrdreg s24  }
0xb0: {  	[dreg:$0x4] =	wrdreg $0x9  }
0xb1: {  	_ =	task.clear_ibuf [dreg:s7], $0x5FFFF;
	_ =	strace $0x90000046  }
0xb2: {  	s29 =	simm.s32 $0x9;
	_ =	strace $0x80000048  }
0xb3: {  	_ =	swait.ge [sflag:s29], $0x1  }
0xb4: {  	[sflag:s29] =	ssyncadd.s32 $0xFFFFFFFF  }
0xb5: {  	_ =	strace $0x90000048  }
0xb6: {  	_ =	sfence  }
0xb7: {  	s30 =	sld [smem:$0x0];
	_ =	sdelay $0x2  }
0xb8: {  	s31 =	sshll.u32 s1, $0xD;
	s1 =	sshrl.u32 s1, $0x2  }
0xb9: {  	s3 =	sand.u32 $0x4000, s31;
	s1 =	sadd.s32 s1, s30  }
0xba: {  	s0 =	sor.u32 s3, s0;
	s1 =	sshll.u32 s1, $0x11  }
0xbb: {  	s0 =	sor.u32 s1, s0  }
0xbc: {  	s0 =	sadd.s32 $0x8F2B, s0  }
0xbd: {  	[sflag:s0] =	ssyncadd.remote.s32 $0x1  }
0xbe: {  	_ =	sfence.sel $0xFFFF  }
0xbf: {  	[dreg:$0x0] =	wrdreg $0xFFFFFFFF;
	(pc) =	sbr.abs _section_cstart, $3  }
0xc0: {  	[dreg:$0x1] =	wrdreg $0xFFFFFFFF  }
0xc1: {  	_ =	task.clear_ibuf [dreg:s7], $0x2FFFF;
	_ =	strace $0x9FFFFFFF  }
0xc2: {  	(tm) =	ssettm $0x7FFFFFFF  }
0xc3: {  	_ =	shalt  }
tec
execute0_lowered:
.L_overlay_start_1:
0x0: {  	(tag) =	ssettag $0x1  }
0x1: {  	s2 =	rddreg [dreg:$0x0]  }
0x2: {  	s4 =	rddreg [dreg:$0x1];
	s3 =	srdreg.scid  }
0x3: {  	s0 =	rddreg [dreg:$0x2];
	s1 =	stileid.u32  }
0x4: {  	s9 =	simm.s32 $0x8000;
	s10 =	simm.s32 $0x48;
	s11 =	simm.s32 $0x400  }
0x5: {  	s12 =	simm.s32 $0xC000;
	s13 =	simm.s32 $0xE400;
	s14 =	simm.s32 $0x480  }
0x6: {  	s15 =	simm.s32 $0x12400;
	s16 =	simm.s32 $0x14800;
	s17 =	simm.s32 $0x18800  }
0x7: {  	s18 =	simm.s32 $0x1;
	s19 =	simm.s32 $0x2;
	s20 =	simm.s32 $0x3  }
0x8: {  	s21 =	simm.s32 $0x1AC00;
	s22 =	simm.s32 $0x0;
	s5 =	sand.u32 $0x1, s3  }
0x9: {  	s3 =	simm.s32 $0x0;
	s6 =	sshll.u32 s1, $0x8;
	s7 =	sshll.u32 s5, $0x7  }
0xa: {  	[smem:$0x7FF] =	sst s3;
	s5 =	ssub.s32 $0x2, s5;
	s6 =	sor.u32 s7, s6  }
0xb: {  	_ =	strace $0x80000047;
	s7 =	sshll.u32 s6, $0x5;
	s6 =	sshll.u32 s6, $0x4  }
0xc: {  	s8 =	sshrl.u32 s5, $0x1;
	s7 =	sadd.s32 s7, s4;
	s6 =	sadd.s32 s6, s4  }
0xd: {  	s8 =	ssub.s32 s5, s8;
	s4 =	sadd.s32 $0x1800, s7;
	s5 =	sadd.s32 $0x21800, s6  }
0xe: {  	s6 =	smax.u32 s8, $0x1;
	s7 =	simm.s32 $0x4;
	s8 =	simm.s32 $0x80  }
.LBB2_1:
0xf: {  	[tilespmem:s3], [sflag:$0x4] =	stream.linear.gather [hbm4b:s4+s3], $0x8000, $0x38;
	[tilespmem:$0x1EC00] =	vst v63  }
0x10: {  	_ =	swait.ge [sflag:s7], $0x8000  }
0x11: {  	[sflag:s7] =	ssyncset.done $0x0  }
0x12: {  	[sflag:s7] =	ssyncadd.s32 $0xFFFF8000  }
0x13: {  	[tilespmem:s9], [sflag:$0x1] =	stream.indirect.gather [hbm4b:s2+s8], $0x80, s3, s8, $0xb8;
	[tilespmem:$0x1EC00] =	vst v63  }
0x14: {  	_ = 	snop  }
0x15: {  	[tilespmem:s12], [sflag:$0x1] =	stream.indirect.gather [hbm4b:s2+s10], $0x80, s11, s10, $0xb8;
	[tilespmem:$0x1EC00] =	vst v63  }
0x16: {  	_ = 	snop  }
0x17: {  	[tilespmem:s13], [sflag:$0x2] =	stream.indirect.gather [hbm4b:s2+s8], $0x80, s8, s8, $0xb8;
	[tilespmem:$0x1EC00] =	vst v63  }
0x18: {  	s23 =	simm.s32 $0x0  }
0x19: {  	[tilespmem:s15], [sflag:$0x2] =	stream.indirect.gather [hbm4b:s2+s10], $0x80, s14, s10, $0xb8;
	[tilespmem:$0x1EC00] =	vst v63  }
.LBB2_2:
0x1a: {  	s25 =	smul.u32 $0x3, s23;
	_ =	sdelay $0x1  }
0x1b: {  	s24 =	sadd.s32 $0x2, s25  }
0x1c: {  	s26 =	sshll.u32 s24, $0x8;
	s24 =	sshll.u32 s24, $0x7  }
0x1d: {  	s26 =	sand.u32 $0x1F800, s26;
	s28 =	sand.u32 $0x380, s24  }
0x1e: {  	s26 =	sor.u32 s28, s26  }
0x1f: {  	[tilespmem:s16], [sflag:$0x3] =	stream.indirect.gather [hbm4b:s2+s8], $0x80, s26, s8, $0xb8;
	[tilespmem:$0x1EC00] =	vst v63  }
0x20: {  	s26 =	sor.u32 $0x400, s26  }
0x21: {  	[tilespmem:s17], [sflag:$0x3] =	stream.indirect.gather [hbm4b:s2+s10], $0x80, s26, s10, $0xb8;
	[tilespmem:$0x1EC00] =	vst v63  }
0x22: {  	_ =	swait.ge [sflag:s18], $0x6400  }
0x23: {  	[sflag:s18] =	ssyncset.done $0x0  }
0x24: {  	s26 =	simm.s32 $0x0;
	[sflag:s18] =	ssyncadd.s32 $0xFFFF9C00  }
0x25: {  	v6 =	vld [tilespmem:s26+$0x8380]  }
0x26: {  	v7 =	vld [tilespmem:s26+$0x8390]  }
0x27: {  	v8 =	vld [tilespmem:s26+$0x83A0]  }
0x28: {  	v9 =	vld [tilespmem:s26+$0x83B0]  }
0x29: {  	v0 =	vld [tilespmem:s26+$0x83C0]  }
0x2a: {  	v1 =	vld [tilespmem:s26+$0x83D0]  }
0x2b: {  	v14 =	vld [tilespmem:s26+$0x8300]  }
0x2c: {  	v16 =	vld [tilespmem:s26+$0x8310]  }
0x2d: {  	v13 =	vld [tilespmem:s26+$0x8320]  }
0x2e: {  	v15 =	vld [tilespmem:s26+$0x8330]  }
0x2f: {  	v3 =	vld [tilespmem:s26+$0x8340]  }
0x30: {  	v2 =	vld [tilespmem:s26+$0x8350]  }
0x31: {  	v17 =	vld [tilespmem:s26+$0x8280]  }
0x32: {  	v18 =	vld [tilespmem:s26+$0x8290]  }
0x33: {  	v19 =	vld [tilespmem:s26+$0x82A0]  }
0x34: {  	v24 =	vld [tilespmem:s26+$0x82B0]  }
0x35: {  	v4 =	vld [tilespmem:s26+$0x82C0]  }
0x36: {  	v5 =	vld [tilespmem:s26+$0x82D0]  }
0x37: {  	v21 =	vld [tilespmem:s26+$0x8200]  }
0x38: {  	v22 =	vld [tilespmem:s26+$0x8210]  }
0x39: {  	v23 =	vld [tilespmem:s26+$0x8220]  }
0x3a: {  	v30 =	vld [tilespmem:s26+$0x8230]  }
0x3b: {  	v10 =	vld [tilespmem:s26+$0x8240]  }
0x3c: {  	v27 =	vld [tilespmem:s26+$0x8180]  }
0x3d: {  	v28 =	vld [tilespmem:s26+$0x8190]  }
0x3e: {  	v25 =	vld [tilespmem:s26+$0x8100]  }
0x3f: {  	v26 =	vld [tilespmem:s26+$0x8110]  }
0x40: {  	v11 =	vld [tilespmem:s26+$0x8080]  }
0x41: {  	v20 =	vld [tilespmem:s26+$0x8090]  }
0x42: {  	v29 =	vld [tilespmem:s26+$0x8000]  }
0x43: {  	v31 =	vld [tilespmem:s26+$0x8010]  }
0x44: {  	v32 =	vld [tilespmem:s26+$0x8020]  }
0x45: {  	v33 =	vld [tilespmem:s26+$0x8030]  }
0x46: {  	v34 =	vld [tilespmem:s26+$0x80A0]  }
0x47: {  	v35 =	vld [tilespmem:s26+$0x80B0]  }
0x48: {  	v12 =	vimm.f32 $0.0e+00;
	v36 =	vld [tilespmem:s26+$0x8120]  }
0x49: {  	v37 =	vld [tilespmem:s26+$0x8130];
	v29 =	vadd.f32 v29, v12;
	v31 =	vadd.f32 v31, v12  }
0x4a: {  	v38 =	vld [tilespmem:s26+$0x81A0];
	v32 =	vadd.f32 v32, v12;
	v33 =	vadd.f32 v33, v12  }
0x4b: {  	v39 =	vld [tilespmem:s26+$0x81B0];
	v29 =	vadd.f32 v11, v29;
	v31 =	vadd.f32 v20, v31  }
0x4c: {  	v11 =	vld [tilespmem:s26+$0x8250];
	v32 =	vadd.f32 v34, v32;
	v33 =	vadd.f32 v35, v33  }
0x4d: {  	v20 =	vld [tilespmem:s26+$0x81C0];
	v29 =	vadd.f32 v25, v29;
	v31 =	vadd.f32 v26, v31  }
0x4e: {  	v25 =	vld [tilespmem:s26+$0x81D0];
	v32 =	vadd.f32 v36, v32;
	v33 =	vadd.f32 v37, v33  }
0x4f: {  	v26 =	vld [tilespmem:s26+$0x8140];
	v29 =	vadd.f32 v27, v29;
	v31 =	vadd.f32 v28, v31  }
0x50: {  	v27 =	vld [tilespmem:s26+$0x8150];
	v32 =	vadd.f32 v38, v32;
	v33 =	vadd.f32 v39, v33  }
0x51: {  	v28 =	vld [tilespmem:s26+$0x80C0];
	v21 =	vadd.f32 v21, v29;
	v22 =	vadd.f32 v22, v31  }
0x52: {  	v29 =	vld [tilespmem:s26+$0x80D0];
	v23 =	vadd.f32 v23, v32;
	v63 =	vadd.f32 v30, v33  }
0x53: {  	v30 =	vld [tilespmem:s26+$0x8040];
	v21 =	vadd.f32 v17, v21;
	v22 =	vadd.f32 v18, v22  }
0x54: {  	v31 =	vld [tilespmem:s26+$0x8050];
	v23 =	vadd.f32 v19, v23;
	v24 =	vadd.f32 v24, v63  }
0x55: {  	s28 =	simm.s32 $0x1000;
	v32 =	vld [tilespmem:s26+$0x8060];
	v19 =	vimm.f32 $0.0e+00;
	v18 =	vimm.f32 $0.0e+00;
	v17 =	vimm.f32 $0.0e+00  }
.LBB2_3:
0x56: {  	p0 =	sne.s32 s28, $0x18000;
	v33 =	vld [tilespmem:s26+$0x8070];
	v14 =	vadd.f32 v14, v21;
	v16 =	vadd.f32 v16, v22  }
0x57: {  	v34 =	vld [tilespmem:s26+$0x80E0];
	v13 =	vadd.f32 v13, v23;
	v15 =	vadd.f32 v15, v24  }
0x58: {  	v35 =	vld [tilespmem:s26+$0x80F0];
	v21 =	vadd.f32 v6, v14;
	v22 =	vadd.f32 v7, v16  }
0x59: {  	v6 =	vld [tilespmem:s26+$0x8160];
	v23 =	vadd.f32 v8, v13;
	v24 =	vadd.f32 v9, v15  }
0x5a: {  	v7 =	vadd.f32 v30, v12;
	v8 =	vadd.f32 v31, v19;
	v9 =	vld [tilespmem:s26+$0x8170]  }
0x5b: {  	v12 =	vadd.f32 v32, v18;
	v13 =	vadd.f32 v33, v17;
	v14 =	vld [tilespmem:s26+$0x81E0]  }
0x5c: {  	v7 =	vadd.f32 v28, v7;
	v8 =	vadd.f32 v29, v8;
	v15 =	vld [tilespmem:s26+$0x81F0]  }
0x5d: {  	v12 =	vadd.f32 v34, v12;
	v13 =	vadd.f32 v35, v13;
	v16 =	vld [tilespmem:s26+$0x8260]  }
0x5e: {  	v7 =	vadd.f32 v26, v7;
	v8 =	vadd.f32 v27, v8;
	v17 =	vld [tilespmem:s26+$0x8270]  }
0x5f: {  	v6 =	vadd.f32 v6, v12;
	v9 =	vadd.f32 v9, v13;
	v12 =	vld [tilespmem:s26+$0x82E0]  }
0x60: {  	v7 =	vadd.f32 v20, v7;
	v8 =	vadd.f32 v25, v8;
	v13 =	vld [tilespmem:s26+$0x82F0]  }
0x61: {  	v6 =	vadd.f32 v14, v6;
	v9 =	vadd.f32 v15, v9;
	v14 =	vld [tilespmem:s26+$0x8360]  }
0x62: {  	v7 =	vadd.f32 v10, v7;
	v8 =	vadd.f32 v11, v8;
	v10 =	vld [tilespmem:s26+$0x8370]  }
0x63: {  	v11 =	vadd.f32 v16, v6;
	v9 =	vadd.f32 v17, v9;
	v15 =	vld [tilespmem:s26+$0x83E0]  }
0x64: {  	v4 =	vadd.f32 v4, v7;
	v5 =	vadd.f32 v5, v8;
	v16 =	vld [tilespmem:s26+$0x83F0];
	s26 =	sshra.s32 s28, $0x2  }
0x65: {  	v11 =	vadd.f32 v12, v11;
	v6 =	vld [tilespmem:s26+$0x8380];
	v9 =	vadd.f32 v13, v9  }
0x66: {  	v3 =	vadd.f32 v3, v4;
	v2 =	vadd.f32 v2, v5;
	v7 =	vld [tilespmem:s26+$0x8390]  }
0x67: {  	v4 =	vadd.f32 v14, v11;
	v8 =	vld [tilespmem:s26+$0x83A0];
	v5 =	vadd.f32 v10, v9  }
0x68: {  	v12 =	vadd.f32 v0, v3;
	v19 =	vadd.f32 v1, v2;
	v9 =	vld [tilespmem:s26+$0x83B0]  }
0x69: {  	v18 =	vadd.f32 v15, v4;
	v0 =	vld [tilespmem:s26+$0x83C0];
	v17 =	vadd.f32 v16, v5  }
0x6a: {  	v1 =	vld [tilespmem:s26+$0x83D0]  }
0x6b: {  	v14 =	vld [tilespmem:s26+$0x8300]  }
0x6c: {  	v16 =	vld [tilespmem:s26+$0x8310]  }
0x6d: {  	v13 =	vld [tilespmem:s26+$0x8320]  }
0x6e: {  	v15 =	vld [tilespmem:s26+$0x8330]  }
0x6f: {  	v3 =	vld [tilespmem:s26+$0x8340]  }
0x70: {  	v2 =	vld [tilespmem:s26+$0x8350]  }
0x71: {  	v32 =	vld [tilespmem:s26+$0x8280]  }
0x72: {  	v33 =	vld [tilespmem:s26+$0x8290]  }
0x73: {  	v34 =	vld [tilespmem:s26+$0x82A0]  }
0x74: {  	v35 =	vld [tilespmem:s26+$0x82B0]  }
0x75: {  	v4 =	vld [tilespmem:s26+$0x82C0]  }
0x76: {  	v5 =	vld [tilespmem:s26+$0x82D0]  }
0x77: {  	v30 =	vld [tilespmem:s26+$0x8200]  }
0x78: {  	v31 =	vld [tilespmem:s26+$0x8210]  }
0x79: {  	v36 =	vld [tilespmem:s26+$0x8220]  }
0x7a: {  	v37 =	vld [tilespmem:s26+$0x8230]  }
0x7b: {  	v10 =	vld [tilespmem:s26+$0x8240]  }
0x7c: {  	v11 =	vld [tilespmem:s26+$0x8250]  }
0x7d: {  	v28 =	vld [tilespmem:s26+$0x8180]  }
0x7e: {  	v29 =	vld [tilespmem:s26+$0x8190]  }
0x7f: {  	v25 =	vld [tilespmem:s26+$0x8100]  }
0x80: {  	v26 =	vld [tilespmem:s26+$0x8110]  }
0x81: {  	v20 =	vld [tilespmem:s26+$0x8080]  }
0x82: {  	v27 =	vld [tilespmem:s26+$0x8090]  }
0x83: {  	v38 =	vld [tilespmem:s26+$0x8000]  }
0x84: {  	v39 =	vld [tilespmem:s26+$0x8010]  }
0x85: {  	v40 =	vld [tilespmem:s26+$0x8020]  }
0x86: {  	v41 =	vld [tilespmem:s26+$0x8030]  }
0x87: {  	v42 =	vld [tilespmem:s26+$0x80A0]  }
0x88: {  	v43 =	vld [tilespmem:s26+$0x80B0]  }
0x89: {  	v44 =	vld [tilespmem:s26+$0x8120]  }
0x8a: {  	v21 =	vadd.f32 v38, v21;
	v22 =	vadd.f32 v39, v22;
	v38 =	vld [tilespmem:s26+$0x8130]  }
0x8b: {  	v23 =	vadd.f32 v40, v23;
	v24 =	vadd.f32 v41, v24;
	v39 =	vld [tilespmem:s26+$0x81A0]  }
0x8c: {  	v21 =	vadd.f32 v20, v21;
	v22 =	vadd.f32 v27, v22;
	v40 =	vld [tilespmem:s26+$0x81B0]  }
0x8d: {  	v23 =	vadd.f32 v42, v23;
	v24 =	vadd.f32 v43, v24;
	v20 =	vld [tilespmem:s26+$0x81C0]  }
0x8e: {  	v21 =	vadd.f32 v25, v21;
	v22 =	vadd.f32 v26, v22;
	v25 =	vld [tilespmem:s26+$0x81D0]  }
0x8f: {  	v23 =	vadd.f32 v44, v23;
	v24 =	vadd.f32 v38, v24;
	v26 =	vld [tilespmem:s26+$0x8140]  }
0x90: {  	v21 =	vadd.f32 v28, v21;
	v22 =	vadd.f32 v29, v22;
	v27 =	vld [tilespmem:s26+$0x8150]  }
.Ltmp0:
0x91: {  	v23 =	vadd.f32 v39, v23;
	v28 =	vld [tilespmem:s26+$0x80C0];
	v24 =	vadd.f32 v40, v24;
	(pc) =	sbr.rel @p0 .LBB2_3-.Ltmp0, $4  }
0x92: {  	v21 =	vadd.f32 v30, v21;
	v22 =	vadd.f32 v31, v22;
	v29 =	vld [tilespmem:s26+$0x80D0]  }
0x93: {  	v23 =	vadd.f32 v36, v23;
	v30 =	vld [tilespmem:s26+$0x8040];
	v24 =	vadd.f32 v37, v24  }
0x94: {  	v21 =	vadd.f32 v32, v21;
	v22 =	vadd.f32 v33, v22;
	v31 =	vld [tilespmem:s26+$0x8050]  }
0x95: {  	s28 =	sadd.s32 $0x1000, s28;
	v23 =	vadd.f32 v34, v23;
	v32 =	vld [tilespmem:s26+$0x8060];
	v24 =	vadd.f32 v35, v24  }
0x96: {  	v33 =	vld [tilespmem:s26+$0x8070];
	v14 =	vadd.f32 v14, v21;
	v16 =	vadd.f32 v16, v22  }
0x97: {  	v21 =	vld [tilespmem:s26+$0x80E0];
	v13 =	vadd.f32 v13, v23;
	v15 =	vadd.f32 v15, v24  }
0x98: {  	v22 =	vld [tilespmem:s26+$0x80F0];
	v6 =	vadd.f32 v6, v14;
	v7 =	vadd.f32 v7, v16  }
0x99: {  	v14 =	vld [tilespmem:s26+$0x8160];
	v12 =	vadd.f32 v30, v12;
	v8 =	vadd.f32 v8, v13  }
0x9a: {  	v9 =	vadd.f32 v9, v15;
	v13 =	vadd.f32 v31, v19;
	v15 =	vld [tilespmem:s26+$0x8170]  }
0x9b: {  	v19 =	vld [tilespmem:s26+$0x81F0];
	v16 =	vadd.f32 v32, v18;
	v12 =	vadd.f32 v28, v12  }
0x9c: {  	v18 =	vld [tilespmem:s26+$0x81E0];
	v17 =	vadd.f32 v33, v17;
	v13 =	vadd.f32 v29, v13  }
0x9d: {  	v16 =	vadd.f32 v21, v16;
	v21 =	vld [tilespmem:s26+$0x8260];
	v12 =	vadd.f32 v26, v12  }
0x9e: {  	v17 =	vadd.f32 v22, v17;
	v13 =	vadd.f32 v27, v13;
	v22 =	vld [tilespmem:s26+$0x8270]  }
0x9f: {  	v14 =	vadd.f32 v14, v16;
	v16 =	vld [tilespmem:s26+$0x82E0];
	v12 =	vadd.f32 v20, v12  }
0xa0: {  	v15 =	vadd.f32 v15, v17;
	v13 =	vadd.f32 v25, v13;
	v17 =	vld [tilespmem:s26+$0x82F0]  }
0xa1: {  	v14 =	vadd.f32 v18, v14;
	v18 =	vld [tilespmem:s26+$0x8360];
	v10 =	vadd.f32 v10, v12  }
0xa2: {  	s28 =	smul.u32 $0x600, s23;
	v12 =	vadd.f32 v19, v15;
	v11 =	vadd.f32 v11, v13;
	v13 =	vld [tilespmem:s26+$0x8370]  }
0xa3: {  	v15 =	vld [tilespmem:s26+$0x83E0];
	v14 =	vadd.f32 v21, v14;
	v4 =	vadd.f32 v4, v10  }
0xa4: {  	v10 =	vadd.f32 v22, v12;
	v5 =	vadd.f32 v5, v11;
	v11 =	vld [tilespmem:s26+$0x83F0];
	s26 =	sshra.s32 s28, $0x2  }
0xa5: {  	v12 =	vadd.f32 v16, v14;
	v3 =	vadd.f32 v3, v4;
	[tilespmem:s26+$0x1AC00] =	vst v6  }
0xa6: {  	[tilespmem:s26+$0x1AC10] =	vst v7;
	v4 =	vadd.f32 v17, v10;
	v2 =	vadd.f32 v2, v5  }
0xa7: {  	[tilespmem:s26+$0x1AC20] =	vst v8;
	v5 =	vadd.f32 v18, v12;
	v0 =	vadd.f32 v0, v3  }
0xa8: {  	[tilespmem:s26+$0x1AC30] =	vst v9;
	v3 =	vadd.f32 v13, v4;
	v1 =	vadd.f32 v1, v2  }
0xa9: {  	s28 =	sadd.s32 $0x3, s25;
	v2 =	vadd.f32 v15, v5;
	[tilespmem:s26+$0x1AC40] =	vst v0  }
0xaa: {  	s29 =	sshll.u32 s28, $0x8;
	s28 =	sshll.u32 s28, $0x7;
	v0 =	vadd.f32 v11, v3;
	[tilespmem:s26+$0x1AC50] =	vst v1  }
0xab: {  	s29 =	sand.u32 $0x1F800, s29;
	s28 =	sand.u32 $0x380, s28;
	[tilespmem:s26+$0x1AC60] =	vst v2  }
0xac: {  	s28 =	sor.u32 s28, s29;
	[tilespmem:s26+$0x1AC70] =	vst v0  }
0xad: {  	[tilespmem:s9], [sflag:$0x1] =	stream.indirect.gather [hbm4b:s2+s8], $0x80, s28, s8, $0xb8;
	[tilespmem:$0x1EC00] =	vst v63  }
0xae: {  	s28 =	sor.u32 $0x400, s28  }
0xaf: {  	[tilespmem:s12], [sflag:$0x1] =	stream.indirect.gather [hbm4b:s2+s10], $0x80, s28, s10, $0xb8;
	[tilespmem:$0x1EC00] =	vst v63  }
0xb0: {  	_ =	swait.ge [sflag:s19], $0x6400  }
0xb1: {  	[sflag:s19] =	ssyncset.done $0x0  }
0xb2: {  	s28 =	simm.s32 $0x0;
	[sflag:s19] =	ssyncadd.s32 $0xFFFF9C00  }
0xb3: {  	v6 =	vld [tilespmem:s28+$0xE780]  }
0xb4: {  	v7 =	vld [tilespmem:s28+$0xE790]  }
0xb5: {  	v8 =	vld [tilespmem:s28+$0xE7A0]  }
0xb6: {  	v9 =	vld [tilespmem:s28+$0xE7B0]  }
0xb7: {  	v0 =	vld [tilespmem:s28+$0xE7C0]  }
0xb8: {  	v1 =	vld [tilespmem:s28+$0xE7D0]  }
0xb9: {  	v14 =	vld [tilespmem:s28+$0xE700]  }
0xba: {  	v16 =	vld [tilespmem:s28+$0xE710]  }
0xbb: {  	v13 =	vld [tilespmem:s28+$0xE720]  }
0xbc: {  	v15 =	vld [tilespmem:s28+$0xE730]  }
0xbd: {  	v3 =	vld [tilespmem:s28+$0xE740]  }
0xbe: {  	v2 =	vld [tilespmem:s28+$0xE750]  }
0xbf: {  	v17 =	vld [tilespmem:s28+$0xE680]  }
0xc0: {  	v18 =	vld [tilespmem:s28+$0xE690]  }
0xc1: {  	v19 =	vld [tilespmem:s28+$0xE6A0]  }
0xc2: {  	v24 =	vld [tilespmem:s28+$0xE6B0]  }
0xc3: {  	v4 =	vld [tilespmem:s28+$0xE6C0]  }
0xc4: {  	v5 =	vld [tilespmem:s28+$0xE6D0]  }
0xc5: {  	v21 =	vld [tilespmem:s28+$0xE600]  }
0xc6: {  	v22 =	vld [tilespmem:s28+$0xE610]  }
0xc7: {  	v23 =	vld [tilespmem:s28+$0xE620]  }
0xc8: {  	v30 =	vld [tilespmem:s28+$0xE630]  }
0xc9: {  	v10 =	vld [tilespmem:s28+$0xE640]  }
0xca: {  	v27 =	vld [tilespmem:s28+$0xE580]  }
0xcb: {  	v28 =	vld [tilespmem:s28+$0xE590]  }
0xcc: {  	v25 =	vld [tilespmem:s28+$0xE500]  }
0xcd: {  	v26 =	vld [tilespmem:s28+$0xE510]  }
0xce: {  	v11 =	vld [tilespmem:s28+$0xE480]  }
0xcf: {  	v20 =	vld [tilespmem:s28+$0xE490]  }
0xd0: {  	v29 =	vld [tilespmem:s28+$0xE400]  }
0xd1: {  	v31 =	vld [tilespmem:s28+$0xE410]  }
0xd2: {  	v61 =	vld [tilespmem:s28+$0xE420]  }
0xd3: {  	v62 =	vld [tilespmem:s28+$0xE430]  }
0xd4: {  	v34 =	vld [tilespmem:s28+$0xE4A0]  }
0xd5: {  	v35 =	vld [tilespmem:s28+$0xE4B0]  }
0xd6: {  	v12 =	vimm.f32 $0.0e+00;
	v36 =	vld [tilespmem:s28+$0xE520]  }
0xd7: {  	v37 =	vld [tilespmem:s28+$0xE530];
	v29 =	vadd.f32 v29, v12;
	v31 =	vadd.f32 v31, v12  }
0xd8: {  	v38 =	vld [tilespmem:s28+$0xE5A0];
	v32 =	vadd.f32 v61, v12;
	v33 =	vadd.f32 v62, v12  }
0xd9: {  	v39 =	vld [tilespmem:s28+$0xE5B0];
	v29 =	vadd.f32 v11, v29;
	v31 =	vadd.f32 v20, v31  }
0xda: {  	v11 =	vld [tilespmem:s28+$0xE650];
	v32 =	vadd.f32 v34, v32;
	v33 =	vadd.f32 v35, v33  }
0xdb: {  	v20 =	vld [tilespmem:s28+$0xE5C0];
	v29 =	vadd.f32 v25, v29;
	v31 =	vadd.f32 v26, v31  }
0xdc: {  	v25 =	vld [tilespmem:s28+$0xE5D0];
	v32 =	vadd.f32 v36, v32;
	v33 =	vadd.f32 v37, v33  }
0xdd: {  	v26 =	vld [tilespmem:s28+$0xE540];
	v29 =	vadd.f32 v27, v29;
	v31 =	vadd.f32 v28, v31  }
0xde: {  	v27 =	vld [tilespmem:s28+$0xE550];
	v32 =	vadd.f32 v38, v32;
	v33 =	vadd.f32 v39, v33  }
0xdf: {  	v28 =	vld [tilespmem:s28+$0xE4C0];
	v21 =	vadd.f32 v21, v29;
	v22 =	vadd.f32 v22, v31  }
0xe0: {  	v29 =	vld [tilespmem:s28+$0xE4D0];
	v23 =	vadd.f32 v23, v32;
	v63 =	vadd.f32 v30, v33  }
0xe1: {  	v30 =	vld [tilespmem:s28+$0xE440];
	v21 =	vadd.f32 v17, v21;
	v22 =	vadd.f32 v18, v22  }
0xe2: {  	v31 =	vld [tilespmem:s28+$0xE450];
	v23 =	vadd.f32 v19, v23;
	v24 =	vadd.f32 v24, v63  }
0xe3: {  	s29 =	simm.s32 $0x1000;
	v32 =	vld [tilespmem:s28+$0xE460];
	v19 =	vimm.f32 $0.0e+00;
	v18 =	vimm.f32 $0.0e+00;
	v17 =	vimm.f32 $0.0e+00  }
.LBB2_5:
0xe4: {  	p0 =	sne.s32 s29, $0x18000;
	v33 =	vld [tilespmem:s28+$0xE470];
	v14 =	vadd.f32 v14, v21;
	v16 =	vadd.f32 v16, v22  }
0xe5: {  	v34 =	vld [tilespmem:s28+$0xE4E0];
	v13 =	vadd.f32 v13, v23;
	v15 =	vadd.f32 v15, v24  }
0xe6: {  	v35 =	vld [tilespmem:s28+$0xE4F0];
	v21 =	vadd.f32 v6, v14;
	v22 =	vadd.f32 v7, v16  }
0xe7: {  	v6 =	vld [tilespmem:s28+$0xE560];
	v23 =	vadd.f32 v8, v13;
	v24 =	vadd.f32 v9, v15  }
0xe8: {  	v7 =	vadd.f32 v30, v12;
	v8 =	vadd.f32 v31, v19;
	v9 =	vld [tilespmem:s28+$0xE570]  }
0xe9: {  	v12 =	vadd.f32 v32, v18;
	v13 =	vadd.f32 v33, v17;
	v14 =	vld [tilespmem:s28+$0xE5E0]  }
0xea: {  	v7 =	vadd.f32 v28, v7;
	v8 =	vadd.f32 v29, v8;
	v15 =	vld [tilespmem:s28+$0xE5F0]  }
0xeb: {  	v12 =	vadd.f32 v34, v12;
	v13 =	vadd.f32 v35, v13;
	v16 =	vld [tilespmem:s28+$0xE660]  }
0xec: {  	v7 =	vadd.f32 v26, v7;
	v8 =	vadd.f32 v27, v8;
	v17 =	vld [tilespmem:s28+$0xE670]  }
0xed: {  	v6 =	vadd.f32 v6, v12;
	v9 =	vadd.f32 v9, v13;
	v12 =	vld [tilespmem:s28+$0xE6E0]  }
0xee: {  	v7 =	vadd.f32 v20, v7;
	v8 =	vadd.f32 v25, v8;
	v13 =	vld [tilespmem:s28+$0xE6F0]  }
0xef: {  	v6 =	vadd.f32 v14, v6;
	v9 =	vadd.f32 v15, v9;
	v14 =	vld [tilespmem:s28+$0xE760]  }
0xf0: {  	v7 =	vadd.f32 v10, v7;
	v8 =	vadd.f32 v11, v8;
	v10 =	vld [tilespmem:s28+$0xE770]  }
0xf1: {  	v11 =	vadd.f32 v16, v6;
	v9 =	vadd.f32 v17, v9;
	v15 =	vld [tilespmem:s28+$0xE7E0]  }
0xf2: {  	v4 =	vadd.f32 v4, v7;
	v5 =	vadd.f32 v5, v8;
	v16 =	vld [tilespmem:s28+$0xE7F0];
	s28 =	sshra.s32 s29, $0x2  }
0xf3: {  	v11 =	vadd.f32 v12, v11;
	v6 =	vld [tilespmem:s28+$0xE780];
	v9 =	vadd.f32 v13, v9  }
0xf4: {  	v3 =	vadd.f32 v3, v4;
	v2 =	vadd.f32 v2, v5;
	v7 =	vld [tilespmem:s28+$0xE790]  }
0xf5: {  	v4 =	vadd.f32 v14, v11;
	v8 =	vld [tilespmem:s28+$0xE7A0];
	v5 =	vadd.f32 v10, v9  }
0xf6: {  	v12 =	vadd.f32 v0, v3;
	v19 =	vadd.f32 v1, v2;
	v9 =	vld [tilespmem:s28+$0xE7B0]  }
0xf7: {  	v18 =	vadd.f32 v15, v4;
	v0 =	vld [tilespmem:s28+$0xE7C0];
	v17 =	vadd.f32 v16, v5  }
0xf8: {  	v1 =	vld [tilespmem:s28+$0xE7D0]  }
0xf9: {  	v14 =	vld [tilespmem:s28+$0xE700]  }
0xfa: {  	v16 =	vld [tilespmem:s28+$0xE710]  }
0xfb: {  	v13 =	vld [tilespmem:s28+$0xE720]  }
0xfc: {  	v15 =	vld [tilespmem:s28+$0xE730]  }
0xfd: {  	v3 =	vld [tilespmem:s28+$0xE740]  }
0xfe: {  	v2 =	vld [tilespmem:s28+$0xE750]  }
0xff: {  	v32 =	vld [tilespmem:s28+$0xE680]  }
0x100: {  	v33 =	vld [tilespmem:s28+$0xE690]  }
0x101: {  	v34 =	vld [tilespmem:s28+$0xE6A0]  }
0x102: {  	v35 =	vld [tilespmem:s28+$0xE6B0]  }
0x103: {  	v4 =	vld [tilespmem:s28+$0xE6C0]  }
0x104: {  	v5 =	vld [tilespmem:s28+$0xE6D0]  }
0x105: {  	v30 =	vld [tilespmem:s28+$0xE600]  }
0x106: {  	v31 =	vld [tilespmem:s28+$0xE610]  }
0x107: {  	v36 =	vld [tilespmem:s28+$0xE620]  }
0x108: {  	v37 =	vld [tilespmem:s28+$0xE630]  }
0x109: {  	v10 =	vld [tilespmem:s28+$0xE640]  }
0x10a: {  	v11 =	vld [tilespmem:s28+$0xE650]  }
0x10b: {  	v28 =	vld [tilespmem:s28+$0xE580]  }
0x10c: {  	v29 =	vld [tilespmem:s28+$0xE590]  }
0x10d: {  	v25 =	vld [tilespmem:s28+$0xE500]  }
0x10e: {  	v26 =	vld [tilespmem:s28+$0xE510]  }
0x10f: {  	v20 =	vld [tilespmem:s28+$0xE480]  }
0x110: {  	v27 =	vld [tilespmem:s28+$0xE490]  }
0x111: {  	v38 =	vld [tilespmem:s28+$0xE400]  }
0x112: {  	v39 =	vld [tilespmem:s28+$0xE410]  }
0x113: {  	v40 =	vld [tilespmem:s28+$0xE420]  }
0x114: {  	v41 =	vld [tilespmem:s28+$0xE430]  }
0x115: {  	v42 =	vld [tilespmem:s28+$0xE4A0]  }
0x116: {  	v43 =	vld [tilespmem:s28+$0xE4B0]  }
0x117: {  	v44 =	vld [tilespmem:s28+$0xE520]  }
0x118: {  	v21 =	vadd.f32 v38, v21;
	v22 =	vadd.f32 v39, v22;
	v38 =	vld [tilespmem:s28+$0xE530]  }
0x119: {  	v23 =	vadd.f32 v40, v23;
	v24 =	vadd.f32 v41, v24;
	v39 =	vld [tilespmem:s28+$0xE5A0]  }
0x11a: {  	v21 =	vadd.f32 v20, v21;
	v22 =	vadd.f32 v27, v22;
	v40 =	vld [tilespmem:s28+$0xE5B0]  }
0x11b: {  	v23 =	vadd.f32 v42, v23;
	v24 =	vadd.f32 v43, v24;
	v20 =	vld [tilespmem:s28+$0xE5C0]  }
0x11c: {  	v21 =	vadd.f32 v25, v21;
	v22 =	vadd.f32 v26, v22;
	v25 =	vld [tilespmem:s28+$0xE5D0]  }
0x11d: {  	v23 =	vadd.f32 v44, v23;
	v24 =	vadd.f32 v38, v24;
	v26 =	vld [tilespmem:s28+$0xE540]  }
0x11e: {  	v21 =	vadd.f32 v28, v21;
	v22 =	vadd.f32 v29, v22;
	v27 =	vld [tilespmem:s28+$0xE550]  }
.Ltmp1:
0x11f: {  	v23 =	vadd.f32 v39, v23;
	v28 =	vld [tilespmem:s28+$0xE4C0];
	v24 =	vadd.f32 v40, v24;
	(pc) =	sbr.rel @p0 .LBB2_5-.Ltmp1, $4  }
0x120: {  	v21 =	vadd.f32 v30, v21;
	v22 =	vadd.f32 v31, v22;
	v29 =	vld [tilespmem:s28+$0xE4D0]  }
0x121: {  	v23 =	vadd.f32 v36, v23;
	v30 =	vld [tilespmem:s28+$0xE440];
	v24 =	vadd.f32 v37, v24  }
0x122: {  	v21 =	vadd.f32 v32, v21;
	v22 =	vadd.f32 v33, v22;
	v31 =	vld [tilespmem:s28+$0xE450]  }
0x123: {  	s29 =	sadd.s32 $0x1000, s29;
	v23 =	vadd.f32 v34, v23;
	v32 =	vld [tilespmem:s28+$0xE460];
	v24 =	vadd.f32 v35, v24  }
0x124: {  	v14 =	vadd.f32 v14, v21;
	v16 =	vadd.f32 v16, v22  }
0x125: {  	v33 =	vld [tilespmem:s28+$0xE470];
	v13 =	vadd.f32 v13, v23;
	v15 =	vadd.f32 v15, v24  }
0x126: {  	v21 =	vld [tilespmem:s28+$0xE4E0];
	v6 =	vadd.f32 v6, v14;
	v7 =	vadd.f32 v7, v16  }
0x127: {  	v22 =	vld [tilespmem:s28+$0xE4F0];
	v12 =	vadd.f32 v30, v12;
	v8 =	vadd.f32 v8, v13  }
0x128: {  	v14 =	vld [tilespmem:s28+$0xE560];
	v9 =	vadd.f32 v9, v15;
	v13 =	vadd.f32 v31, v19  }
0x129: {  	v15 =	vld [tilespmem:s28+$0xE570];
	v16 =	vadd.f32 v32, v18;
	v12 =	vadd.f32 v28, v12  }
0x12a: {  	v18 =	vld [tilespmem:s28+$0xE5E0];
	v17 =	vadd.f32 v33, v17;
	v13 =	vadd.f32 v29, v13  }
0x12b: {  	v19 =	vld [tilespmem:s28+$0xE5F0];
	v16 =	vadd.f32 v21, v16;
	v12 =	vadd.f32 v26, v12  }
0x12c: {  	v21 =	vld [tilespmem:s28+$0xE660];
	v17 =	vadd.f32 v22, v17;
	v13 =	vadd.f32 v27, v13  }
0x12d: {  	v22 =	vld [tilespmem:s28+$0xE670];
	v14 =	vadd.f32 v14, v16;
	v12 =	vadd.f32 v20, v12  }
0x12e: {  	v16 =	vld [tilespmem:s28+$0xE6E0];
	v15 =	vadd.f32 v15, v17;
	v13 =	vadd.f32 v25, v13  }
0x12f: {  	v17 =	vld [tilespmem:s28+$0xE6F0];
	v14 =	vadd.f32 v18, v14;
	v10 =	vadd.f32 v10, v12  }
0x130: {  	v18 =	vld [tilespmem:s28+$0xE760];
	v12 =	vadd.f32 v19, v15;
	v11 =	vadd.f32 v11, v13  }
0x131: {  	v13 =	vld [tilespmem:s28+$0xE770];
	v14 =	vadd.f32 v21, v14;
	v4 =	vadd.f32 v4, v10  }
0x132: {  	v15 =	vld [tilespmem:s28+$0xE7E0];
	v10 =	vadd.f32 v22, v12;
	v5 =	vadd.f32 v5, v11  }
0x133: {  	v11 =	vld [tilespmem:s28+$0xE7F0];
	[tilespmem:s26+$0x1AC80] =	vst v6;
	v12 =	vadd.f32 v16, v14;
	v3 =	vadd.f32 v3, v4  }
0x134: {  	[tilespmem:s26+$0x1AC90] =	vst v7;
	v4 =	vadd.f32 v17, v10;
	v2 =	vadd.f32 v2, v5  }
0x135: {  	[tilespmem:s26+$0x1ACA0] =	vst v8;
	v5 =	vadd.f32 v18, v12;
	v0 =	vadd.f32 v0, v3  }
0x136: {  	[tilespmem:s26+$0x1ACB0] =	vst v9;
	v3 =	vadd.f32 v13, v4;
	v1 =	vadd.f32 v1, v2  }
0x137: {  	s25 =	sadd.s32 $0x4, s25;
	v2 =	vadd.f32 v15, v5;
	[tilespmem:s26+$0x1ACC0] =	vst v0  }
0x138: {  	s31 =	sshll.u32 s25, $0x8;
	s25 =	sshll.u32 s25, $0x7;
	v0 =	vadd.f32 v11, v3;
	[tilespmem:s26+$0x1ACD0] =	vst v1  }
0x139: {  	s25 =	sand.u32 $0x380, s25;
	s28 =	sand.u32 $0x1F800, s31;
	[tilespmem:s26+$0x1ACE0] =	vst v2  }
0x13a: {  	s25 =	sor.u32 s25, s28;
	[tilespmem:s26+$0x1ACF0] =	vst v0  }
0x13b: {  	[tilespmem:s13], [sflag:$0x2] =	stream.indirect.gather [hbm4b:s2+s8], $0x80, s25, s8, $0xb8;
	[tilespmem:$0x1EC00] =	vst v63  }
0x13c: {  	s25 =	sor.u32 $0x400, s25  }
0x13d: {  	[tilespmem:s15], [sflag:$0x2] =	stream.indirect.gather [hbm4b:s2+s10], $0x80, s25, s10, $0xb8;
	[tilespmem:$0x1EC00] =	vst v63  }
0x13e: {  	_ =	swait.ge [sflag:s20], $0x6400  }
0x13f: {  	[sflag:s20] =	ssyncset.done $0x0  }
0x140: {  	s25 =	simm.s32 $0x0;
	[sflag:s20] =	ssyncadd.s32 $0xFFFF9C00  }
0x141: {  	v6 =	vld [tilespmem:s25+$0x14B80]  }
0x142: {  	v7 =	vld [tilespmem:s25+$0x14B90]  }
0x143: {  	v8 =	vld [tilespmem:s25+$0x14BA0]  }
0x144: {  	v9 =	vld [tilespmem:s25+$0x14BB0]  }
0x145: {  	v0 =	vld [tilespmem:s25+$0x14BC0]  }
0x146: {  	v1 =	vld [tilespmem:s25+$0x14BD0]  }
0x147: {  	v14 =	vld [tilespmem:s25+$0x14B00]  }
0x148: {  	v16 =	vld [tilespmem:s25+$0x14B10]  }
0x149: {  	v13 =	vld [tilespmem:s25+$0x14B20]  }
0x14a: {  	v15 =	vld [tilespmem:s25+$0x14B30]  }
0x14b: {  	v3 =	vld [tilespmem:s25+$0x14B40]  }
0x14c: {  	v2 =	vld [tilespmem:s25+$0x14B50]  }
0x14d: {  	v17 =	vld [tilespmem:s25+$0x14A80]  }
0x14e: {  	v18 =	vld [tilespmem:s25+$0x14A90]  }
0x14f: {  	v19 =	vld [tilespmem:s25+$0x14AA0]  }
0x150: {  	v24 =	vld [tilespmem:s25+$0x14AB0]  }
0x151: {  	v4 =	vld [tilespmem:s25+$0x14AC0]  }
0x152: {  	v5 =	vld [tilespmem:s25+$0x14AD0]  }
0x153: {  	v21 =	vld [tilespmem:s25+$0x14A00]  }
0x154: {  	v22 =	vld [tilespmem:s25+$0x14A10]  }
0x155: {  	v23 =	vld [tilespmem:s25+$0x14A20]  }
0x156: {  	v30 =	vld [tilespmem:s25+$0x14A30]  }
0x157: {  	v10 =	vld [tilespmem:s25+$0x14A40]  }
0x158: {  	v27 =	vld [tilespmem:s25+$0x14980]  }
0x159: {  	v28 =	vld [tilespmem:s25+$0x14990]  }
0x15a: {  	v25 =	vld [tilespmem:s25+$0x14900]  }
0x15b: {  	v26 =	vld [tilespmem:s25+$0x14910]  }
0x15c: {  	v11 =	vld [tilespmem:s25+$0x14880]  }
0x15d: {  	v20 =	vld [tilespmem:s25+$0x14890]  }
0x15e: {  	v29 =	vld [tilespmem:s25+$0x14800]  }
0x15f: {  	v31 =	vld [tilespmem:s25+$0x14810]  }
0x160: {  	v61 =	vld [tilespmem:s25+$0x14820]  }
0x161: {  	v62 =	vld [tilespmem:s25+$0x14830]  }
0x162: {  	v34 =	vld [tilespmem:s25+$0x148A0]  }
0x163: {  	v35 =	vld [tilespmem:s25+$0x148B0]  }
0x164: {  	v12 =	vimm.f32 $0.0e+00;
	v36 =	vld [tilespmem:s25+$0x14920]  }
0x165: {  	v37 =	vld [tilespmem:s25+$0x14930];
	v29 =	vadd.f32 v29, v12;
	v31 =	vadd.f32 v31, v12  }
0x166: {  	v38 =	vld [tilespmem:s25+$0x149A0];
	v32 =	vadd.f32 v61, v12;
	v33 =	vadd.f32 v62, v12  }
0x167: {  	v39 =	vld [tilespmem:s25+$0x149B0];
	v29 =	vadd.f32 v11, v29;
	v31 =	vadd.f32 v20, v31  }
0x168: {  	v11 =	vld [tilespmem:s25+$0x14A50];
	v32 =	vadd.f32 v34, v32;
	v33 =	vadd.f32 v35, v33  }
0x169: {  	v20 =	vld [tilespmem:s25+$0x149C0];
	v29 =	vadd.f32 v25, v29;
	v31 =	vadd.f32 v26, v31  }
0x16a: {  	v25 =	vld [tilespmem:s25+$0x149D0];
	v32 =	vadd.f32 v36, v32;
	v33 =	vadd.f32 v37, v33  }
0x16b: {  	v26 =	vld [tilespmem:s25+$0x14940];
	v29 =	vadd.f32 v27, v29;
	v31 =	vadd.f32 v28, v31  }
0x16c: {  	v27 =	vld [tilespmem:s25+$0x14950];
	v32 =	vadd.f32 v38, v32;
	v33 =	vadd.f32 v39, v33  }
0x16d: {  	v28 =	vld [tilespmem:s25+$0x148C0];
	v21 =	vadd.f32 v21, v29;
	v22 =	vadd.f32 v22, v31  }
0x16e: {  	v29 =	vld [tilespmem:s25+$0x148D0];
	v23 =	vadd.f32 v23, v32;
	v63 =	vadd.f32 v30, v33  }
0x16f: {  	v30 =	vld [tilespmem:s25+$0x14840];
	v21 =	vadd.f32 v17, v21;
	v22 =	vadd.f32 v18, v22  }
0x170: {  	v31 =	vld [tilespmem:s25+$0x14850];
	v23 =	vadd.f32 v19, v23;
	v24 =	vadd.f32 v24, v63  }
0x171: {  	s26 =	simm.s32 $0x1000;
	v32 =	vld [tilespmem:s25+$0x14860];
	v19 =	vimm.f32 $0.0e+00;
	v18 =	vimm.f32 $0.0e+00;
	v17 =	vimm.f32 $0.0e+00  }
.LBB2_7:
0x172: {  	p0 =	sne.s32 s26, $0x18000;
	v33 =	vld [tilespmem:s25+$0x14870];
	v14 =	vadd.f32 v14, v21;
	v16 =	vadd.f32 v16, v22  }
0x173: {  	v34 =	vld [tilespmem:s25+$0x148E0];
	v13 =	vadd.f32 v13, v23;
	v15 =	vadd.f32 v15, v24  }
0x174: {  	v35 =	vld [tilespmem:s25+$0x148F0];
	v21 =	vadd.f32 v6, v14;
	v22 =	vadd.f32 v7, v16  }
0x175: {  	v6 =	vld [tilespmem:s25+$0x14960];
	v23 =	vadd.f32 v8, v13;
	v24 =	vadd.f32 v9, v15  }
0x176: {  	v7 =	vadd.f32 v30, v12;
	v8 =	vadd.f32 v31, v19;
	v9 =	vld [tilespmem:s25+$0x14970]  }
0x177: {  	v12 =	vadd.f32 v32, v18;
	v13 =	vadd.f32 v33, v17;
	v14 =	vld [tilespmem:s25+$0x149E0]  }
0x178: {  	v7 =	vadd.f32 v28, v7;
	v8 =	vadd.f32 v29, v8;
	v15 =	vld [tilespmem:s25+$0x149F0]  }
0x179: {  	v12 =	vadd.f32 v34, v12;
	v13 =	vadd.f32 v35, v13;
	v16 =	vld [tilespmem:s25+$0x14A60]  }
0x17a: {  	v7 =	vadd.f32 v26, v7;
	v8 =	vadd.f32 v27, v8;
	v17 =	vld [tilespmem:s25+$0x14A70]  }
0x17b: {  	v6 =	vadd.f32 v6, v12;
	v9 =	vadd.f32 v9, v13;
	v12 =	vld [tilespmem:s25+$0x14AE0]  }
0x17c: {  	v7 =	vadd.f32 v20, v7;
	v8 =	vadd.f32 v25, v8;
	v13 =	vld [tilespmem:s25+$0x14AF0]  }
0x17d: {  	v6 =	vadd.f32 v14, v6;
	v9 =	vadd.f32 v15, v9;
	v14 =	vld [tilespmem:s25+$0x14B60]  }
0x17e: {  	v7 =	vadd.f32 v10, v7;
	v8 =	vadd.f32 v11, v8;
	v10 =	vld [tilespmem:s25+$0x14B70]  }
0x17f: {  	v11 =	vadd.f32 v16, v6;
	v9 =	vadd.f32 v17, v9;
	v15 =	vld [tilespmem:s25+$0x14BE0]  }
0x180: {  	v4 =	vadd.f32 v4, v7;
	v5 =	vadd.f32 v5, v8;
	v16 =	vld [tilespmem:s25+$0x14BF0];
	s25 =	sshra.s32 s26, $0x2  }
0x181: {  	v11 =	vadd.f32 v12, v11;
	v6 =	vld [tilespmem:s25+$0x14B80];
	v9 =	vadd.f32 v13, v9  }
0x182: {  	v3 =	vadd.f32 v3, v4;
	v2 =	vadd.f32 v2, v5;
	v7 =	vld [tilespmem:s25+$0x14B90]  }
0x183: {  	v4 =	vadd.f32 v14, v11;
	v8 =	vld [tilespmem:s25+$0x14BA0];
	v5 =	vadd.f32 v10, v9  }
0x184: {  	v12 =	vadd.f32 v0, v3;
	v19 =	vadd.f32 v1, v2;
	v9 =	vld [tilespmem:s25+$0x14BB0]  }
0x185: {  	v18 =	vadd.f32 v15, v4;
	v0 =	vld [tilespmem:s25+$0x14BC0];
	v17 =	vadd.f32 v16, v5  }
0x186: {  	v1 =	vld [tilespmem:s25+$0x14BD0]  }
0x187: {  	v14 =	vld [tilespmem:s25+$0x14B00]  }
0x188: {  	v16 =	vld [tilespmem:s25+$0x14B10]  }
0x189: {  	v13 =	vld [tilespmem:s25+$0x14B20]  }
0x18a: {  	v15 =	vld [tilespmem:s25+$0x14B30]  }
0x18b: {  	v3 =	vld [tilespmem:s25+$0x14B40]  }
0x18c: {  	v2 =	vld [tilespmem:s25+$0x14B50]  }
0x18d: {  	v32 =	vld [tilespmem:s25+$0x14A80]  }
0x18e: {  	v33 =	vld [tilespmem:s25+$0x14A90]  }
0x18f: {  	v34 =	vld [tilespmem:s25+$0x14AA0]  }
0x190: {  	v35 =	vld [tilespmem:s25+$0x14AB0]  }
0x191: {  	v4 =	vld [tilespmem:s25+$0x14AC0]  }
0x192: {  	v5 =	vld [tilespmem:s25+$0x14AD0]  }
0x193: {  	v30 =	vld [tilespmem:s25+$0x14A00]  }
0x194: {  	v31 =	vld [tilespmem:s25+$0x14A10]  }
0x195: {  	v36 =	vld [tilespmem:s25+$0x14A20]  }
0x196: {  	v37 =	vld [tilespmem:s25+$0x14A30]  }
0x197: {  	v10 =	vld [tilespmem:s25+$0x14A40]  }
0x198: {  	v11 =	vld [tilespmem:s25+$0x14A50]  }
0x199: {  	v28 =	vld [tilespmem:s25+$0x14980]  }
0x19a: {  	v29 =	vld [tilespmem:s25+$0x14990]  }
0x19b: {  	v25 =	vld [tilespmem:s25+$0x14900]  }
0x19c: {  	v26 =	vld [tilespmem:s25+$0x14910]  }
0x19d: {  	v20 =	vld [tilespmem:s25+$0x14880]  }
0x19e: {  	v27 =	vld [tilespmem:s25+$0x14890]  }
0x19f: {  	v38 =	vld [tilespmem:s25+$0x14800]  }
0x1a0: {  	v39 =	vld [tilespmem:s25+$0x14810]  }
0x1a1: {  	v40 =	vld [tilespmem:s25+$0x14820]  }
0x1a2: {  	v41 =	vld [tilespmem:s25+$0x14830]  }
0x1a3: {  	v42 =	vld [tilespmem:s25+$0x148A0]  }
0x1a4: {  	v43 =	vld [tilespmem:s25+$0x148B0]  }
0x1a5: {  	v44 =	vld [tilespmem:s25+$0x14920]  }
0x1a6: {  	v21 =	vadd.f32 v38, v21;
	v22 =	vadd.f32 v39, v22;
	v38 =	vld [tilespmem:s25+$0x14930]  }
0x1a7: {  	v23 =	vadd.f32 v40, v23;
	v24 =	vadd.f32 v41, v24;
	v39 =	vld [tilespmem:s25+$0x149A0]  }
0x1a8: {  	v21 =	vadd.f32 v20, v21;
	v22 =	vadd.f32 v27, v22;
	v40 =	vld [tilespmem:s25+$0x149B0]  }
0x1a9: {  	v23 =	vadd.f32 v42, v23;
	v24 =	vadd.f32 v43, v24;
	v20 =	vld [tilespmem:s25+$0x149C0]  }
0x1aa: {  	v21 =	vadd.f32 v25, v21;
	v22 =	vadd.f32 v26, v22;
	v25 =	vld [tilespmem:s25+$0x149D0]  }
0x1ab: {  	v23 =	vadd.f32 v44, v23;
	v24 =	vadd.f32 v38, v24;
	v26 =	vld [tilespmem:s25+$0x14940]  }
0x1ac: {  	v21 =	vadd.f32 v28, v21;
	v22 =	vadd.f32 v29, v22;
	v27 =	vld [tilespmem:s25+$0x14950]  }
.Ltmp2:
0x1ad: {  	v23 =	vadd.f32 v39, v23;
	v28 =	vld [tilespmem:s25+$0x148C0];
	v24 =	vadd.f32 v40, v24;
	(pc) =	sbr.rel @p0 .LBB2_7-.Ltmp2, $4  }
0x1ae: {  	v21 =	vadd.f32 v30, v21;
	v22 =	vadd.f32 v31, v22;
	v29 =	vld [tilespmem:s25+$0x148D0]  }
0x1af: {  	v23 =	vadd.f32 v36, v23;
	v30 =	vld [tilespmem:s25+$0x14840];
	v24 =	vadd.f32 v37, v24  }
0x1b0: {  	v21 =	vadd.f32 v32, v21;
	v22 =	vadd.f32 v33, v22;
	v31 =	vld [tilespmem:s25+$0x14850]  }
0x1b1: {  	s26 =	sadd.s32 $0x1000, s26;
	v23 =	vadd.f32 v34, v23;
	v32 =	vld [tilespmem:s25+$0x14860];
	v24 =	vadd.f32 v35, v24  }
0x1b2: {  	v14 =	vadd.f32 v14, v21;
	v16 =	vadd.f32 v16, v22  }
0x1b3: {  	v33 =	vld [tilespmem:s25+$0x14870];
	v13 =	vadd.f32 v13, v23;
	v15 =	vadd.f32 v15, v24  }
0x1b4: {  	v40 =	vld [tilespmem:s25+$0x148E0];
	v6 =	vadd.f32 v6, v14;
	v7 =	vadd.f32 v7, v16  }
0x1b5: {  	v41 =	vld [tilespmem:s25+$0x148F0];
	v12 =	vadd.f32 v30, v12;
	v8 =	vadd.f32 v8, v13  }
0x1b6: {  	v42 =	vld [tilespmem:s25+$0x14960];
	v9 =	vadd.f32 v9, v15;
	v43 =	vadd.f32 v31, v19  }
0x1b7: {  	v44 =	vld [tilespmem:s25+$0x14970];
	v45 =	vadd.f32 v32, v18;
	v12 =	vadd.f32 v28, v12  }
0x1b8: {  	v46 =	vld [tilespmem:s25+$0x149E0];
	v17 =	vadd.f32 v33, v17;
	v13 =	vadd.f32 v29, v43  }
0x1b9: {  	v47 =	vld [tilespmem:s25+$0x149F0];
	v16 =	vadd.f32 v40, v45;
	v12 =	vadd.f32 v26, v12  }
0x1ba: {  	v48 =	vld [tilespmem:s25+$0x14A60];
	v17 =	vadd.f32 v41, v17;
	v13 =	vadd.f32 v27, v13  }
0x1bb: {  	v49 =	vld [tilespmem:s25+$0x14A70];
	v14 =	vadd.f32 v42, v16;
	v12 =	vadd.f32 v20, v12  }
0x1bc: {  	v50 =	vld [tilespmem:s25+$0x14AE0];
	v15 =	vadd.f32 v44, v17;
	v13 =	vadd.f32 v25, v13  }
0x1bd: {  	v51 =	vld [tilespmem:s25+$0x14AF0];
	v14 =	vadd.f32 v46, v14;
	v10 =	vadd.f32 v10, v12  }
0x1be: {  	v52 =	vld [tilespmem:s25+$0x14B60];
	v53 =	vadd.f32 v47, v15;
	v11 =	vadd.f32 v11, v13  }
0x1bf: {  	v54 =	vld [tilespmem:s25+$0x14B70];
	v14 =	vadd.f32 v48, v14;
	v4 =	vadd.f32 v4, v10  }
0x1c0: {  	v55 =	vld [tilespmem:s25+$0x14BE0];
	v56 =	vadd.f32 v49, v53;
	v5 =	vadd.f32 v5, v11  }
0x1c1: {  	v57 =	vld [tilespmem:s25+$0x14BF0];
	[tilespmem:s24+$0x1AC00] =	vst v6;
	v58 =	vadd.f32 v50, v14;
	v3 =	vadd.f32 v3, v4  }
0x1c2: {  	s23 =	sadd.s32 $0x1, s23;
	[tilespmem:s24+$0x1AC10] =	vst v7;
	v59 =	vadd.f32 v51, v56;
	v2 =	vadd.f32 v2, v5  }
0x1c3: {  	p0 =	sne.s32 s23, $0x2A;
	[tilespmem:s24+$0x1AC20] =	vst v8;
	v60 =	vadd.f32 v52, v58;
	v0 =	vadd.f32 v0, v3  }
.Ltmp3:
0x1c4: {  	[tilespmem:s24+$0x1AC30] =	vst v9;
	v61 =	vadd.f32 v54, v59;
	v1 =	vadd.f32 v1, v2;
	(pc) =	sbr.rel @p0 .LBB2_2-.Ltmp3, $4  }
0x1c5: {  	v62 =	vadd.f32 v55, v60;
	[tilespmem:s24+$0x1AC40] =	vst v0  }
0x1c6: {  	v63 =	vadd.f32 v57, v61;
	[tilespmem:s24+$0x1AC50] =	vst v1  }
0x1c7: {  	[tilespmem:s24+$0x1AC60] =	vst v62  }
0x1c8: {  	[tilespmem:s24+$0x1AC70] =	vst v63  }
0x1c9: {  	_ =	swait.ge [sflag:s18], $0x6400  }
0x1ca: {  	[sflag:s18] =	ssyncset.done $0x0  }
0x1cb: {  	s23 =	simm.s32 $0x0;
	[sflag:s18] =	ssyncadd.s32 $0xFFFF9C00  }
0x1cc: {  	v6 =	vld [tilespmem:s23+$0x8380]  }
0x1cd: {  	v7 =	vld [tilespmem:s23+$0x8390]  }
0x1ce: {  	v8 =	vld [tilespmem:s23+$0x83A0]  }
0x1cf: {  	v9 =	vld [tilespmem:s23+$0x83B0]  }
0x1d0: {  	v0 =	vld [tilespmem:s23+$0x83C0]  }
0x1d1: {  	v1 =	vld [tilespmem:s23+$0x83D0]  }
0x1d2: {  	v14 =	vld [tilespmem:s23+$0x8300]  }
0x1d3: {  	v16 =	vld [tilespmem:s23+$0x8310]  }
0x1d4: {  	v13 =	vld [tilespmem:s23+$0x8320]  }
0x1d5: {  	v15 =	vld [tilespmem:s23+$0x8330]  }
0x1d6: {  	v3 =	vld [tilespmem:s23+$0x8340]  }
0x1d7: {  	v2 =	vld [tilespmem:s23+$0x8350]  }
0x1d8: {  	v17 =	vld [tilespmem:s23+$0x8280]  }
0x1d9: {  	v18 =	vld [tilespmem:s23+$0x8290]  }
0x1da: {  	v19 =	vld [tilespmem:s23+$0x82A0]  }
0x1db: {  	v24 =	vld [tilespmem:s23+$0x82B0]  }
0x1dc: {  	v4 =	vld [tilespmem:s23+$0x82C0]  }
0x1dd: {  	v5 =	vld [tilespmem:s23+$0x82D0]  }
0x1de: {  	v21 =	vld [tilespmem:s23+$0x8200]  }
0x1df: {  	v22 =	vld [tilespmem:s23+$0x8210]  }
0x1e0: {  	v23 =	vld [tilespmem:s23+$0x8220]  }
0x1e1: {  	v30 =	vld [tilespmem:s23+$0x8230]  }
0x1e2: {  	v10 =	vld [tilespmem:s23+$0x8240]  }
0x1e3: {  	v27 =	vld [tilespmem:s23+$0x8180]  }
0x1e4: {  	v28 =	vld [tilespmem:s23+$0x8190]  }
0x1e5: {  	v25 =	vld [tilespmem:s23+$0x8100]  }
0x1e6: {  	v26 =	vld [tilespmem:s23+$0x8110]  }
0x1e7: {  	v11 =	vld [tilespmem:s23+$0x8080]  }
0x1e8: {  	v20 =	vld [tilespmem:s23+$0x8090]  }
0x1e9: {  	v29 =	vld [tilespmem:s23+$0x8000]  }
0x1ea: {  	v31 =	vld [tilespmem:s23+$0x8010]  }
0x1eb: {  	v32 =	vld [tilespmem:s23+$0x8020]  }
0x1ec: {  	v33 =	vld [tilespmem:s23+$0x8030]  }
0x1ed: {  	v34 =	vld [tilespmem:s23+$0x80A0]  }
0x1ee: {  	v35 =	vld [tilespmem:s23+$0x80B0]  }
0x1ef: {  	v12 =	vimm.f32 $0.0e+00;
	v36 =	vld [tilespmem:s23+$0x8120]  }
0x1f0: {  	v37 =	vld [tilespmem:s23+$0x8130];
	v29 =	vadd.f32 v29, v12;
	v31 =	vadd.f32 v31, v12  }
0x1f1: {  	v38 =	vld [tilespmem:s23+$0x81A0];
	v32 =	vadd.f32 v32, v12;
	v33 =	vadd.f32 v33, v12  }
0x1f2: {  	v39 =	vld [tilespmem:s23+$0x81B0];
	v29 =	vadd.f32 v11, v29;
	v31 =	vadd.f32 v20, v31  }
0x1f3: {  	v11 =	vld [tilespmem:s23+$0x8250];
	v32 =	vadd.f32 v34, v32;
	v33 =	vadd.f32 v35, v33  }
0x1f4: {  	v20 =	vld [tilespmem:s23+$0x81C0];
	v29 =	vadd.f32 v25, v29;
	v31 =	vadd.f32 v26, v31  }
0x1f5: {  	v25 =	vld [tilespmem:s23+$0x81D0];
	v32 =	vadd.f32 v36, v32;
	v33 =	vadd.f32 v37, v33  }
0x1f6: {  	v26 =	vld [tilespmem:s23+$0x8140];
	v29 =	vadd.f32 v27, v29;
	v31 =	vadd.f32 v28, v31  }
0x1f7: {  	v27 =	vld [tilespmem:s23+$0x8150];
	v32 =	vadd.f32 v38, v32;
	v33 =	vadd.f32 v39, v33  }
0x1f8: {  	v28 =	vld [tilespmem:s23+$0x80C0];
	v21 =	vadd.f32 v21, v29;
	v22 =	vadd.f32 v22, v31  }
0x1f9: {  	v29 =	vld [tilespmem:s23+$0x80D0];
	v23 =	vadd.f32 v23, v32;
	v63 =	vadd.f32 v30, v33  }
0x1fa: {  	v30 =	vld [tilespmem:s23+$0x8040];
	v21 =	vadd.f32 v17, v21;
	v22 =	vadd.f32 v18, v22  }
0x1fb: {  	v31 =	vld [tilespmem:s23+$0x8050];
	v23 =	vadd.f32 v19, v23;
	v24 =	vadd.f32 v24, v63  }
0x1fc: {  	s24 =	simm.s32 $0x1000;
	v32 =	vld [tilespmem:s23+$0x8060];
	v19 =	vimm.f32 $0.0e+00;
	v18 =	vimm.f32 $0.0e+00;
	v17 =	vimm.f32 $0.0e+00  }
.LBB2_10:
0x1fd: {  	p0 =	sne.s32 s24, $0x18000;
	v33 =	vld [tilespmem:s23+$0x8070];
	v14 =	vadd.f32 v14, v21;
	v16 =	vadd.f32 v16, v22  }
0x1fe: {  	v34 =	vld [tilespmem:s23+$0x80E0];
	v13 =	vadd.f32 v13, v23;
	v15 =	vadd.f32 v15, v24  }
0x1ff: {  	v35 =	vld [tilespmem:s23+$0x80F0];
	v21 =	vadd.f32 v6, v14;
	v22 =	vadd.f32 v7, v16  }
0x200: {  	v6 =	vld [tilespmem:s23+$0x8160];
	v23 =	vadd.f32 v8, v13;
	v24 =	vadd.f32 v9, v15  }
0x201: {  	v7 =	vadd.f32 v30, v12;
	v8 =	vadd.f32 v31, v19;
	v9 =	vld [tilespmem:s23+$0x8170]  }
0x202: {  	v12 =	vadd.f32 v32, v18;
	v13 =	vadd.f32 v33, v17;
	v14 =	vld [tilespmem:s23+$0x81E0]  }
0x203: {  	v7 =	vadd.f32 v28, v7;
	v8 =	vadd.f32 v29, v8;
	v15 =	vld [tilespmem:s23+$0x81F0]  }
0x204: {  	v12 =	vadd.f32 v34, v12;
	v13 =	vadd.f32 v35, v13;
	v16 =	vld [tilespmem:s23+$0x8260]  }
0x205: {  	v7 =	vadd.f32 v26, v7;
	v8 =	vadd.f32 v27, v8;
	v17 =	vld [tilespmem:s23+$0x8270]  }
0x206: {  	v6 =	vadd.f32 v6, v12;
	v9 =	vadd.f32 v9, v13;
	v12 =	vld [tilespmem:s23+$0x82E0]  }
0x207: {  	v7 =	vadd.f32 v20, v7;
	v8 =	vadd.f32 v25, v8;
	v13 =	vld [tilespmem:s23+$0x82F0]  }
0x208: {  	v6 =	vadd.f32 v14, v6;
	v9 =	vadd.f32 v15, v9;
	v14 =	vld [tilespmem:s23+$0x8360]  }
0x209: {  	v7 =	vadd.f32 v10, v7;
	v8 =	vadd.f32 v11, v8;
	v10 =	vld [tilespmem:s23+$0x8370]  }
0x20a: {  	v11 =	vadd.f32 v16, v6;
	v9 =	vadd.f32 v17, v9;
	v15 =	vld [tilespmem:s23+$0x83E0]  }
0x20b: {  	v4 =	vadd.f32 v4, v7;
	v5 =	vadd.f32 v5, v8;
	v16 =	vld [tilespmem:s23+$0x83F0];
	s23 =	sshra.s32 s24, $0x2  }
0x20c: {  	v11 =	vadd.f32 v12, v11;
	v6 =	vld [tilespmem:s23+$0x8380];
	v9 =	vadd.f32 v13, v9  }
0x20d: {  	v3 =	vadd.f32 v3, v4;
	v2 =	vadd.f32 v2, v5;
	v7 =	vld [tilespmem:s23+$0x8390]  }
0x20e: {  	v4 =	vadd.f32 v14, v11;
	v8 =	vld [tilespmem:s23+$0x83A0];
	v5 =	vadd.f32 v10, v9  }
0x20f: {  	v12 =	vadd.f32 v0, v3;
	v19 =	vadd.f32 v1, v2;
	v9 =	vld [tilespmem:s23+$0x83B0]  }
0x210: {  	v18 =	vadd.f32 v15, v4;
	v0 =	vld [tilespmem:s23+$0x83C0];
	v17 =	vadd.f32 v16, v5  }
0x211: {  	v1 =	vld [tilespmem:s23+$0x83D0]  }
0x212: {  	v14 =	vld [tilespmem:s23+$0x8300]  }
0x213: {  	v16 =	vld [tilespmem:s23+$0x8310]  }
0x214: {  	v13 =	vld [tilespmem:s23+$0x8320]  }
0x215: {  	v15 =	vld [tilespmem:s23+$0x8330]  }
0x216: {  	v3 =	vld [tilespmem:s23+$0x8340]  }
0x217: {  	v2 =	vld [tilespmem:s23+$0x8350]  }
0x218: {  	v32 =	vld [tilespmem:s23+$0x8280]  }
0x219: {  	v33 =	vld [tilespmem:s23+$0x8290]  }
0x21a: {  	v34 =	vld [tilespmem:s23+$0x82A0]  }
0x21b: {  	v35 =	vld [tilespmem:s23+$0x82B0]  }
0x21c: {  	v4 =	vld [tilespmem:s23+$0x82C0]  }
0x21d: {  	v5 =	vld [tilespmem:s23+$0x82D0]  }
0x21e: {  	v30 =	vld [tilespmem:s23+$0x8200]  }
0x21f: {  	v31 =	vld [tilespmem:s23+$0x8210]  }
0x220: {  	v36 =	vld [tilespmem:s23+$0x8220]  }
0x221: {  	v37 =	vld [tilespmem:s23+$0x8230]  }
0x222: {  	v10 =	vld [tilespmem:s23+$0x8240]  }
0x223: {  	v11 =	vld [tilespmem:s23+$0x8250]  }
0x224: {  	v28 =	vld [tilespmem:s23+$0x8180]  }
0x225: {  	v29 =	vld [tilespmem:s23+$0x8190]  }
0x226: {  	v25 =	vld [tilespmem:s23+$0x8100]  }
0x227: {  	v26 =	vld [tilespmem:s23+$0x8110]  }
0x228: {  	v20 =	vld [tilespmem:s23+$0x8080]  }
0x229: {  	v27 =	vld [tilespmem:s23+$0x8090]  }
0x22a: {  	v38 =	vld [tilespmem:s23+$0x8000]  }
0x22b: {  	v39 =	vld [tilespmem:s23+$0x8010]  }
0x22c: {  	v40 =	vld [tilespmem:s23+$0x8020]  }
0x22d: {  	v41 =	vld [tilespmem:s23+$0x8030]  }
0x22e: {  	v42 =	vld [tilespmem:s23+$0x80A0]  }
0x22f: {  	v43 =	vld [tilespmem:s23+$0x80B0]  }
0x230: {  	v44 =	vld [tilespmem:s23+$0x8120]  }
0x231: {  	v21 =	vadd.f32 v38, v21;
	v22 =	vadd.f32 v39, v22;
	v38 =	vld [tilespmem:s23+$0x8130]  }
0x232: {  	v23 =	vadd.f32 v40, v23;
	v24 =	vadd.f32 v41, v24;
	v39 =	vld [tilespmem:s23+$0x81A0]  }
0x233: {  	v21 =	vadd.f32 v20, v21;
	v22 =	vadd.f32 v27, v22;
	v40 =	vld [tilespmem:s23+$0x81B0]  }
0x234: {  	v23 =	vadd.f32 v42, v23;
	v24 =	vadd.f32 v43, v24;
	v20 =	vld [tilespmem:s23+$0x81C0]  }
0x235: {  	v21 =	vadd.f32 v25, v21;
	v22 =	vadd.f32 v26, v22;
	v25 =	vld [tilespmem:s23+$0x81D0]  }
0x236: {  	v23 =	vadd.f32 v44, v23;
	v24 =	vadd.f32 v38, v24;
	v26 =	vld [tilespmem:s23+$0x8140]  }
0x237: {  	v21 =	vadd.f32 v28, v21;
	v22 =	vadd.f32 v29, v22;
	v27 =	vld [tilespmem:s23+$0x8150]  }
.Ltmp4:
0x238: {  	v23 =	vadd.f32 v39, v23;
	v28 =	vld [tilespmem:s23+$0x80C0];
	v24 =	vadd.f32 v40, v24;
	(pc) =	sbr.rel @p0 .LBB2_10-.Ltmp4, $4  }
0x239: {  	v21 =	vadd.f32 v30, v21;
	v22 =	vadd.f32 v31, v22;
	v29 =	vld [tilespmem:s23+$0x80D0]  }
0x23a: {  	v23 =	vadd.f32 v36, v23;
	v30 =	vld [tilespmem:s23+$0x8040];
	v24 =	vadd.f32 v37, v24  }
0x23b: {  	v21 =	vadd.f32 v32, v21;
	v22 =	vadd.f32 v33, v22;
	v31 =	vld [tilespmem:s23+$0x8050]  }
0x23c: {  	s24 =	sadd.s32 $0x1000, s24;
	v23 =	vadd.f32 v34, v23;
	v32 =	vld [tilespmem:s23+$0x8060];
	v24 =	vadd.f32 v35, v24  }
0x23d: {  	v14 =	vadd.f32 v14, v21;
	v16 =	vadd.f32 v16, v22  }
0x23e: {  	v33 =	vld [tilespmem:s23+$0x8070];
	v13 =	vadd.f32 v13, v23;
	v15 =	vadd.f32 v15, v24  }
0x23f: {  	v21 =	vld [tilespmem:s23+$0x80E0];
	v6 =	vadd.f32 v6, v14;
	v7 =	vadd.f32 v7, v16  }
0x240: {  	v22 =	vld [tilespmem:s23+$0x80F0];
	v12 =	vadd.f32 v30, v12;
	v8 =	vadd.f32 v8, v13  }
0x241: {  	v14 =	vld [tilespmem:s23+$0x8160];
	v9 =	vadd.f32 v9, v15;
	v13 =	vadd.f32 v31, v19  }
0x242: {  	v15 =	vld [tilespmem:s23+$0x8170];
	v16 =	vadd.f32 v32, v18;
	v12 =	vadd.f32 v28, v12  }
0x243: {  	v18 =	vld [tilespmem:s23+$0x81E0];
	v17 =	vadd.f32 v33, v17;
	v13 =	vadd.f32 v29, v13  }
0x244: {  	v19 =	vld [tilespmem:s23+$0x81F0];
	v16 =	vadd.f32 v21, v16;
	v12 =	vadd.f32 v26, v12  }
0x245: {  	v21 =	vld [tilespmem:s23+$0x8260];
	v17 =	vadd.f32 v22, v17;
	v13 =	vadd.f32 v27, v13  }
0x246: {  	v22 =	vld [tilespmem:s23+$0x8270];
	v14 =	vadd.f32 v14, v16;
	v12 =	vadd.f32 v20, v12  }
0x247: {  	v16 =	vld [tilespmem:s23+$0x82E0];
	v15 =	vadd.f32 v15, v17;
	v13 =	vadd.f32 v25, v13  }
0x248: {  	v17 =	vld [tilespmem:s23+$0x82F0];
	v14 =	vadd.f32 v18, v14;
	v10 =	vadd.f32 v10, v12  }
0x249: {  	v18 =	vld [tilespmem:s23+$0x8360];
	v12 =	vadd.f32 v19, v15;
	v11 =	vadd.f32 v11, v13  }
0x24a: {  	v13 =	vld [tilespmem:s23+$0x8370];
	v14 =	vadd.f32 v21, v14;
	v4 =	vadd.f32 v4, v10  }
0x24b: {  	v15 =	vld [tilespmem:s23+$0x83E0];
	v10 =	vadd.f32 v22, v12;
	v5 =	vadd.f32 v5, v11  }
0x24c: {  	v11 =	vld [tilespmem:s23+$0x83F0];
	[tilespmem:$0x1EB00] =	vst v6;
	v12 =	vadd.f32 v16, v14;
	v3 =	vadd.f32 v3, v4  }
0x24d: {  	[tilespmem:$0x1EB10] =	vst v7;
	v4 =	vadd.f32 v17, v10;
	v2 =	vadd.f32 v2, v5  }
0x24e: {  	[tilespmem:$0x1EB20] =	vst v8;
	v5 =	vadd.f32 v18, v12;
	v0 =	vadd.f32 v0, v3  }
0x24f: {  	[tilespmem:$0x1EB30] =	vst v9;
	v3 =	vadd.f32 v13, v4;
	v1 =	vadd.f32 v1, v2  }
0x250: {  	v2 =	vadd.f32 v15, v5;
	[tilespmem:$0x1EB40] =	vst v0  }
0x251: {  	v0 =	vadd.f32 v11, v3;
	[tilespmem:$0x1EB50] =	vst v1  }
0x252: {  	[tilespmem:$0x1EB60] =	vst v2  }
0x253: {  	[tilespmem:$0x1EB70] =	vst v0  }
0x254: {  	_ =	swait.ge [sflag:s19], $0x6400  }
0x255: {  	[sflag:s19] =	ssyncset.done $0x0  }
0x256: {  	s23 =	simm.s32 $0x0;
	[sflag:s19] =	ssyncadd.s32 $0xFFFF9C00  }
0x257: {  	v6 =	vld [tilespmem:s23+$0xE780]  }
0x258: {  	v7 =	vld [tilespmem:s23+$0xE790]  }
0x259: {  	v8 =	vld [tilespmem:s23+$0xE7A0]  }
0x25a: {  	v9 =	vld [tilespmem:s23+$0xE7B0]  }
0x25b: {  	v0 =	vld [tilespmem:s23+$0xE7C0]  }
0x25c: {  	v1 =	vld [tilespmem:s23+$0xE7D0]  }
0x25d: {  	v14 =	vld [tilespmem:s23+$0xE700]  }
0x25e: {  	v16 =	vld [tilespmem:s23+$0xE710]  }
0x25f: {  	v13 =	vld [tilespmem:s23+$0xE720]  }
0x260: {  	v15 =	vld [tilespmem:s23+$0xE730]  }
0x261: {  	v3 =	vld [tilespmem:s23+$0xE740]  }
0x262: {  	v2 =	vld [tilespmem:s23+$0xE750]  }
0x263: {  	v17 =	vld [tilespmem:s23+$0xE680]  }
0x264: {  	v18 =	vld [tilespmem:s23+$0xE690]  }
0x265: {  	v19 =	vld [tilespmem:s23+$0xE6A0]  }
0x266: {  	v24 =	vld [tilespmem:s23+$0xE6B0]  }
0x267: {  	v4 =	vld [tilespmem:s23+$0xE6C0]  }
0x268: {  	v5 =	vld [tilespmem:s23+$0xE6D0]  }
0x269: {  	v21 =	vld [tilespmem:s23+$0xE600]  }
0x26a: {  	v22 =	vld [tilespmem:s23+$0xE610]  }
0x26b: {  	v23 =	vld [tilespmem:s23+$0xE620]  }
0x26c: {  	v30 =	vld [tilespmem:s23+$0xE630]  }
0x26d: {  	v10 =	vld [tilespmem:s23+$0xE640]  }
0x26e: {  	v27 =	vld [tilespmem:s23+$0xE580]  }
0x26f: {  	v28 =	vld [tilespmem:s23+$0xE590]  }
0x270: {  	v25 =	vld [tilespmem:s23+$0xE500]  }
0x271: {  	v26 =	vld [tilespmem:s23+$0xE510]  }
0x272: {  	v11 =	vld [tilespmem:s23+$0xE480]  }
0x273: {  	v20 =	vld [tilespmem:s23+$0xE490]  }
0x274: {  	v29 =	vld [tilespmem:s23+$0xE400]  }
0x275: {  	v31 =	vld [tilespmem:s23+$0xE410]  }
0x276: {  	v61 =	vld [tilespmem:s23+$0xE420]  }
0x277: {  	v62 =	vld [tilespmem:s23+$0xE430]  }
0x278: {  	v34 =	vld [tilespmem:s23+$0xE4A0]  }
0x279: {  	v35 =	vld [tilespmem:s23+$0xE4B0]  }
0x27a: {  	v12 =	vimm.f32 $0.0e+00;
	v36 =	vld [tilespmem:s23+$0xE520]  }
0x27b: {  	v37 =	vld [tilespmem:s23+$0xE530];
	v29 =	vadd.f32 v29, v12;
	v31 =	vadd.f32 v31, v12  }
0x27c: {  	v38 =	vld [tilespmem:s23+$0xE5A0];
	v32 =	vadd.f32 v61, v12;
	v33 =	vadd.f32 v62, v12  }
0x27d: {  	v39 =	vld [tilespmem:s23+$0xE5B0];
	v29 =	vadd.f32 v11, v29;
	v31 =	vadd.f32 v20, v31  }
0x27e: {  	v11 =	vld [tilespmem:s23+$0xE650];
	v32 =	vadd.f32 v34, v32;
	v33 =	vadd.f32 v35, v33  }
0x27f: {  	v20 =	vld [tilespmem:s23+$0xE5C0];
	v29 =	vadd.f32 v25, v29;
	v31 =	vadd.f32 v26, v31  }
0x280: {  	v25 =	vld [tilespmem:s23+$0xE5D0];
	v32 =	vadd.f32 v36, v32;
	v33 =	vadd.f32 v37, v33  }
0x281: {  	v26 =	vld [tilespmem:s23+$0xE540];
	v29 =	vadd.f32 v27, v29;
	v31 =	vadd.f32 v28, v31  }
0x282: {  	v27 =	vld [tilespmem:s23+$0xE550];
	v32 =	vadd.f32 v38, v32;
	v33 =	vadd.f32 v39, v33  }
0x283: {  	v28 =	vld [tilespmem:s23+$0xE4C0];
	v21 =	vadd.f32 v21, v29;
	v22 =	vadd.f32 v22, v31  }
0x284: {  	v29 =	vld [tilespmem:s23+$0xE4D0];
	v23 =	vadd.f32 v23, v32;
	v63 =	vadd.f32 v30, v33  }
0x285: {  	v30 =	vld [tilespmem:s23+$0xE440];
	v21 =	vadd.f32 v17, v21;
	v22 =	vadd.f32 v18, v22  }
0x286: {  	v31 =	vld [tilespmem:s23+$0xE450];
	v23 =	vadd.f32 v19, v23;
	v24 =	vadd.f32 v24, v63  }
0x287: {  	s24 =	simm.s32 $0x1000;
	v32 =	vld [tilespmem:s23+$0xE460];
	v19 =	vimm.f32 $0.0e+00;
	v18 =	vimm.f32 $0.0e+00;
	v17 =	vimm.f32 $0.0e+00  }
.LBB2_12:
0x288: {  	p0 =	sne.s32 s24, $0x18000;
	v33 =	vld [tilespmem:s23+$0xE470];
	v14 =	vadd.f32 v14, v21;
	v16 =	vadd.f32 v16, v22  }
0x289: {  	v34 =	vld [tilespmem:s23+$0xE4E0];
	v13 =	vadd.f32 v13, v23;
	v15 =	vadd.f32 v15, v24  }
0x28a: {  	v35 =	vld [tilespmem:s23+$0xE4F0];
	v21 =	vadd.f32 v6, v14;
	v22 =	vadd.f32 v7, v16  }
0x28b: {  	v6 =	vld [tilespmem:s23+$0xE560];
	v23 =	vadd.f32 v8, v13;
	v24 =	vadd.f32 v9, v15  }
0x28c: {  	v7 =	vadd.f32 v30, v12;
	v8 =	vadd.f32 v31, v19;
	v9 =	vld [tilespmem:s23+$0xE570]  }
0x28d: {  	v12 =	vadd.f32 v32, v18;
	v13 =	vadd.f32 v33, v17;
	v14 =	vld [tilespmem:s23+$0xE5E0]  }
0x28e: {  	v7 =	vadd.f32 v28, v7;
	v8 =	vadd.f32 v29, v8;
	v15 =	vld [tilespmem:s23+$0xE5F0]  }
0x28f: {  	v12 =	vadd.f32 v34, v12;
	v13 =	vadd.f32 v35, v13;
	v16 =	vld [tilespmem:s23+$0xE660]  }
0x290: {  	v7 =	vadd.f32 v26, v7;
	v8 =	vadd.f32 v27, v8;
	v17 =	vld [tilespmem:s23+$0xE670]  }
0x291: {  	v6 =	vadd.f32 v6, v12;
	v9 =	vadd.f32 v9, v13;
	v12 =	vld [tilespmem:s23+$0xE6E0]  }
0x292: {  	v7 =	vadd.f32 v20, v7;
	v8 =	vadd.f32 v25, v8;
	v13 =	vld [tilespmem:s23+$0xE6F0]  }
0x293: {  	v6 =	vadd.f32 v14, v6;
	v9 =	vadd.f32 v15, v9;
	v14 =	vld [tilespmem:s23+$0xE760]  }
0x294: {  	v7 =	vadd.f32 v10, v7;
	v8 =	vadd.f32 v11, v8;
	v10 =	vld [tilespmem:s23+$0xE770]  }
0x295: {  	v11 =	vadd.f32 v16, v6;
	v9 =	vadd.f32 v17, v9;
	v15 =	vld [tilespmem:s23+$0xE7E0]  }
0x296: {  	v4 =	vadd.f32 v4, v7;
	v5 =	vadd.f32 v5, v8;
	v16 =	vld [tilespmem:s23+$0xE7F0];
	s23 =	sshra.s32 s24, $0x2  }
0x297: {  	v11 =	vadd.f32 v12, v11;
	v6 =	vld [tilespmem:s23+$0xE780];
	v9 =	vadd.f32 v13, v9  }
0x298: {  	v3 =	vadd.f32 v3, v4;
	v2 =	vadd.f32 v2, v5;
	v7 =	vld [tilespmem:s23+$0xE790]  }
0x299: {  	v4 =	vadd.f32 v14, v11;
	v8 =	vld [tilespmem:s23+$0xE7A0];
	v5 =	vadd.f32 v10, v9  }
0x29a: {  	v12 =	vadd.f32 v0, v3;
	v19 =	vadd.f32 v1, v2;
	v9 =	vld [tilespmem:s23+$0xE7B0]  }
0x29b: {  	v18 =	vadd.f32 v15, v4;
	v0 =	vld [tilespmem:s23+$0xE7C0];
	v17 =	vadd.f32 v16, v5  }
0x29c: {  	v1 =	vld [tilespmem:s23+$0xE7D0]  }
0x29d: {  	v14 =	vld [tilespmem:s23+$0xE700]  }
0x29e: {  	v16 =	vld [tilespmem:s23+$0xE710]  }
0x29f: {  	v13 =	vld [tilespmem:s23+$0xE720]  }
0x2a0: {  	v15 =	vld [tilespmem:s23+$0xE730]  }
0x2a1: {  	v3 =	vld [tilespmem:s23+$0xE740]  }
0x2a2: {  	v2 =	vld [tilespmem:s23+$0xE750]  }
0x2a3: {  	v32 =	vld [tilespmem:s23+$0xE680]  }
0x2a4: {  	v33 =	vld [tilespmem:s23+$0xE690]  }
0x2a5: {  	v34 =	vld [tilespmem:s23+$0xE6A0]  }
0x2a6: {  	v35 =	vld [tilespmem:s23+$0xE6B0]  }
0x2a7: {  	v4 =	vld [tilespmem:s23+$0xE6C0]  }
0x2a8: {  	v5 =	vld [tilespmem:s23+$0xE6D0]  }
0x2a9: {  	v30 =	vld [tilespmem:s23+$0xE600]  }
0x2aa: {  	v31 =	vld [tilespmem:s23+$0xE610]  }
0x2ab: {  	v36 =	vld [tilespmem:s23+$0xE620]  }
0x2ac: {  	v37 =	vld [tilespmem:s23+$0xE630]  }
0x2ad: {  	v10 =	vld [tilespmem:s23+$0xE640]  }
0x2ae: {  	v11 =	vld [tilespmem:s23+$0xE650]  }
0x2af: {  	v28 =	vld [tilespmem:s23+$0xE580]  }
0x2b0: {  	v29 =	vld [tilespmem:s23+$0xE590]  }
0x2b1: {  	v25 =	vld [tilespmem:s23+$0xE500]  }
0x2b2: {  	v26 =	vld [tilespmem:s23+$0xE510]  }
0x2b3: {  	v20 =	vld [tilespmem:s23+$0xE480]  }
0x2b4: {  	v27 =	vld [tilespmem:s23+$0xE490]  }
0x2b5: {  	v38 =	vld [tilespmem:s23+$0xE400]  }
0x2b6: {  	v39 =	vld [tilespmem:s23+$0xE410]  }
0x2b7: {  	v40 =	vld [tilespmem:s23+$0xE420]  }
0x2b8: {  	v41 =	vld [tilespmem:s23+$0xE430]  }
0x2b9: {  	v42 =	vld [tilespmem:s23+$0xE4A0]  }
0x2ba: {  	v43 =	vld [tilespmem:s23+$0xE4B0]  }
0x2bb: {  	v44 =	vld [tilespmem:s23+$0xE520]  }
0x2bc: {  	v21 =	vadd.f32 v38, v21;
	v22 =	vadd.f32 v39, v22;
	v38 =	vld [tilespmem:s23+$0xE530]  }
0x2bd: {  	v23 =	vadd.f32 v40, v23;
	v24 =	vadd.f32 v41, v24;
	v39 =	vld [tilespmem:s23+$0xE5A0]  }
0x2be: {  	v21 =	vadd.f32 v20, v21;
	v22 =	vadd.f32 v27, v22;
	v40 =	vld [tilespmem:s23+$0xE5B0]  }
0x2bf: {  	v23 =	vadd.f32 v42, v23;
	v24 =	vadd.f32 v43, v24;
	v20 =	vld [tilespmem:s23+$0xE5C0]  }
0x2c0: {  	v21 =	vadd.f32 v25, v21;
	v22 =	vadd.f32 v26, v22;
	v25 =	vld [tilespmem:s23+$0xE5D0]  }
0x2c1: {  	v23 =	vadd.f32 v44, v23;
	v24 =	vadd.f32 v38, v24;
	v26 =	vld [tilespmem:s23+$0xE540]  }
0x2c2: {  	v21 =	vadd.f32 v28, v21;
	v22 =	vadd.f32 v29, v22;
	v27 =	vld [tilespmem:s23+$0xE550]  }
.Ltmp5:
0x2c3: {  	v23 =	vadd.f32 v39, v23;
	v28 =	vld [tilespmem:s23+$0xE4C0];
	v24 =	vadd.f32 v40, v24;
	(pc) =	sbr.rel @p0 .LBB2_12-.Ltmp5, $4  }
0x2c4: {  	v21 =	vadd.f32 v30, v21;
	v22 =	vadd.f32 v31, v22;
	v29 =	vld [tilespmem:s23+$0xE4D0]  }
0x2c5: {  	v23 =	vadd.f32 v36, v23;
	v30 =	vld [tilespmem:s23+$0xE440];
	v24 =	vadd.f32 v37, v24  }
0x2c6: {  	v21 =	vadd.f32 v32, v21;
	v22 =	vadd.f32 v33, v22;
	v31 =	vld [tilespmem:s23+$0xE450]  }
0x2c7: {  	s24 =	sadd.s32 $0x1000, s24;
	v23 =	vadd.f32 v34, v23;
	v32 =	vld [tilespmem:s23+$0xE460];
	v24 =	vadd.f32 v35, v24  }
0x2c8: {  	v14 =	vadd.f32 v14, v21;
	v16 =	vadd.f32 v16, v22  }
0x2c9: {  	v33 =	vld [tilespmem:s23+$0xE470];
	v13 =	vadd.f32 v13, v23;
	v15 =	vadd.f32 v15, v24  }
0x2ca: {  	v40 =	vld [tilespmem:s23+$0xE4E0];
	v6 =	vadd.f32 v6, v14;
	v7 =	vadd.f32 v7, v16  }
0x2cb: {  	v41 =	vld [tilespmem:s23+$0xE4F0];
	v12 =	vadd.f32 v30, v12;
	v8 =	vadd.f32 v8, v13  }
0x2cc: {  	v42 =	vld [tilespmem:s23+$0xE560];
	v9 =	vadd.f32 v9, v15;
	v43 =	vadd.f32 v31, v19  }
0x2cd: {  	v44 =	vld [tilespmem:s23+$0xE570];
	v45 =	vadd.f32 v32, v18;
	v12 =	vadd.f32 v28, v12  }
0x2ce: {  	v46 =	vld [tilespmem:s23+$0xE5E0];
	v17 =	vadd.f32 v33, v17;
	v13 =	vadd.f32 v29, v43  }
0x2cf: {  	v47 =	vld [tilespmem:s23+$0xE5F0];
	v16 =	vadd.f32 v40, v45;
	v12 =	vadd.f32 v26, v12  }
0x2d0: {  	v48 =	vld [tilespmem:s23+$0xE660];
	v17 =	vadd.f32 v41, v17;
	v13 =	vadd.f32 v27, v13  }
0x2d1: {  	v49 =	vld [tilespmem:s23+$0xE670];
	v14 =	vadd.f32 v42, v16;
	v12 =	vadd.f32 v20, v12  }
0x2d2: {  	v50 =	vld [tilespmem:s23+$0xE6E0];
	v15 =	vadd.f32 v44, v17;
	v13 =	vadd.f32 v25, v13  }
0x2d3: {  	v51 =	vld [tilespmem:s23+$0xE6F0];
	v14 =	vadd.f32 v46, v14;
	v10 =	vadd.f32 v10, v12  }
0x2d4: {  	v52 =	vld [tilespmem:s23+$0xE760];
	v53 =	vadd.f32 v47, v15;
	v11 =	vadd.f32 v11, v13  }
0x2d5: {  	v54 =	vld [tilespmem:s23+$0xE770];
	v14 =	vadd.f32 v48, v14;
	v4 =	vadd.f32 v4, v10  }
0x2d6: {  	v55 =	vld [tilespmem:s23+$0xE7E0];
	v56 =	vadd.f32 v49, v53;
	v5 =	vadd.f32 v5, v11  }
0x2d7: {  	v57 =	vld [tilespmem:s23+$0xE7F0];
	[tilespmem:$0x1EB80] =	vst v6;
	v58 =	vadd.f32 v50, v14;
	v3 =	vadd.f32 v3, v4  }
0x2d8: {  	[tilespmem:$0x1EB90] =	vst v7;
	v59 =	vadd.f32 v51, v56;
	v2 =	vadd.f32 v2, v5  }
0x2d9: {  	[tilespmem:$0x1EBA0] =	vst v8;
	v60 =	vadd.f32 v52, v58;
	v0 =	vadd.f32 v0, v3  }
0x2da: {  	[tilespmem:$0x1EBB0] =	vst v9;
	v61 =	vadd.f32 v54, v59;
	v1 =	vadd.f32 v1, v2  }
0x2db: {  	v62 =	vadd.f32 v55, v60;
	[tilespmem:$0x1EBC0] =	vst v0  }
0x2dc: {  	s22 =	sadd.s32 $0x1, s22;
	v63 =	vadd.f32 v57, v61;
	[tilespmem:$0x1EBD0] =	vst v1  }
0x2dd: {  	p0 =	sne.s32 s22, s6;
	[tilespmem:$0x1EBE0] =	vst v62  }
.Ltmp6:
0x2de: {  	[tilespmem:$0x1EBF0] =	vst v63;
	(pc) =	sbr.rel @p0 .LBB2_1-.Ltmp6, $4  }
0x2df: {  	[hbm4b:s5+s3] =	stream.linear.scatter [tilespmem:s21], [sflag:$0x4], $0x4000, $0x38;
	[tilespmem:$0x1EC00] =	vst v63  }
0x2e0: {  	_ =	swait.ge [sflag:s7], $0x4000  }
0x2e1: {  	[sflag:s7] =	ssyncset.done $0x0  }
0x2e2: {  	[sflag:s7] =	ssyncadd.s32 $0xFFFFC000  }
0x2e3: {  	_ =	sfence.sel $0x180000  }
0x2e4: {  	[bflag:$0x0] =	sbarrier.arrive $0xFFFF  }
0x2e5: {  	p0 =	sne.s32 s1, $0x0;
	_ =	strace $0x90000047  }
0x2e6: {  	s0 =	sadd.s32 @!p0 $0x100000, s0;
	[bflag:$0x2] =	sbarrier.arrive $0xFFFF  }
0x2e7: {  	[sflag:s0] =	ssyncadd.tile.s32 @!p0 $0x1;
	_ =	shalt  }
.Lfunc_end2:
_tile_overlayer_lowered:
.L_overlay_start_2:
0x2e8: {  	(tag) =	ssettag $0x2  }
0x2e9: {  	s0 =	rddreg [dreg:$0x0];
	s2 =	stileid.u32  }
0x2ea: {  	s1 =	rddreg [dreg:$0x1];
	p0 =	sne.s32 s2, $0x0  }
0x2eb: {  	s3 =	rddreg [dreg:$0x2];
	[bflag:$0x3] =	sbarrier.arrive $0xFFFF;
	s2 =	simm.s32 @!p0 $0x1C04  }
0x2ec: {  	[timem:s3], [sflag:s2] =	dma.local @!p0 [hbm:s0], s1  }
0x2ed: {  	s0 =	simm.s32 @!p0 $0x4  }
0x2ee: {  	_ =	swait.ge @!p0 [sflag:s0], s1  }
0x2ef: {  	s1 =	ssub.s32 @!p0 $0x0, s1;
	[sflag:s0] =	ssyncset.done @!p0 $0x0  }
0x2f0: {  	[sflag:s0] =	ssyncadd.s32 @!p0 s1  }
0x2f1: {  	[bflag:$0x3] =	sbarrier.arrive $0xFFFF  }
0x2f2: {  	_ =	shalt  }

</sc_bundles>
